<compile_context>
chip_gen: v7x
topology: tpu7x:2x2x1
jax: 0.10.2.dev20260603
libtpu: 0.0.44.dev20260713+nightly
codegen_flags: <defaults>
</compile_context>

<pallas_src>
import functools

import jax
import jax.numpy as jnp
from jax import lax
from jax.experimental import pallas as pl
from jax.experimental.pallas import tpu as pltpu
from jax.experimental.pallas import tpu_sc as plsc

N = 10000
E = 320000
D = 128
NC = 2
NS = 16
NW = NC * NS
CH = 128
NCHUNK = 80
E2 = NW * NCHUNK * CH
NH = NCHUNK // 2
NPAD = 10240
RPT = NPAD // NS
ZR = 128
DegW = 16
BR = 1000
L = 16


def _fill_const(ref, rows, width, value):
    @pl.loop(0, rows * (width // L))
    def _(i):
        r = i // (width // L)
        c = i % (width // L)
        ref[r, pl.ds(c * L, L)] = jnp.full((L,), value, jnp.float32)


def _deg_body(dst3_hbm, out_hbm, deg_sh, ones_v, idx_v, zbuf_v):
    c = lax.axis_index("c")
    s = lax.axis_index("s")
    wid = c * NS + s
    @pl.loop(0, (CH + L - 1) // L)
    def _(i):
        off = jnp.minimum(i * L, CH - L)
        ones_v[pl.ds(off, L)] = jnp.full((L,), 1.0, jnp.float32)
    @pl.loop(0, RPT // L)
    def _(i):
        zbuf_v[pl.ds(i * L, L)] = jnp.zeros((L,), jnp.float32)
    pltpu.sync_copy(zbuf_v, deg_sh.at[pl.ds(s * RPT, RPT)])
    pltpu.sync_copy(dst3_hbm.at[wid], idx_v)
    plsc.subcore_barrier()
    @pl.loop(0, NCHUNK)
    def _(k):
        pltpu.sync_copy(ones_v, deg_sh.at[idx_v.at[k]], add=True)
    plsc.subcore_barrier()
    pltpu.sync_copy(deg_sh.at[pl.ds(s * RPT, RPT)],
                    out_hbm.at[pl.ds(c * NPAD + s * RPT, RPT)])


def _agg_body(src3_hbm, dst3_hbm, tbl_hbm, out_hbm,
              acc_sh, sidx_v, didx_v, rows0, rows1, sg0, sg1):
    c = lax.axis_index("c")
    s = lax.axis_index("s")
    wid = c * NS + s
    _fill_const(rows0, CH, D, 0.0)
    @pl.loop(0, RPT // CH)
    def _(j):
        pltpu.sync_copy(rows0, acc_sh.at[pl.ds(s * RPT + j * CH, CH)])
    plsc.subcore_barrier()
    for h in range(2):
        pltpu.sync_copy(src3_hbm.at[wid, pl.ds(h * NH, NH)], sidx_v)
        pltpu.sync_copy(dst3_hbm.at[wid, pl.ds(h * NH, NH)], didx_v)
        pltpu.async_copy(tbl_hbm.at[sidx_v.at[0]], rows0, sg0)
        @pl.loop(0, NH - 2, step=2)
        def _(k):
            pltpu.async_copy(tbl_hbm.at[sidx_v.at[k + 1]], rows1, sg1)
            pltpu.make_async_copy(tbl_hbm.at[sidx_v.at[k]], rows0, sg0).wait()
            pltpu.sync_copy(rows0, acc_sh.at[didx_v.at[k]], add=True)
            pltpu.async_copy(tbl_hbm.at[sidx_v.at[k + 2]], rows0, sg0)
            pltpu.make_async_copy(tbl_hbm.at[sidx_v.at[k + 1]], rows1, sg1).wait()
            pltpu.sync_copy(rows1, acc_sh.at[didx_v.at[k + 1]], add=True)
        pltpu.async_copy(tbl_hbm.at[sidx_v.at[NH - 1]], rows1, sg1)
        pltpu.make_async_copy(tbl_hbm.at[sidx_v.at[NH - 2]], rows0, sg0).wait()
        pltpu.sync_copy(rows0, acc_sh.at[didx_v.at[NH - 2]], add=True)
        pltpu.make_async_copy(tbl_hbm.at[sidx_v.at[NH - 1]], rows1, sg1).wait()
        pltpu.sync_copy(rows1, acc_sh.at[didx_v.at[NH - 1]], add=True)
    plsc.subcore_barrier()
    pltpu.sync_copy(acc_sh.at[pl.ds(s * RPT, RPT)],
                    out_hbm.at[pl.ds(c * NPAD + s * RPT, RPT)])


_SC_MESH = plsc.VectorSubcoreMesh(
    core_axis_name="c", subcore_axis_name="s", num_cores=NC, num_subcores=NS)

_deg_call = pl.kernel(
    _deg_body,
    out_type=jax.ShapeDtypeStruct((NC * NPAD,), jnp.float32),
    mesh=_SC_MESH,
    scratch_types=[
        pltpu.VMEM_SHARED((NPAD,), jnp.float32),
        pltpu.VMEM((CH,), jnp.float32),
        pltpu.VMEM((NCHUNK, CH), jnp.int32),
        pltpu.VMEM((RPT,), jnp.float32),
    ],
)

_agg_call = pl.kernel(
    _agg_body,
    out_type=jax.ShapeDtypeStruct((NC * NPAD, D), jnp.float32),
    mesh=_SC_MESH,
    scratch_types=[
        pltpu.VMEM_SHARED((NPAD, D), jnp.float32),
        pltpu.VMEM((NH, CH), jnp.int32),
        pltpu.VMEM((NH, CH), jnp.int32),
        pltpu.VMEM((CH, D), jnp.float32),
        pltpu.VMEM((CH, D), jnp.float32),
        pltpu.SemaphoreType.DMA,
        pltpu.SemaphoreType.DMA,
    ],
)


def _tc1_body(deg_ref, x_ref, w_ref, hs_ref, dinv_ref):
    deg = deg_ref[0] + deg_ref[1] + 1.0
    dinv1 = lax.rsqrt(deg)
    h = jnp.dot(x_ref[...], w_ref[...], preferred_element_type=jnp.float32)
    hs_ref[...] = h * dinv1
    dinv_ref[...] = jnp.broadcast_to(dinv1, (BR, D))


_tc1_call = pl.pallas_call(
    _tc1_body,
    grid=(N // BR,),
    in_specs=[
        pl.BlockSpec((NC, BR, 1), lambda i: (0, i, 0)),
        pl.BlockSpec((BR, D), lambda i: (i, 0)),
        pl.BlockSpec((D, D), lambda i: (0, 0)),
    ],
    out_specs=[pl.BlockSpec((BR, D), lambda i: (i, 0))] * 2,
    out_shape=[jax.ShapeDtypeStruct((N, D), jnp.float32)] * 2,
)


def _tc2_body(agg_ref, hs_ref, dinv_ref, b_ref, w_ref, out_ref):
    a = agg_ref[0] + agg_ref[1] + hs_ref[...]
    z = jnp.maximum(a * dinv_ref[...] + b_ref[...], 0.0)
    out_ref[...] = jnp.dot(
        z, w_ref[...], preferred_element_type=jnp.float32) * dinv_ref[...]


_tc2_call = pl.pallas_call(
    _tc2_body,
    grid=(N // BR,),
    in_specs=[
        pl.BlockSpec((NC, BR, D), lambda i: (0, i, 0)),
        pl.BlockSpec((BR, D), lambda i: (i, 0)),
        pl.BlockSpec((BR, D), lambda i: (i, 0)),
        pl.BlockSpec((1, D), lambda i: (0, 0)),
        pl.BlockSpec((D, D), lambda i: (0, 0)),
    ],
    out_specs=pl.BlockSpec((BR, D), lambda i: (i, 0)),
    out_shape=jax.ShapeDtypeStruct((N, D), jnp.float32),
)


def _tc3_body(agg_ref, hs_ref, dinv_ref, b_ref, out_ref):
    a = agg_ref[0] + agg_ref[1] + hs_ref[...]
    out_ref[...] = a * dinv_ref[...] + b_ref[...]


_tc3_call = pl.pallas_call(
    _tc3_body,
    grid=(N // BR,),
    in_specs=[
        pl.BlockSpec((NC, BR, D), lambda i: (0, i, 0)),
        pl.BlockSpec((BR, D), lambda i: (i, 0)),
        pl.BlockSpec((BR, D), lambda i: (i, 0)),
        pl.BlockSpec((1, D), lambda i: (0, 0)),
    ],
    out_specs=pl.BlockSpec((BR, D), lambda i: (i, 0)),
    out_shape=jax.ShapeDtypeStruct((N, D), jnp.float32),
)


@jax.jit
def kernel(x, edge_index, W1, b1, W2, b2):
    src = edge_index[0].astype(jnp.int32).reshape(NW, E // NW)
    dst = edge_index[1].astype(jnp.int32).reshape(NW, E // NW)
    ppt = (E2 - E) // NW
    pad_src = jnp.broadcast_to(
        (jnp.arange(ppt, dtype=jnp.int32) * 41) % N, (NW, ppt))
    pad_dst = jnp.broadcast_to(
        N + jnp.arange(ppt, dtype=jnp.int32), (NW, ppt))
    src3 = jnp.concatenate([src, pad_src], axis=1).reshape(NW, NCHUNK, CH)
    dst3 = jnp.concatenate([dst, pad_dst], axis=1).reshape(NW, NCHUNK, CH)
    deg_parts = _deg_call(dst3).reshape(NC, NPAD, 1)
    hs1, dinv = _tc1_call(deg_parts, x, W1)
    agg1 = _agg_call(src3, dst3, hs1).reshape(NC, NPAD, D)
    hs2 = _tc2_call(agg1, hs1, dinv, b1.reshape(1, D), W2)
    agg2 = _agg_call(src3, dst3, hs2).reshape(NC, NPAD, D)
    return _tc3_call(agg2, hs2, dinv, b2.reshape(1, D))

# --- scband reference (transcript-rebuilt; emitter-appended) ---
"""Pipeline reference for scband-graph-encoder-32401233281585 (READ-ONLY COPY).

The authoritative reference and input builder live on the scoring server;
editing this copy changes nothing except your own understanding.
"""

import jax, jax.numpy as jnp
import numpy as np

N_NODES = 10000
N_EDGES = 320000
D = 128


def gcn_conv(x, edge_index, W, b, num_nodes):
    # linear transform
    h = x @ W
    src = edge_index[0]
    dst = edge_index[1]
    # add self loops
    loop = jnp.arange(num_nodes, dtype=src.dtype)
    src = jnp.concatenate([src, loop])
    dst = jnp.concatenate([dst, loop])
    # symmetric normalization (PyG GCNConv default)
    deg = jnp.zeros((num_nodes,), dtype=h.dtype).at[dst].add(1.0)
    deg_inv_sqrt = jnp.where(deg > 0, jax.lax.rsqrt(deg), 0.0)
    norm = deg_inv_sqrt[src] * deg_inv_sqrt[dst]
    # gather messages, scale, scatter-add to dst
    msgs = h[src] * norm[:, None]
    out = jax.ops.segment_sum(msgs, dst, num_segments=num_nodes)
    return out + b


def setup_inputs(seed: int = 0) -> dict:
    key = jax.random.key(seed)
    k1, k2, k3, k4, k5, k6 = jax.random.split(key, 6)
    x = jax.random.normal(k1, (N_NODES, D), dtype=jnp.float32)
    edge_index = jax.random.randint(k2, (2, N_EDGES), 0, N_NODES, dtype=jnp.int64)
    # learned parameters (glorot-ish init)
    s = 1.0 / np.sqrt(D)
    W1 = jax.random.uniform(k3, (D, D), dtype=jnp.float32, minval=-s, maxval=s)
    b1 = jnp.zeros((D,), dtype=jnp.float32)
    W2 = jax.random.uniform(k4, (D, D), dtype=jnp.float32, minval=-s, maxval=s)
    b2 = jnp.zeros((D,), dtype=jnp.float32)
    return {"x": x, "edge_index": edge_index, "W1": W1, "b1": b1, "W2": W2, "b2": b2}


def reference(x, edge_index, W1, b1, W2, b2):
    # num_layers == 2; dropout is identity in eval mode
    h = gcn_conv(x, edge_index, W1, b1, N_NODES)
    h = jax.nn.relu(h)
    out = gcn_conv(h, edge_index, W2, b2, N_NODES)
    return out

if __name__ == "__main__":
    import jax
    _d = setup_inputs()
    print(jax.jit(kernel)(*tuple(_d.values())))

</pallas_src>

<mosaic_0001>
#map = affine_map<(d0, d1) -> (0, 0, 0)>
#map1 = affine_map<(d0, d1) -> (0, 0)>
module attributes {stable_mosaic.version = 14 : i64} {
  func.func @_agg_body(%arg0: i32, %arg1: i32, %arg2: memref<32x80x128xi32, #tpu.memory_space<hbm>>, %arg3: memref<32x80x128xi32, #tpu.memory_space<hbm>>, %arg4: memref<10000x128xf32, #tpu.memory_space<hbm>>, %arg5: memref<20480x128xf32, #tpu.memory_space<hbm>>, %arg6: memref<10240x128xf32, #tpu.memory_space<vmem_shared>>, %arg7: memref<40x128xi32, #tpu.memory_space<vmem>>, %arg8: memref<40x128xi32, #tpu.memory_space<vmem>>, %arg9: memref<128x128xf32, #tpu.memory_space<vmem>>, %arg10: memref<128x128xf32, #tpu.memory_space<vmem>>, %arg11: memref<!tpu.dma_semaphore, #tpu.memory_space<semaphore_mem>>, %arg12: memref<!tpu.dma_semaphore, #tpu.memory_space<semaphore_mem>>) attributes {dimension_semantics = [#tpu.dimension_semantics<core_parallel>, #tpu.dimension_semantics<subcore_parallel>], iteration_bounds = array<i64: 2, 16>, scalar_prefetch = 0 : i64, scratch_operands = 7 : i64, tpu.core_type = #tpu.core_type<sc_vector_subcore>, window_params = [{transform_indices = #map}, {transform_indices = #map}, {transform_indices = #map1}, {transform_indices = #map1}]} {
    %mul3A = arith.constant 16 : i32
    %mul3A_0 = arith.muli %arg0, %mul3A : i32
    %add3A = arith.addi %mul3A_0, %arg1 : i32
    %scan3A = arith.constant 0 : i32
    %scan3A_1 = arith.constant 1024 : i32
    %scan3A_2 = arith.addi %scan3A, %scan3A_1 : i32
    %scan3A_3 = arith.constant 1 : i32
    scf.for %scan3A_85 = %scan3A to %scan3A_2 step %scan3A_3  : i32 {
      %mul3A_86 = arith.constant 1 : i32
      %mul3A_87 = arith.muli %scan3A_85, %mul3A_86 : i32
      %add3A_88 = arith.constant 0 : i32
      %add3A_89 = arith.addi %add3A_88, %mul3A_87 : i32
      %jit3A = arith.constant 8 : i32
      %div3A = arith.divsi %add3A_89, %jit3A : i32
      %sign3A = arith.constant 0 : i32
      %sign3A_90 = arith.cmpi sgt, %add3A_89, %sign3A : i32
      %sign3A_91 = arith.extui %sign3A_90 : i1 to i32
      %sign3A_92 = arith.constant 0 : i32
      %sign3A_93 = arith.cmpi slt, %add3A_89, %sign3A_92 : i32
      %sign3A_94 = arith.extui %sign3A_93 : i1 to i32
      %sign3A_95 = arith.subi %sign3A_91, %sign3A_94 : i32
      %sign3A_96 = arith.constant 0 : i32
      %sign3A_97 = arith.cmpi sgt, %jit3A, %sign3A_96 : i32
      %sign3A_98 = arith.extui %sign3A_97 : i1 to i32
      %sign3A_99 = arith.constant 0 : i32
      %sign3A_100 = arith.cmpi slt, %jit3A, %sign3A_99 : i32
      %sign3A_101 = arith.extui %sign3A_100 : i1 to i32
      %sign3A_102 = arith.subi %sign3A_98, %sign3A_101 : i32
      %ne3A = arith.cmpi ne, %sign3A_95, %sign3A_102 : i32
      %rem3A = arith.remsi %add3A_89, %jit3A : i32
      %ne3A_103 = arith.constant 0 : i32
      %ne3A_104 = arith.cmpi ne, %rem3A, %ne3A_103 : i32
      %and3A = arith.andi %ne3A, %ne3A_104 : i1
      %sub3A = arith.constant 1 : i32
      %sub3A_105 = arith.subi %div3A, %sub3A : i32
      %select_n3A = arith.select %and3A, %sub3A_105, %div3A : i32
      %jit3A_106 = arith.constant 8 : i32
      %eq3A = arith.constant 0 : i32
      %eq3A_107 = arith.cmpi eq, %jit3A_106, %eq3A : i32
      %jit3A_108 = arith.constant 1 : i32
      %select_n3A_109 = arith.select %eq3A_107, %jit3A_108, %jit3A_106 : i32
      %rem3A_110 = arith.remsi %add3A_89, %select_n3A_109 : i32
      %ne3A_111 = arith.constant 0 : i32
      %ne3A_112 = arith.cmpi ne, %rem3A_110, %ne3A_111 : i32
      %lt3A = arith.constant 0 : i32
      %lt3A_113 = arith.cmpi slt, %rem3A_110, %lt3A : i32
      %lt3A_114 = arith.constant 0 : i32
      %lt3A_115 = arith.cmpi slt, %select_n3A_109, %lt3A_114 : i32
      %ne3A_116 = arith.xori %lt3A_113, %lt3A_115 : i1
      %and3A_117 = arith.andi %ne3A_116, %ne3A_112 : i1
      %add3A_118 = arith.addi %rem3A_110, %select_n3A_109 : i32
      %select_n3A_119 = arith.select %and3A_117, %add3A_118, %rem3A_110 : i32
      %broadcast_in_dim3A = arith.constant 0.000000e+00 : f32
      %broadcast_in_dim3A_120 = vector.broadcast %broadcast_in_dim3A : f32 to vector<16xf32>
      %mul3A_121 = arith.constant 16 : i32
      %mul3A_122 = arith.muli %select_n3A_119, %mul3A_121 : i32
      %swap3A = arith.index_cast %select_n3A : i32 to index
      %swap3A_123 = arith.index_cast %mul3A_122 : i32 to index
      %swap3A_124 = tpu.vector_load %arg9[%swap3A, %swap3A_123] {strides = array<i32>} : memref<128x128xf32, #tpu.memory_space<vmem>>, vector<1x16xf32>,
      %swap3A_125 = vector.shape_cast %swap3A_124 : vector<1x16xf32> to vector<16xf32>
      %swap3A_126 = vector.shape_cast %broadcast_in_dim3A_120 : vector<16xf32> to vector<1x16xf32>
      tpu.vector_store %arg9[%swap3A, %swap3A_123], %swap3A_126 {strides = array<i32>} : memref<128x128xf32, #tpu.memory_space<vmem>>, vector<1x16xf32>,
    }
    %scan3A_4 = arith.constant 1024 : i32
    %scan3A_5 = arith.constant 0 : i32
    %scan3A_6 = arith.constant 5 : i32
    %scan3A_7 = arith.addi %scan3A_5, %scan3A_6 : i32
    %scan3A_8 = arith.constant 1 : i32
    scf.for %scan3A_85 = %scan3A_5 to %scan3A_7 step %scan3A_8  : i32 {
      %mul3A_86 = arith.constant 1 : i32
      %mul3A_87 = arith.muli %scan3A_85, %mul3A_86 : i32
      %add3A_88 = arith.constant 0 : i32
      %add3A_89 = arith.addi %add3A_88, %mul3A_87 : i32
      %mul3A_90 = arith.constant 640 : i32
      %mul3A_91 = arith.muli %arg1, %mul3A_90 : i32
      %mul3A_92 = arith.constant 128 : i32
      %mul3A_93 = arith.muli %add3A_89, %mul3A_92 : i32
      %add3A_94 = arith.addi %mul3A_91, %mul3A_93 : i32
      "tpu.region"() ({
        %run_scoped3A_95 = tpu.sem_alloc : memref<!tpu.dma_semaphore, #tpu.memory_space<semaphore_mem>>
        %dma_start3A_96 = arith.constant 0 : i32
        %dma_start3A_97 = tpu.memref_slice %arg6[%add3A_94, %dma_start3A_96] : memref<10240x128xf32, #tpu.memory_space<vmem_shared>> -> memref<128x128xf32, #tpu.memory_space<vmem_shared>>
        %dma_start3A_98 = arith.constant 0 : i32
        %dma_start3A_99 = tpu.memref_slice %arg6[%add3A_94, %dma_start3A_98] : memref<10240x128xf32, #tpu.memory_space<vmem_shared>> -> memref<128x128xf32, #tpu.memory_space<vmem_shared>>
        tpu.enqueue_dma source(%arg9 : memref<128x128xf32, #tpu.memory_space<vmem>>) target(%dma_start3A_99 : memref<128x128xf32, #tpu.memory_space<vmem_shared>>) target_semaphore(%run_scoped3A_95 : memref<!tpu.dma_semaphore, #tpu.memory_space<semaphore_mem>>)
        %dma_wait3A_100 = arith.constant 0 : i32
        %dma_wait3A_101 = tpu.memref_slice %arg6[%add3A_94, %dma_wait3A_100] : memref<10240x128xf32, #tpu.memory_space<vmem_shared>> -> memref<128x128xf32, #tpu.memory_space<vmem_shared>>
        %dma_wait3A_102 = arith.constant 0 : i32
        %dma_wait3A_103 = tpu.memref_slice %arg6[%add3A_94, %dma_wait3A_102] : memref<10240x128xf32, #tpu.memory_space<vmem_shared>> -> memref<128x128xf32, #tpu.memory_space<vmem_shared>>
        tpu.wait_dma2 semaphore(%run_scoped3A_95 : memref<!tpu.dma_semaphore, #tpu.memory_space<semaphore_mem>>) src(%arg9 : memref<128x128xf32, #tpu.memory_space<vmem>>) dst(%dma_wait3A_103 : memref<128x128xf32, #tpu.memory_space<vmem_shared>>)
        tpu.yield
      }) : () -> ()
    }
    %scan3A_9 = arith.constant 5 : i32
    %barrier3A = arith.constant 0 : index
    tpu.barrier barrier_id(%barrier3A)
    "tpu.region"() ({
      %run_scoped3A_85 = tpu.sem_alloc : memref<!tpu.dma_semaphore, #tpu.memory_space<semaphore_mem>>
      %dma_start3A_86 = arith.constant 0 : i32
      %dma_start3A_87 = arith.constant 0 : i32
      %dma_start3A_88 = tpu.memref_slice %arg2[%add3A, %dma_start3A_86, %dma_start3A_87] : memref<32x80x128xi32, #tpu.memory_space<hbm>> -> memref<1x40x128xi32, #tpu.memory_space<hbm>>
      %dma_start3A_89 = tpu.memref_squeeze %dma_start3A_88 : memref<1x40x128xi32, #tpu.memory_space<hbm>> -> memref<40x128xi32, #tpu.memory_space<hbm>>
      %dma_start3A_90 = arith.constant 0 : i32
      %dma_start3A_91 = arith.constant 0 : i32
      %dma_start3A_92 = tpu.memref_slice %arg2[%add3A, %dma_start3A_90, %dma_start3A_91] : memref<32x80x128xi32, #tpu.memory_space<hbm>> -> memref<1x40x128xi32, #tpu.memory_space<hbm>>
      %dma_start3A_93 = tpu.memref_squeeze %dma_start3A_92 : memref<1x40x128xi32, #tpu.memory_space<hbm>> -> memref<40x128xi32, #tpu.memory_space<hbm>>
      tpu.enqueue_dma source(%dma_start3A_93 : memref<40x128xi32, #tpu.memory_space<hbm>>) target(%arg7 : memref<40x128xi32, #tpu.memory_space<vmem>>) target_semaphore(%run_scoped3A_85 : memref<!tpu.dma_semaphore, #tpu.memory_space<semaphore_mem>>)
      %dma_wait3A_94 = arith.constant 0 : i32
      %dma_wait3A_95 = arith.constant 0 : i32
      %dma_wait3A_96 = tpu.memref_slice %arg2[%add3A, %dma_wait3A_94, %dma_wait3A_95] : memref<32x80x128xi32, #tpu.memory_space<hbm>> -> memref<1x40x128xi32, #tpu.memory_space<hbm>>
      %dma_wait3A_97 = tpu.memref_squeeze %dma_wait3A_96 : memref<1x40x128xi32, #tpu.memory_space<hbm>> -> memref<40x128xi32, #tpu.memory_space<hbm>>
      %dma_wait3A_98 = arith.constant 0 : i32
      %dma_wait3A_99 = arith.constant 0 : i32
      %dma_wait3A_100 = tpu.memref_slice %arg2[%add3A, %dma_wait3A_98, %dma_wait3A_99] : memref<32x80x128xi32, #tpu.memory_space<hbm>> -> memref<1x40x128xi32, #tpu.memory_space<hbm>>
      %dma_wait3A_101 = tpu.memref_squeeze %dma_wait3A_100 : memref<1x40x128xi32, #tpu.memory_space<hbm>> -> memref<40x128xi32, #tpu.memory_space<hbm>>
      tpu.wait_dma2 semaphore(%run_scoped3A_85 : memref<!tpu.dma_semaphore, #tpu.memory_space<semaphore_mem>>) src(%dma_wait3A_101 : memref<40x128xi32, #tpu.memory_space<hbm>>) dst(%arg7 : memref<40x128xi32, #tpu.memory_space<vmem>>)
      tpu.yield
    }) : () -> ()
    "tpu.region"() ({
      %run_scoped3A_85 = tpu.sem_alloc : memref<!tpu.dma_semaphore, #tpu.memory_space<semaphore_mem>>
      %dma_start3A_86 = arith.constant 0 : i32
      %dma_start3A_87 = arith.constant 0 : i32
      %dma_start3A_88 = tpu.memref_slice %arg3[%add3A, %dma_start3A_86, %dma_start3A_87] : memref<32x80x128xi32, #tpu.memory_space<hbm>> -> memref<1x40x128xi32, #tpu.memory_space<hbm>>
      %dma_start3A_89 = tpu.memref_squeeze %dma_start3A_88 : memref<1x40x128xi32, #tpu.memory_space<hbm>> -> memref<40x128xi32, #tpu.memory_space<hbm>>
      %dma_start3A_90 = arith.constant 0 : i32
      %dma_start3A_91 = arith.constant 0 : i32
      %dma_start3A_92 = tpu.memref_slice %arg3[%add3A, %dma_start3A_90, %dma_start3A_91] : memref<32x80x128xi32, #tpu.memory_space<hbm>> -> memref<1x40x128xi32, #tpu.memory_space<hbm>>
      %dma_start3A_93 = tpu.memref_squeeze %dma_start3A_92 : memref<1x40x128xi32, #tpu.memory_space<hbm>> -> memref<40x128xi32, #tpu.memory_space<hbm>>
      tpu.enqueue_dma source(%dma_start3A_93 : memref<40x128xi32, #tpu.memory_space<hbm>>) target(%arg8 : memref<40x128xi32, #tpu.memory_space<vmem>>) target_semaphore(%run_scoped3A_85 : memref<!tpu.dma_semaphore, #tpu.memory_space<semaphore_mem>>)
      %dma_wait3A_94 = arith.constant 0 : i32
      %dma_wait3A_95 = arith.constant 0 : i32
      %dma_wait3A_96 = tpu.memref_slice %arg3[%add3A, %dma_wait3A_94, %dma_wait3A_95] : memref<32x80x128xi32, #tpu.memory_space<hbm>> -> memref<1x40x128xi32, #tpu.memory_space<hbm>>
      %dma_wait3A_97 = tpu.memref_squeeze %dma_wait3A_96 : memref<1x40x128xi32, #tpu.memory_space<hbm>> -> memref<40x128xi32, #tpu.memory_space<hbm>>
      %dma_wait3A_98 = arith.constant 0 : i32
      %dma_wait3A_99 = arith.constant 0 : i32
      %dma_wait3A_100 = tpu.memref_slice %arg3[%add3A, %dma_wait3A_98, %dma_wait3A_99] : memref<32x80x128xi32, #tpu.memory_space<hbm>> -> memref<1x40x128xi32, #tpu.memory_space<hbm>>
      %dma_wait3A_101 = tpu.memref_squeeze %dma_wait3A_100 : memref<1x40x128xi32, #tpu.memory_space<hbm>> -> memref<40x128xi32, #tpu.memory_space<hbm>>
      tpu.wait_dma2 semaphore(%run_scoped3A_85 : memref<!tpu.dma_semaphore, #tpu.memory_space<semaphore_mem>>) src(%dma_wait3A_101 : memref<40x128xi32, #tpu.memory_space<hbm>>) dst(%arg8 : memref<40x128xi32, #tpu.memory_space<vmem>>)
      tpu.yield
    }) : () -> ()
    %dma_start3A = arith.constant 0 : i32
    %dma_start3A_10 = arith.constant 0 : i32
    %dma_start3A_11 = tpu.memref_slice %arg7[%dma_start3A, %dma_start3A_10] : memref<40x128xi32, #tpu.memory_space<vmem>> -> memref<1x128xi32, #tpu.memory_space<vmem>>
    %dma_start3A_12 = tpu.memref_squeeze %dma_start3A_11 : memref<1x128xi32, #tpu.memory_space<vmem>> -> memref<128xi32, #tpu.memory_space<vmem>>
    %dma_start3A_13 = arith.constant 0 : i32
    %dma_start3A_14 = arith.constant 0 : i32
    %dma_start3A_15 = tpu.memref_slice %arg4[%dma_start3A_13, %dma_start3A_14] : memref<10000x128xf32, #tpu.memory_space<hbm>> -> memref<10000x128xf32, #tpu.memory_space<hbm>>
    tpu.enqueue_indirect_dma source(%dma_start3A_15 : memref<10000x128xf32, #tpu.memory_space<hbm>>) target(%arg9 : memref<128x128xf32, #tpu.memory_space<vmem>>) offsets(%dma_start3A_12 : memref<128xi32, #tpu.memory_space<vmem>>) semaphore(%arg11 : memref<!tpu.dma_semaphore, #tpu.memory_space<semaphore_mem>>)
    %scan3A_16 = arith.constant 0 : i32
    %scan3A_17 = arith.constant 19 : i32
    %scan3A_18 = arith.addi %scan3A_16, %scan3A_17 : i32
    %scan3A_19 = arith.constant 1 : i32
    scf.for %scan3A_85 = %scan3A_16 to %scan3A_18 step %scan3A_19  : i32 {
      %mul3A_86 = arith.constant 2 : i32
      %mul3A_87 = arith.muli %scan3A_85, %mul3A_86 : i32
      %add3A_88 = arith.constant 0 : i32
      %add3A_89 = arith.addi %add3A_88, %mul3A_87 : i32
      %add3A_90 = arith.constant 1 : i32
      %add3A_91 = arith.addi %add3A_89, %add3A_90 : i32
      %dma_start3A_92 = arith.constant 0 : i32
      %dma_start3A_93 = tpu.memref_slice %arg7[%add3A_91, %dma_start3A_92] : memref<40x128xi32, #tpu.memory_space<vmem>> -> memref<1x128xi32, #tpu.memory_space<vmem>>
      %dma_start3A_94 = tpu.memref_squeeze %dma_start3A_93 : memref<1x128xi32, #tpu.memory_space<vmem>> -> memref<128xi32, #tpu.memory_space<vmem>>
      %dma_start3A_95 = arith.constant 0 : i32
      %dma_start3A_96 = arith.constant 0 : i32
      %dma_start3A_97 = tpu.memref_slice %arg4[%dma_start3A_95, %dma_start3A_96] : memref<10000x128xf32, #tpu.memory_space<hbm>> -> memref<10000x128xf32, #tpu.memory_space<hbm>>
      tpu.enqueue_indirect_dma source(%dma_start3A_97 : memref<10000x128xf32, #tpu.memory_space<hbm>>) target(%arg10 : memref<128x128xf32, #tpu.memory_space<vmem>>) offsets(%dma_start3A_94 : memref<128xi32, #tpu.memory_space<vmem>>) semaphore(%arg12 : memref<!tpu.dma_semaphore, #tpu.memory_space<semaphore_mem>>)
      %dma_wait3A_98 = arith.constant 0 : i32
      %dma_wait3A_99 = tpu.memref_slice %arg7[%add3A_89, %dma_wait3A_98] : memref<40x128xi32, #tpu.memory_space<vmem>> -> memref<1x128xi32, #tpu.memory_space<vmem>>
      %dma_wait3A_100 = tpu.memref_squeeze %dma_wait3A_99 : memref<1x128xi32, #tpu.memory_space<vmem>> -> memref<128xi32, #tpu.memory_space<vmem>>
      %dma_wait3A_101 = arith.constant 0 : i32
      %dma_wait3A_102 = arith.constant 0 : i32
      %dma_wait3A_103 = tpu.memref_slice %arg4[%dma_wait3A_101, %dma_wait3A_102] : memref<10000x128xf32, #tpu.memory_space<hbm>> -> memref<10000x128xf32, #tpu.memory_space<hbm>>
      tpu.wait_indirect_dma semaphore(%arg11 : memref<!tpu.dma_semaphore, #tpu.memory_space<semaphore_mem>>) src(%dma_wait3A_103 : memref<10000x128xf32, #tpu.memory_space<hbm>>) dst(%arg9 : memref<128x128xf32, #tpu.memory_space<vmem>>)
      "tpu.region"() ({
        %run_scoped3A_122 = tpu.sem_alloc : memref<!tpu.dma_semaphore, #tpu.memory_space<semaphore_mem>>
        %dma_start3A_123 = arith.constant 0 : i32
        %dma_start3A_124 = tpu.memref_slice %arg8[%add3A_89, %dma_start3A_123] : memref<40x128xi32, #tpu.memory_space<vmem>> -> memref<1x128xi32, #tpu.memory_space<vmem>>
        %dma_start3A_125 = tpu.memref_squeeze %dma_start3A_124 : memref<1x128xi32, #tpu.memory_space<vmem>> -> memref<128xi32, #tpu.memory_space<vmem>>
        %dma_start3A_126 = arith.constant 0 : i32
        %dma_start3A_127 = arith.constant 0 : i32
        %dma_start3A_128 = tpu.memref_slice %arg6[%dma_start3A_126, %dma_start3A_127] : memref<10240x128xf32, #tpu.memory_space<vmem_shared>> -> memref<10240x128xf32, #tpu.memory_space<vmem_shared>>
        tpu.enqueue_indirect_dma source(%arg9 : memref<128x128xf32, #tpu.memory_space<vmem>>) target(%dma_start3A_128 : memref<10240x128xf32, #tpu.memory_space<vmem_shared>>) offsets(%dma_start3A_125 : memref<128xi32, #tpu.memory_space<vmem>>) semaphore(%run_scoped3A_122 : memref<!tpu.dma_semaphore, #tpu.memory_space<semaphore_mem>>) {add = true}
        %dma_wait3A_129 = arith.constant 0 : i32
        %dma_wait3A_130 = tpu.memref_slice %arg8[%add3A_89, %dma_wait3A_129] : memref<40x128xi32, #tpu.memory_space<vmem>> -> memref<1x128xi32, #tpu.memory_space<vmem>>
        %dma_wait3A_131 = tpu.memref_squeeze %dma_wait3A_130 : memref<1x128xi32, #tpu.memory_space<vmem>> -> memref<128xi32, #tpu.memory_space<vmem>>
        %dma_wait3A_132 = arith.constant 0 : i32
        %dma_wait3A_133 = arith.constant 0 : i32
        %dma_wait3A_134 = tpu.memref_slice %arg6[%dma_wait3A_132, %dma_wait3A_133] : memref<10240x128xf32, #tpu.memory_space<vmem_shared>> -> memref<10240x128xf32, #tpu.memory_space<vmem_shared>>
        tpu.wait_indirect_dma semaphore(%run_scoped3A_122 : memref<!tpu.dma_semaphore, #tpu.memory_space<semaphore_mem>>) src(%arg9 : memref<128x128xf32, #tpu.memory_space<vmem>>) dst(%dma_wait3A_134 : memref<10240x128xf32, #tpu.memory_space<vmem_shared>>)
        tpu.yield
      }) : () -> ()
      %add3A_104 = arith.constant 2 : i32
      %add3A_105 = arith.addi %add3A_89, %add3A_104 : i32
      %dma_start3A_106 = arith.constant 0 : i32
      %dma_start3A_107 = tpu.memref_slice %arg7[%add3A_105, %dma_start3A_106] : memref<40x128xi32, #tpu.memory_space<vmem>> -> memref<1x128xi32, #tpu.memory_space<vmem>>
      %dma_start3A_108 = tpu.memref_squeeze %dma_start3A_107 : memref<1x128xi32, #tpu.memory_space<vmem>> -> memref<128xi32, #tpu.memory_space<vmem>>
      %dma_start3A_109 = arith.constant 0 : i32
      %dma_start3A_110 = arith.constant 0 : i32
      %dma_start3A_111 = tpu.memref_slice %arg4[%dma_start3A_109, %dma_start3A_110] : memref<10000x128xf32, #tpu.memory_space<hbm>> -> memref<10000x128xf32, #tpu.memory_space<hbm>>
      tpu.enqueue_indirect_dma source(%dma_start3A_111 : memref<10000x128xf32, #tpu.memory_space<hbm>>) target(%arg9 : memref<128x128xf32, #tpu.memory_space<vmem>>) offsets(%dma_start3A_108 : memref<128xi32, #tpu.memory_space<vmem>>) semaphore(%arg11 : memref<!tpu.dma_semaphore, #tpu.memory_space<semaphore_mem>>)
      %add3A_112 = arith.constant 1 : i32
      %add3A_113 = arith.addi %add3A_89, %add3A_112 : i32
      %dma_wait3A_114 = arith.constant 0 : i32
      %dma_wait3A_115 = tpu.memref_slice %arg7[%add3A_113, %dma_wait3A_114] : memref<40x128xi32, #tpu.memory_space<vmem>> -> memref<1x128xi32, #tpu.memory_space<vmem>>
      %dma_wait3A_116 = tpu.memref_squeeze %dma_wait3A_115 : memref<1x128xi32, #tpu.memory_space<vmem>> -> memref<128xi32, #tpu.memory_space<vmem>>
      %dma_wait3A_117 = arith.constant 0 : i32
      %dma_wait3A_118 = arith.constant 0 : i32
      %dma_wait3A_119 = tpu.memref_slice %arg4[%dma_wait3A_117, %dma_wait3A_118] : memref<10000x128xf32, #tpu.memory_space<hbm>> -> memref<10000x128xf32, #tpu.memory_space<hbm>>
      tpu.wait_indirect_dma semaphore(%arg12 : memref<!tpu.dma_semaphore, #tpu.memory_space<semaphore_mem>>) src(%dma_wait3A_119 : memref<10000x128xf32, #tpu.memory_space<hbm>>) dst(%arg10 : memref<128x128xf32, #tpu.memory_space<vmem>>)
      %add3A_120 = arith.constant 1 : i32
      %add3A_121 = arith.addi %add3A_89, %add3A_120 : i32
      "tpu.region"() ({
        %run_scoped3A_122 = tpu.sem_alloc : memref<!tpu.dma_semaphore, #tpu.memory_space<semaphore_mem>>
        %dma_start3A_123 = arith.constant 0 : i32
        %dma_start3A_124 = tpu.memref_slice %arg8[%add3A_121, %dma_start3A_123] : memref<40x128xi32, #tpu.memory_space<vmem>> -> memref<1x128xi32, #tpu.memory_space<vmem>>
        %dma_start3A_125 = tpu.memref_squeeze %dma_start3A_124 : memref<1x128xi32, #tpu.memory_space<vmem>> -> memref<128xi32, #tpu.memory_space<vmem>>
        %dma_start3A_126 = arith.constant 0 : i32
        %dma_start3A_127 = arith.constant 0 : i32
        %dma_start3A_128 = tpu.memref_slice %arg6[%dma_start3A_126, %dma_start3A_127] : memref<10240x128xf32, #tpu.memory_space<vmem_shared>> -> memref<10240x128xf32, #tpu.memory_space<vmem_shared>>
        tpu.enqueue_indirect_dma source(%arg10 : memref<128x128xf32, #tpu.memory_space<vmem>>) target(%dma_start3A_128 : memref<10240x128xf32, #tpu.memory_space<vmem_shared>>) offsets(%dma_start3A_125 : memref<128xi32, #tpu.memory_space<vmem>>) semaphore(%run_scoped3A_122 : memref<!tpu.dma_semaphore, #tpu.memory_space<semaphore_mem>>) {add = true}
        %dma_wait3A_129 = arith.constant 0 : i32
        %dma_wait3A_130 = tpu.memref_slice %arg8[%add3A_121, %dma_wait3A_129] : memref<40x128xi32, #tpu.memory_space<vmem>> -> memref<1x128xi32, #tpu.memory_space<vmem>>
        %dma_wait3A_131 = tpu.memref_squeeze %dma_wait3A_130 : memref<1x128xi32, #tpu.memory_space<vmem>> -> memref<128xi32, #tpu.memory_space<vmem>>
        %dma_wait3A_132 = arith.constant 0 : i32
        %dma_wait3A_133 = arith.constant 0 : i32
        %dma_wait3A_134 = tpu.memref_slice %arg6[%dma_wait3A_132, %dma_wait3A_133] : memref<10240x128xf32, #tpu.memory_space<vmem_shared>> -> memref<10240x128xf32, #tpu.memory_space<vmem_shared>>
        tpu.wait_indirect_dma semaphore(%run_scoped3A_122 : memref<!tpu.dma_semaphore, #tpu.memory_space<semaphore_mem>>) src(%arg10 : memref<128x128xf32, #tpu.memory_space<vmem>>) dst(%dma_wait3A_134 : memref<10240x128xf32, #tpu.memory_space<vmem_shared>>)
        tpu.yield
      }) : () -> ()
    }
    %scan3A_20 = arith.constant 19 : i32
    %dma_start3A_21 = arith.constant 39 : i32
    %dma_start3A_22 = arith.constant 0 : i32
    %dma_start3A_23 = tpu.memref_slice %arg7[%dma_start3A_21, %dma_start3A_22] : memref<40x128xi32, #tpu.memory_space<vmem>> -> memref<1x128xi32, #tpu.memory_space<vmem>>
    %dma_start3A_24 = tpu.memref_squeeze %dma_start3A_23 : memref<1x128xi32, #tpu.memory_space<vmem>> -> memref<128xi32, #tpu.memory_space<vmem>>
    %dma_start3A_25 = arith.constant 0 : i32
    %dma_start3A_26 = arith.constant 0 : i32
    %dma_start3A_27 = tpu.memref_slice %arg4[%dma_start3A_25, %dma_start3A_26] : memref<10000x128xf32, #tpu.memory_space<hbm>> -> memref<10000x128xf32, #tpu.memory_space<hbm>>
    tpu.enqueue_indirect_dma source(%dma_start3A_27 : memref<10000x128xf32, #tpu.memory_space<hbm>>) target(%arg10 : memref<128x128xf32, #tpu.memory_space<vmem>>) offsets(%dma_start3A_24 : memref<128xi32, #tpu.memory_space<vmem>>) semaphore(%arg12 : memref<!tpu.dma_semaphore, #tpu.memory_space<semaphore_mem>>)
    %dma_wait3A = arith.constant 38 : i32
    %dma_wait3A_28 = arith.constant 0 : i32
    %dma_wait3A_29 = tpu.memref_slice %arg7[%dma_wait3A, %dma_wait3A_28] : memref<40x128xi32, #tpu.memory_space<vmem>> -> memref<1x128xi32, #tpu.memory_space<vmem>>
    %dma_wait3A_30 = tpu.memref_squeeze %dma_wait3A_29 : memref<1x128xi32, #tpu.memory_space<vmem>> -> memref<128xi32, #tpu.memory_space<vmem>>
    %dma_wait3A_31 = arith.constant 0 : i32
    %dma_wait3A_32 = arith.constant 0 : i32
    %dma_wait3A_33 = tpu.memref_slice %arg4[%dma_wait3A_31, %dma_wait3A_32] : memref<10000x128xf32, #tpu.memory_space<hbm>> -> memref<10000x128xf32, #tpu.memory_space<hbm>>
    tpu.wait_indirect_dma semaphore(%arg11 : memref<!tpu.dma_semaphore, #tpu.memory_space<semaphore_mem>>) src(%dma_wait3A_33 : memref<10000x128xf32, #tpu.memory_space<hbm>>) dst(%arg9 : memref<128x128xf32, #tpu.memory_space<vmem>>)
    %run_scoped3A = arith.constant 38 : i32
    "tpu.region"() ({
      %run_scoped3A_85 = tpu.sem_alloc : memref<!tpu.dma_semaphore, #tpu.memory_space<semaphore_mem>>
      %dma_start3A_86 = arith.constant 0 : i32
      %dma_start3A_87 = tpu.memref_slice %arg8[%run_scoped3A, %dma_start3A_86] : memref<40x128xi32, #tpu.memory_space<vmem>> -> memref<1x128xi32, #tpu.memory_space<vmem>>
      %dma_start3A_88 = tpu.memref_squeeze %dma_start3A_87 : memref<1x128xi32, #tpu.memory_space<vmem>> -> memref<128xi32, #tpu.memory_space<vmem>>
      %dma_start3A_89 = arith.constant 0 : i32
      %dma_start3A_90 = arith.constant 0 : i32
      %dma_start3A_91 = tpu.memref_slice %arg6[%dma_start3A_89, %dma_start3A_90] : memref<10240x128xf32, #tpu.memory_space<vmem_shared>> -> memref<10240x128xf32, #tpu.memory_space<vmem_shared>>
      tpu.enqueue_indirect_dma source(%arg9 : memref<128x128xf32, #tpu.memory_space<vmem>>) target(%dma_start3A_91 : memref<10240x128xf32, #tpu.memory_space<vmem_shared>>) offsets(%dma_start3A_88 : memref<128xi32, #tpu.memory_space<vmem>>) semaphore(%run_scoped3A_85 : memref<!tpu.dma_semaphore, #tpu.memory_space<semaphore_mem>>) {add = true}
      %dma_wait3A_92 = arith.constant 0 : i32
      %dma_wait3A_93 = tpu.memref_slice %arg8[%run_scoped3A, %dma_wait3A_92] : memref<40x128xi32, #tpu.memory_space<vmem>> -> memref<1x128xi32, #tpu.memory_space<vmem>>
      %dma_wait3A_94 = tpu.memref_squeeze %dma_wait3A_93 : memref<1x128xi32, #tpu.memory_space<vmem>> -> memref<128xi32, #tpu.memory_space<vmem>>
      %dma_wait3A_95 = arith.constant 0 : i32
      %dma_wait3A_96 = arith.constant 0 : i32
      %dma_wait3A_97 = tpu.memref_slice %arg6[%dma_wait3A_95, %dma_wait3A_96] : memref<10240x128xf32, #tpu.memory_space<vmem_shared>> -> memref<10240x128xf32, #tpu.memory_space<vmem_shared>>
      tpu.wait_indirect_dma semaphore(%run_scoped3A_85 : memref<!tpu.dma_semaphore, #tpu.memory_space<semaphore_mem>>) src(%arg9 : memref<128x128xf32, #tpu.memory_space<vmem>>) dst(%dma_wait3A_97 : memref<10240x128xf32, #tpu.memory_space<vmem_shared>>)
      tpu.yield
    }) : () -> ()
    %dma_wait3A_34 = arith.constant 39 : i32
    %dma_wait3A_35 = arith.constant 0 : i32
    %dma_wait3A_36 = tpu.memref_slice %arg7[%dma_wait3A_34, %dma_wait3A_35] : memref<40x128xi32, #tpu.memory_space<vmem>> -> memref<1x128xi32, #tpu.memory_space<vmem>>
    %dma_wait3A_37 = tpu.memref_squeeze %dma_wait3A_36 : memref<1x128xi32, #tpu.memory_space<vmem>> -> memref<128xi32, #tpu.memory_space<vmem>>
    %dma_wait3A_38 = arith.constant 0 : i32
    %dma_wait3A_39 = arith.constant 0 : i32
    %dma_wait3A_40 = tpu.memref_slice %arg4[%dma_wait3A_38, %dma_wait3A_39] : memref<10000x128xf32, #tpu.memory_space<hbm>> -> memref<10000x128xf32, #tpu.memory_space<hbm>>
    tpu.wait_indirect_dma semaphore(%arg12 : memref<!tpu.dma_semaphore, #tpu.memory_space<semaphore_mem>>) src(%dma_wait3A_40 : memref<10000x128xf32, #tpu.memory_space<hbm>>) dst(%arg10 : memref<128x128xf32, #tpu.memory_space<vmem>>)
    %run_scoped3A_41 = arith.constant 39 : i32
    "tpu.region"() ({
      %run_scoped3A_85 = tpu.sem_alloc : memref<!tpu.dma_semaphore, #tpu.memory_space<semaphore_mem>>
      %dma_start3A_86 = arith.constant 0 : i32
      %dma_start3A_87 = tpu.memref_slice %arg8[%run_scoped3A_41, %dma_start3A_86] : memref<40x128xi32, #tpu.memory_space<vmem>> -> memref<1x128xi32, #tpu.memory_space<vmem>>
      %dma_start3A_88 = tpu.memref_squeeze %dma_start3A_87 : memref<1x128xi32, #tpu.memory_space<vmem>> -> memref<128xi32, #tpu.memory_space<vmem>>
      %dma_start3A_89 = arith.constant 0 : i32
      %dma_start3A_90 = arith.constant 0 : i32
      %dma_start3A_91 = tpu.memref_slice %arg6[%dma_start3A_89, %dma_start3A_90] : memref<10240x128xf32, #tpu.memory_space<vmem_shared>> -> memref<10240x128xf32, #tpu.memory_space<vmem_shared>>
      tpu.enqueue_indirect_dma source(%arg10 : memref<128x128xf32, #tpu.memory_space<vmem>>) target(%dma_start3A_91 : memref<10240x128xf32, #tpu.memory_space<vmem_shared>>) offsets(%dma_start3A_88 : memref<128xi32, #tpu.memory_space<vmem>>) semaphore(%run_scoped3A_85 : memref<!tpu.dma_semaphore, #tpu.memory_space<semaphore_mem>>) {add = true}
      %dma_wait3A_92 = arith.constant 0 : i32
      %dma_wait3A_93 = tpu.memref_slice %arg8[%run_scoped3A_41, %dma_wait3A_92] : memref<40x128xi32, #tpu.memory_space<vmem>> -> memref<1x128xi32, #tpu.memory_space<vmem>>
      %dma_wait3A_94 = tpu.memref_squeeze %dma_wait3A_93 : memref<1x128xi32, #tpu.memory_space<vmem>> -> memref<128xi32, #tpu.memory_space<vmem>>
      %dma_wait3A_95 = arith.constant 0 : i32
      %dma_wait3A_96 = arith.constant 0 : i32
      %dma_wait3A_97 = tpu.memref_slice %arg6[%dma_wait3A_95, %dma_wait3A_96] : memref<10240x128xf32, #tpu.memory_space<vmem_shared>> -> memref<10240x128xf32, #tpu.memory_space<vmem_shared>>
      tpu.wait_indirect_dma semaphore(%run_scoped3A_85 : memref<!tpu.dma_semaphore, #tpu.memory_space<semaphore_mem>>) src(%arg10 : memref<128x128xf32, #tpu.memory_space<vmem>>) dst(%dma_wait3A_97 : memref<10240x128xf32, #tpu.memory_space<vmem_shared>>)
      tpu.yield
    }) : () -> ()
    "tpu.region"() ({
      %run_scoped3A_85 = tpu.sem_alloc : memref<!tpu.dma_semaphore, #tpu.memory_space<semaphore_mem>>
      %dma_start3A_86 = arith.constant 40 : i32
      %dma_start3A_87 = arith.constant 0 : i32
      %dma_start3A_88 = tpu.memref_slice %arg2[%add3A, %dma_start3A_86, %dma_start3A_87] : memref<32x80x128xi32, #tpu.memory_space<hbm>> -> memref<1x40x128xi32, #tpu.memory_space<hbm>>
      %dma_start3A_89 = tpu.memref_squeeze %dma_start3A_88 : memref<1x40x128xi32, #tpu.memory_space<hbm>> -> memref<40x128xi32, #tpu.memory_space<hbm>>
      %dma_start3A_90 = arith.constant 40 : i32
      %dma_start3A_91 = arith.constant 0 : i32
      %dma_start3A_92 = tpu.memref_slice %arg2[%add3A, %dma_start3A_90, %dma_start3A_91] : memref<32x80x128xi32, #tpu.memory_space<hbm>> -> memref<1x40x128xi32, #tpu.memory_space<hbm>>
      %dma_start3A_93 = tpu.memref_squeeze %dma_start3A_92 : memref<1x40x128xi32, #tpu.memory_space<hbm>> -> memref<40x128xi32, #tpu.memory_space<hbm>>
      tpu.enqueue_dma source(%dma_start3A_93 : memref<40x128xi32, #tpu.memory_space<hbm>>) target(%arg7 : memref<40x128xi32, #tpu.memory_space<vmem>>) target_semaphore(%run_scoped3A_85 : memref<!tpu.dma_semaphore, #tpu.memory_space<semaphore_mem>>)
      %dma_wait3A_94 = arith.constant 40 : i32
      %dma_wait3A_95 = arith.constant 0 : i32
      %dma_wait3A_96 = tpu.memref_slice %arg2[%add3A, %dma_wait3A_94, %dma_wait3A_95] : memref<32x80x128xi32, #tpu.memory_space<hbm>> -> memref<1x40x128xi32, #tpu.memory_space<hbm>>
      %dma_wait3A_97 = tpu.memref_squeeze %dma_wait3A_96 : memref<1x40x128xi32, #tpu.memory_space<hbm>> -> memref<40x128xi32, #tpu.memory_space<hbm>>
      %dma_wait3A_98 = arith.constant 40 : i32
      %dma_wait3A_99 = arith.constant 0 : i32
      %dma_wait3A_100 = tpu.memref_slice %arg2[%add3A, %dma_wait3A_98, %dma_wait3A_99] : memref<32x80x128xi32, #tpu.memory_space<hbm>> -> memref<1x40x128xi32, #tpu.memory_space<hbm>>
      %dma_wait3A_101 = tpu.memref_squeeze %dma_wait3A_100 : memref<1x40x128xi32, #tpu.memory_space<hbm>> -> memref<40x128xi32, #tpu.memory_space<hbm>>
      tpu.wait_dma2 semaphore(%run_scoped3A_85 : memref<!tpu.dma_semaphore, #tpu.memory_space<semaphore_mem>>) src(%dma_wait3A_101 : memref<40x128xi32, #tpu.memory_space<hbm>>) dst(%arg7 : memref<40x128xi32, #tpu.memory_space<vmem>>)
      tpu.yield
    }) : () -> ()
    "tpu.region"() ({
      %run_scoped3A_85 = tpu.sem_alloc : memref<!tpu.dma_semaphore, #tpu.memory_space<semaphore_mem>>
      %dma_start3A_86 = arith.constant 40 : i32
      %dma_start3A_87 = arith.constant 0 : i32
      %dma_start3A_88 = tpu.memref_slice %arg3[%add3A, %dma_start3A_86, %dma_start3A_87] : memref<32x80x128xi32, #tpu.memory_space<hbm>> -> memref<1x40x128xi32, #tpu.memory_space<hbm>>
      %dma_start3A_89 = tpu.memref_squeeze %dma_start3A_88 : memref<1x40x128xi32, #tpu.memory_space<hbm>> -> memref<40x128xi32, #tpu.memory_space<hbm>>
      %dma_start3A_90 = arith.constant 40 : i32
      %dma_start3A_91 = arith.constant 0 : i32
      %dma_start3A_92 = tpu.memref_slice %arg3[%add3A, %dma_start3A_90, %dma_start3A_91] : memref<32x80x128xi32, #tpu.memory_space<hbm>> -> memref<1x40x128xi32, #tpu.memory_space<hbm>>
      %dma_start3A_93 = tpu.memref_squeeze %dma_start3A_92 : memref<1x40x128xi32, #tpu.memory_space<hbm>> -> memref<40x128xi32, #tpu.memory_space<hbm>>
      tpu.enqueue_dma source(%dma_start3A_93 : memref<40x128xi32, #tpu.memory_space<hbm>>) target(%arg8 : memref<40x128xi32, #tpu.memory_space<vmem>>) target_semaphore(%run_scoped3A_85 : memref<!tpu.dma_semaphore, #tpu.memory_space<semaphore_mem>>)
      %dma_wait3A_94 = arith.constant 40 : i32
      %dma_wait3A_95 = arith.constant 0 : i32
      %dma_wait3A_96 = tpu.memref_slice %arg3[%add3A, %dma_wait3A_94, %dma_wait3A_95] : memref<32x80x128xi32, #tpu.memory_space<hbm>> -> memref<1x40x128xi32, #tpu.memory_space<hbm>>
      %dma_wait3A_97 = tpu.memref_squeeze %dma_wait3A_96 : memref<1x40x128xi32, #tpu.memory_space<hbm>> -> memref<40x128xi32, #tpu.memory_space<hbm>>
      %dma_wait3A_98 = arith.constant 40 : i32
      %dma_wait3A_99 = arith.constant 0 : i32
      %dma_wait3A_100 = tpu.memref_slice %arg3[%add3A, %dma_wait3A_98, %dma_wait3A_99] : memref<32x80x128xi32, #tpu.memory_space<hbm>> -> memref<1x40x128xi32, #tpu.memory_space<hbm>>
      %dma_wait3A_101 = tpu.memref_squeeze %dma_wait3A_100 : memref<1x40x128xi32, #tpu.memory_space<hbm>> -> memref<40x128xi32, #tpu.memory_space<hbm>>
      tpu.wait_dma2 semaphore(%run_scoped3A_85 : memref<!tpu.dma_semaphore, #tpu.memory_space<semaphore_mem>>) src(%dma_wait3A_101 : memref<40x128xi32, #tpu.memory_space<hbm>>) dst(%arg8 : memref<40x128xi32, #tpu.memory_space<vmem>>)
      tpu.yield
    }) : () -> ()
    %dma_start3A_42 = arith.constant 0 : i32
    %dma_start3A_43 = arith.constant 0 : i32
    %dma_start3A_44 = tpu.memref_slice %arg7[%dma_start3A_42, %dma_start3A_43] : memref<40x128xi32, #tpu.memory_space<vmem>> -> memref<1x128xi32, #tpu.memory_space<vmem>>
    %dma_start3A_45 = tpu.memref_squeeze %dma_start3A_44 : memref<1x128xi32, #tpu.memory_space<vmem>> -> memref<128xi32, #tpu.memory_space<vmem>>
    %dma_start3A_46 = arith.constant 0 : i32
    %dma_start3A_47 = arith.constant 0 : i32
    %dma_start3A_48 = tpu.memref_slice %arg4[%dma_start3A_46, %dma_start3A_47] : memref<10000x128xf32, #tpu.memory_space<hbm>> -> memref<10000x128xf32, #tpu.memory_space<hbm>>
    tpu.enqueue_indirect_dma source(%dma_start3A_48 : memref<10000x128xf32, #tpu.memory_space<hbm>>) target(%arg9 : memref<128x128xf32, #tpu.memory_space<vmem>>) offsets(%dma_start3A_45 : memref<128xi32, #tpu.memory_space<vmem>>) semaphore(%arg11 : memref<!tpu.dma_semaphore, #tpu.memory_space<semaphore_mem>>)
    %scan3A_49 = arith.constant 0 : i32
    %scan3A_50 = arith.constant 19 : i32
    %scan3A_51 = arith.addi %scan3A_49, %scan3A_50 : i32
    %scan3A_52 = arith.constant 1 : i32
    scf.for %scan3A_85 = %scan3A_49 to %scan3A_51 step %scan3A_52  : i32 {
      %mul3A_86 = arith.constant 2 : i32
      %mul3A_87 = arith.muli %scan3A_85, %mul3A_86 : i32
      %add3A_88 = arith.constant 0 : i32
      %add3A_89 = arith.addi %add3A_88, %mul3A_87 : i32
      %add3A_90 = arith.constant 1 : i32
      %add3A_91 = arith.addi %add3A_89, %add3A_90 : i32
      %dma_start3A_92 = arith.constant 0 : i32
      %dma_start3A_93 = tpu.memref_slice %arg7[%add3A_91, %dma_start3A_92] : memref<40x128xi32, #tpu.memory_space<vmem>> -> memref<1x128xi32, #tpu.memory_space<vmem>>
      %dma_start3A_94 = tpu.memref_squeeze %dma_start3A_93 : memref<1x128xi32, #tpu.memory_space<vmem>> -> memref<128xi32, #tpu.memory_space<vmem>>
      %dma_start3A_95 = arith.constant 0 : i32
      %dma_start3A_96 = arith.constant 0 : i32
      %dma_start3A_97 = tpu.memref_slice %arg4[%dma_start3A_95, %dma_start3A_96] : memref<10000x128xf32, #tpu.memory_space<hbm>> -> memref<10000x128xf32, #tpu.memory_space<hbm>>
      tpu.enqueue_indirect_dma source(%dma_start3A_97 : memref<10000x128xf32, #tpu.memory_space<hbm>>) target(%arg10 : memref<128x128xf32, #tpu.memory_space<vmem>>) offsets(%dma_start3A_94 : memref<128xi32, #tpu.memory_space<vmem>>) semaphore(%arg12 : memref<!tpu.dma_semaphore, #tpu.memory_space<semaphore_mem>>)
      %dma_wait3A_98 = arith.constant 0 : i32
      %dma_wait3A_99 = tpu.memref_slice %arg7[%add3A_89, %dma_wait3A_98] : memref<40x128xi32, #tpu.memory_space<vmem>> -> memref<1x128xi32, #tpu.memory_space<vmem>>
      %dma_wait3A_100 = tpu.memref_squeeze %dma_wait3A_99 : memref<1x128xi32, #tpu.memory_space<vmem>> -> memref<128xi32, #tpu.memory_space<vmem>>
      %dma_wait3A_101 = arith.constant 0 : i32
      %dma_wait3A_102 = arith.constant 0 : i32
      %dma_wait3A_103 = tpu.memref_slice %arg4[%dma_wait3A_101, %dma_wait3A_102] : memref<10000x128xf32, #tpu.memory_space<hbm>> -> memref<10000x128xf32, #tpu.memory_space<hbm>>
      tpu.wait_indirect_dma semaphore(%arg11 : memref<!tpu.dma_semaphore, #tpu.memory_space<semaphore_mem>>) src(%dma_wait3A_103 : memref<10000x128xf32, #tpu.memory_space<hbm>>) dst(%arg9 : memref<128x128xf32, #tpu.memory_space<vmem>>)
      "tpu.region"() ({
        %run_scoped3A_122 = tpu.sem_alloc : memref<!tpu.dma_semaphore, #tpu.memory_space<semaphore_mem>>
        %dma_start3A_123 = arith.constant 0 : i32
        %dma_start3A_124 = tpu.memref_slice %arg8[%add3A_89, %dma_start3A_123] : memref<40x128xi32, #tpu.memory_space<vmem>> -> memref<1x128xi32, #tpu.memory_space<vmem>>
        %dma_start3A_125 = tpu.memref_squeeze %dma_start3A_124 : memref<1x128xi32, #tpu.memory_space<vmem>> -> memref<128xi32, #tpu.memory_space<vmem>>
        %dma_start3A_126 = arith.constant 0 : i32
        %dma_start3A_127 = arith.constant 0 : i32
        %dma_start3A_128 = tpu.memref_slice %arg6[%dma_start3A_126, %dma_start3A_127] : memref<10240x128xf32, #tpu.memory_space<vmem_shared>> -> memref<10240x128xf32, #tpu.memory_space<vmem_shared>>
        tpu.enqueue_indirect_dma source(%arg9 : memref<128x128xf32, #tpu.memory_space<vmem>>) target(%dma_start3A_128 : memref<10240x128xf32, #tpu.memory_space<vmem_shared>>) offsets(%dma_start3A_125 : memref<128xi32, #tpu.memory_space<vmem>>) semaphore(%run_scoped3A_122 : memref<!tpu.dma_semaphore, #tpu.memory_space<semaphore_mem>>) {add = true}
        %dma_wait3A_129 = arith.constant 0 : i32
        %dma_wait3A_130 = tpu.memref_slice %arg8[%add3A_89, %dma_wait3A_129] : memref<40x128xi32, #tpu.memory_space<vmem>> -> memref<1x128xi32, #tpu.memory_space<vmem>>
        %dma_wait3A_131 = tpu.memref_squeeze %dma_wait3A_130 : memref<1x128xi32, #tpu.memory_space<vmem>> -> memref<128xi32, #tpu.memory_space<vmem>>
        %dma_wait3A_132 = arith.constant 0 : i32
        %dma_wait3A_133 = arith.constant 0 : i32
        %dma_wait3A_134 = tpu.memref_slice %arg6[%dma_wait3A_132, %dma_wait3A_133] : memref<10240x128xf32, #tpu.memory_space<vmem_shared>> -> memref<10240x128xf32, #tpu.memory_space<vmem_shared>>
        tpu.wait_indirect_dma semaphore(%run_scoped3A_122 : memref<!tpu.dma_semaphore, #tpu.memory_space<semaphore_mem>>) src(%arg9 : memref<128x128xf32, #tpu.memory_space<vmem>>) dst(%dma_wait3A_134 : memref<10240x128xf32, #tpu.memory_space<vmem_shared>>)
        tpu.yield
      }) : () -> ()
      %add3A_104 = arith.constant 2 : i32
      %add3A_105 = arith.addi %add3A_89, %add3A_104 : i32
      %dma_start3A_106 = arith.constant 0 : i32
      %dma_start3A_107 = tpu.memref_slice %arg7[%add3A_105, %dma_start3A_106] : memref<40x128xi32, #tpu.memory_space<vmem>> -> memref<1x128xi32, #tpu.memory_space<vmem>>
      %dma_start3A_108 = tpu.memref_squeeze %dma_start3A_107 : memref<1x128xi32, #tpu.memory_space<vmem>> -> memref<128xi32, #tpu.memory_space<vmem>>
      %dma_start3A_109 = arith.constant 0 : i32
      %dma_start3A_110 = arith.constant 0 : i32
      %dma_start3A_111 = tpu.memref_slice %arg4[%dma_start3A_109, %dma_start3A_110] : memref<10000x128xf32, #tpu.memory_space<hbm>> -> memref<10000x128xf32, #tpu.memory_space<hbm>>
      tpu.enqueue_indirect_dma source(%dma_start3A_111 : memref<10000x128xf32, #tpu.memory_space<hbm>>) target(%arg9 : memref<128x128xf32, #tpu.memory_space<vmem>>) offsets(%dma_start3A_108 : memref<128xi32, #tpu.memory_space<vmem>>) semaphore(%arg11 : memref<!tpu.dma_semaphore, #tpu.memory_space<semaphore_mem>>)
      %add3A_112 = arith.constant 1 : i32
      %add3A_113 = arith.addi %add3A_89, %add3A_112 : i32
      %dma_wait3A_114 = arith.constant 0 : i32
      %dma_wait3A_115 = tpu.memref_slice %arg7[%add3A_113, %dma_wait3A_114] : memref<40x128xi32, #tpu.memory_space<vmem>> -> memref<1x128xi32, #tpu.memory_space<vmem>>
      %dma_wait3A_116 = tpu.memref_squeeze %dma_wait3A_115 : memref<1x128xi32, #tpu.memory_space<vmem>> -> memref<128xi32, #tpu.memory_space<vmem>>
      %dma_wait3A_117 = arith.constant 0 : i32
      %dma_wait3A_118 = arith.constant 0 : i32
      %dma_wait3A_119 = tpu.memref_slice %arg4[%dma_wait3A_117, %dma_wait3A_118] : memref<10000x128xf32, #tpu.memory_space<hbm>> -> memref<10000x128xf32, #tpu.memory_space<hbm>>
      tpu.wait_indirect_dma semaphore(%arg12 : memref<!tpu.dma_semaphore, #tpu.memory_space<semaphore_mem>>) src(%dma_wait3A_119 : memref<10000x128xf32, #tpu.memory_space<hbm>>) dst(%arg10 : memref<128x128xf32, #tpu.memory_space<vmem>>)
      %add3A_120 = arith.constant 1 : i32
      %add3A_121 = arith.addi %add3A_89, %add3A_120 : i32
      "tpu.region"() ({
        %run_scoped3A_122 = tpu.sem_alloc : memref<!tpu.dma_semaphore, #tpu.memory_space<semaphore_mem>>
        %dma_start3A_123 = arith.constant 0 : i32
        %dma_start3A_124 = tpu.memref_slice %arg8[%add3A_121, %dma_start3A_123] : memref<40x128xi32, #tpu.memory_space<vmem>> -> memref<1x128xi32, #tpu.memory_space<vmem>>
        %dma_start3A_125 = tpu.memref_squeeze %dma_start3A_124 : memref<1x128xi32, #tpu.memory_space<vmem>> -> memref<128xi32, #tpu.memory_space<vmem>>
        %dma_start3A_126 = arith.constant 0 : i32
        %dma_start3A_127 = arith.constant 0 : i32
        %dma_start3A_128 = tpu.memref_slice %arg6[%dma_start3A_126, %dma_start3A_127] : memref<10240x128xf32, #tpu.memory_space<vmem_shared>> -> memref<10240x128xf32, #tpu.memory_space<vmem_shared>>
        tpu.enqueue_indirect_dma source(%arg10 : memref<128x128xf32, #tpu.memory_space<vmem>>) target(%dma_start3A_128 : memref<10240x128xf32, #tpu.memory_space<vmem_shared>>) offsets(%dma_start3A_125 : memref<128xi32, #tpu.memory_space<vmem>>) semaphore(%run_scoped3A_122 : memref<!tpu.dma_semaphore, #tpu.memory_space<semaphore_mem>>) {add = true}
        %dma_wait3A_129 = arith.constant 0 : i32
        %dma_wait3A_130 = tpu.memref_slice %arg8[%add3A_121, %dma_wait3A_129] : memref<40x128xi32, #tpu.memory_space<vmem>> -> memref<1x128xi32, #tpu.memory_space<vmem>>
        %dma_wait3A_131 = tpu.memref_squeeze %dma_wait3A_130 : memref<1x128xi32, #tpu.memory_space<vmem>> -> memref<128xi32, #tpu.memory_space<vmem>>
        %dma_wait3A_132 = arith.constant 0 : i32
        %dma_wait3A_133 = arith.constant 0 : i32
        %dma_wait3A_134 = tpu.memref_slice %arg6[%dma_wait3A_132, %dma_wait3A_133] : memref<10240x128xf32, #tpu.memory_space<vmem_shared>> -> memref<10240x128xf32, #tpu.memory_space<vmem_shared>>
        tpu.wait_indirect_dma semaphore(%run_scoped3A_122 : memref<!tpu.dma_semaphore, #tpu.memory_space<semaphore_mem>>) src(%arg10 : memref<128x128xf32, #tpu.memory_space<vmem>>) dst(%dma_wait3A_134 : memref<10240x128xf32, #tpu.memory_space<vmem_shared>>)
        tpu.yield
      }) : () -> ()
    }
    %scan3A_53 = arith.constant 19 : i32
    %dma_start3A_54 = arith.constant 39 : i32
    %dma_start3A_55 = arith.constant 0 : i32
    %dma_start3A_56 = tpu.memref_slice %arg7[%dma_start3A_54, %dma_start3A_55] : memref<40x128xi32, #tpu.memory_space<vmem>> -> memref<1x128xi32, #tpu.memory_space<vmem>>
    %dma_start3A_57 = tpu.memref_squeeze %dma_start3A_56 : memref<1x128xi32, #tpu.memory_space<vmem>> -> memref<128xi32, #tpu.memory_space<vmem>>
    %dma_start3A_58 = arith.constant 0 : i32
    %dma_start3A_59 = arith.constant 0 : i32
    %dma_start3A_60 = tpu.memref_slice %arg4[%dma_start3A_58, %dma_start3A_59] : memref<10000x128xf32, #tpu.memory_space<hbm>> -> memref<10000x128xf32, #tpu.memory_space<hbm>>
    tpu.enqueue_indirect_dma source(%dma_start3A_60 : memref<10000x128xf32, #tpu.memory_space<hbm>>) target(%arg10 : memref<128x128xf32, #tpu.memory_space<vmem>>) offsets(%dma_start3A_57 : memref<128xi32, #tpu.memory_space<vmem>>) semaphore(%arg12 : memref<!tpu.dma_semaphore, #tpu.memory_space<semaphore_mem>>)
    %dma_wait3A_61 = arith.constant 38 : i32
    %dma_wait3A_62 = arith.constant 0 : i32
    %dma_wait3A_63 = tpu.memref_slice %arg7[%dma_wait3A_61, %dma_wait3A_62] : memref<40x128xi32, #tpu.memory_space<vmem>> -> memref<1x128xi32, #tpu.memory_space<vmem>>
    %dma_wait3A_64 = tpu.memref_squeeze %dma_wait3A_63 : memref<1x128xi32, #tpu.memory_space<vmem>> -> memref<128xi32, #tpu.memory_space<vmem>>
    %dma_wait3A_65 = arith.constant 0 : i32
    %dma_wait3A_66 = arith.constant 0 : i32
    %dma_wait3A_67 = tpu.memref_slice %arg4[%dma_wait3A_65, %dma_wait3A_66] : memref<10000x128xf32, #tpu.memory_space<hbm>> -> memref<10000x128xf32, #tpu.memory_space<hbm>>
    tpu.wait_indirect_dma semaphore(%arg11 : memref<!tpu.dma_semaphore, #tpu.memory_space<semaphore_mem>>) src(%dma_wait3A_67 : memref<10000x128xf32, #tpu.memory_space<hbm>>) dst(%arg9 : memref<128x128xf32, #tpu.memory_space<vmem>>)
    %run_scoped3A_68 = arith.constant 38 : i32
    "tpu.region"() ({
      %run_scoped3A_85 = tpu.sem_alloc : memref<!tpu.dma_semaphore, #tpu.memory_space<semaphore_mem>>
      %dma_start3A_86 = arith.constant 0 : i32
      %dma_start3A_87 = tpu.memref_slice %arg8[%run_scoped3A_68, %dma_start3A_86] : memref<40x128xi32, #tpu.memory_space<vmem>> -> memref<1x128xi32, #tpu.memory_space<vmem>>
      %dma_start3A_88 = tpu.memref_squeeze %dma_start3A_87 : memref<1x128xi32, #tpu.memory_space<vmem>> -> memref<128xi32, #tpu.memory_space<vmem>>
      %dma_start3A_89 = arith.constant 0 : i32
      %dma_start3A_90 = arith.constant 0 : i32
      %dma_start3A_91 = tpu.memref_slice %arg6[%dma_start3A_89, %dma_start3A_90] : memref<10240x128xf32, #tpu.memory_space<vmem_shared>> -> memref<10240x128xf32, #tpu.memory_space<vmem_shared>>
      tpu.enqueue_indirect_dma source(%arg9 : memref<128x128xf32, #tpu.memory_space<vmem>>) target(%dma_start3A_91 : memref<10240x128xf32, #tpu.memory_space<vmem_shared>>) offsets(%dma_start3A_88 : memref<128xi32, #tpu.memory_space<vmem>>) semaphore(%run_scoped3A_85 : memref<!tpu.dma_semaphore, #tpu.memory_space<semaphore_mem>>) {add = true}
      %dma_wait3A_92 = arith.constant 0 : i32
      %dma_wait3A_93 = tpu.memref_slice %arg8[%run_scoped3A_68, %dma_wait3A_92] : memref<40x128xi32, #tpu.memory_space<vmem>> -> memref<1x128xi32, #tpu.memory_space<vmem>>
      %dma_wait3A_94 = tpu.memref_squeeze %dma_wait3A_93 : memref<1x128xi32, #tpu.memory_space<vmem>> -> memref<128xi32, #tpu.memory_space<vmem>>
      %dma_wait3A_95 = arith.constant 0 : i32
      %dma_wait3A_96 = arith.constant 0 : i32
      %dma_wait3A_97 = tpu.memref_slice %arg6[%dma_wait3A_95, %dma_wait3A_96] : memref<10240x128xf32, #tpu.memory_space<vmem_shared>> -> memref<10240x128xf32, #tpu.memory_space<vmem_shared>>
      tpu.wait_indirect_dma semaphore(%run_scoped3A_85 : memref<!tpu.dma_semaphore, #tpu.memory_space<semaphore_mem>>) src(%arg9 : memref<128x128xf32, #tpu.memory_space<vmem>>) dst(%dma_wait3A_97 : memref<10240x128xf32, #tpu.memory_space<vmem_shared>>)
      tpu.yield
    }) : () -> ()
    %dma_wait3A_69 = arith.constant 39 : i32
    %dma_wait3A_70 = arith.constant 0 : i32
    %dma_wait3A_71 = tpu.memref_slice %arg7[%dma_wait3A_69, %dma_wait3A_70] : memref<40x128xi32, #tpu.memory_space<vmem>> -> memref<1x128xi32, #tpu.memory_space<vmem>>
    %dma_wait3A_72 = tpu.memref_squeeze %dma_wait3A_71 : memref<1x128xi32, #tpu.memory_space<vmem>> -> memref<128xi32, #tpu.memory_space<vmem>>
    %dma_wait3A_73 = arith.constant 0 : i32
    %dma_wait3A_74 = arith.constant 0 : i32
    %dma_wait3A_75 = tpu.memref_slice %arg4[%dma_wait3A_73, %dma_wait3A_74] : memref<10000x128xf32, #tpu.memory_space<hbm>> -> memref<10000x128xf32, #tpu.memory_space<hbm>>
    tpu.wait_indirect_dma semaphore(%arg12 : memref<!tpu.dma_semaphore, #tpu.memory_space<semaphore_mem>>) src(%dma_wait3A_75 : memref<10000x128xf32, #tpu.memory_space<hbm>>) dst(%arg10 : memref<128x128xf32, #tpu.memory_space<vmem>>)
    %run_scoped3A_76 = arith.constant 39 : i32
    "tpu.region"() ({
      %run_scoped3A_85 = tpu.sem_alloc : memref<!tpu.dma_semaphore, #tpu.memory_space<semaphore_mem>>
      %dma_start3A_86 = arith.constant 0 : i32
      %dma_start3A_87 = tpu.memref_slice %arg8[%run_scoped3A_76, %dma_start3A_86] : memref<40x128xi32, #tpu.memory_space<vmem>> -> memref<1x128xi32, #tpu.memory_space<vmem>>
      %dma_start3A_88 = tpu.memref_squeeze %dma_start3A_87 : memref<1x128xi32, #tpu.memory_space<vmem>> -> memref<128xi32, #tpu.memory_space<vmem>>
      %dma_start3A_89 = arith.constant 0 : i32
      %dma_start3A_90 = arith.constant 0 : i32
      %dma_start3A_91 = tpu.memref_slice %arg6[%dma_start3A_89, %dma_start3A_90] : memref<10240x128xf32, #tpu.memory_space<vmem_shared>> -> memref<10240x128xf32, #tpu.memory_space<vmem_shared>>
      tpu.enqueue_indirect_dma source(%arg10 : memref<128x128xf32, #tpu.memory_space<vmem>>) target(%dma_start3A_91 : memref<10240x128xf32, #tpu.memory_space<vmem_shared>>) offsets(%dma_start3A_88 : memref<128xi32, #tpu.memory_space<vmem>>) semaphore(%run_scoped3A_85 : memref<!tpu.dma_semaphore, #tpu.memory_space<semaphore_mem>>) {add = true}
      %dma_wait3A_92 = arith.constant 0 : i32
      %dma_wait3A_93 = tpu.memref_slice %arg8[%run_scoped3A_76, %dma_wait3A_92] : memref<40x128xi32, #tpu.memory_space<vmem>> -> memref<1x128xi32, #tpu.memory_space<vmem>>
      %dma_wait3A_94 = tpu.memref_squeeze %dma_wait3A_93 : memref<1x128xi32, #tpu.memory_space<vmem>> -> memref<128xi32, #tpu.memory_space<vmem>>
      %dma_wait3A_95 = arith.constant 0 : i32
      %dma_wait3A_96 = arith.constant 0 : i32
      %dma_wait3A_97 = tpu.memref_slice %arg6[%dma_wait3A_95, %dma_wait3A_96] : memref<10240x128xf32, #tpu.memory_space<vmem_shared>> -> memref<10240x128xf32, #tpu.memory_space<vmem_shared>>
      tpu.wait_indirect_dma semaphore(%run_scoped3A_85 : memref<!tpu.dma_semaphore, #tpu.memory_space<semaphore_mem>>) src(%arg10 : memref<128x128xf32, #tpu.memory_space<vmem>>) dst(%dma_wait3A_97 : memref<10240x128xf32, #tpu.memory_space<vmem_shared>>)
      tpu.yield
    }) : () -> ()
    %barrier3A_77 = arith.constant 0 : index
    tpu.barrier barrier_id(%barrier3A_77)
    %mul3A_78 = arith.constant 640 : i32
    %mul3A_79 = arith.muli %arg1, %mul3A_78 : i32
    %mul3A_80 = arith.constant 10240 : i32
    %mul3A_81 = arith.muli %arg0, %mul3A_80 : i32
    %mul3A_82 = arith.constant 640 : i32
    %mul3A_83 = arith.muli %arg1, %mul3A_82 : i32
    %add3A_84 = arith.addi %mul3A_81, %mul3A_83 : i32
    "tpu.region"() ({
      %run_scoped3A_85 = tpu.sem_alloc : memref<!tpu.dma_semaphore, #tpu.memory_space<semaphore_mem>>
      %dma_start3A_86 = arith.constant 0 : i32
      %dma_start3A_87 = tpu.memref_slice %arg5[%add3A_84, %dma_start3A_86] : memref<20480x128xf32, #tpu.memory_space<hbm>> -> memref<640x128xf32, #tpu.memory_space<hbm>>
      %dma_start3A_88 = arith.constant 0 : i32
      %dma_start3A_89 = tpu.memref_slice %arg6[%mul3A_79, %dma_start3A_88] : memref<10240x128xf32, #tpu.memory_space<vmem_shared>> -> memref<640x128xf32, #tpu.memory_space<vmem_shared>>
      tpu.enqueue_dma source(%dma_start3A_89 : memref<640x128xf32, #tpu.memory_space<vmem_shared>>) target(%dma_start3A_87 : memref<640x128xf32, #tpu.memory_space<hbm>>) target_semaphore(%run_scoped3A_85 : memref<!tpu.dma_semaphore, #tpu.memory_space<semaphore_mem>>)
      %dma_wait3A_90 = arith.constant 0 : i32
      %dma_wait3A_91 = tpu.memref_slice %arg5[%add3A_84, %dma_wait3A_90] : memref<20480x128xf32, #tpu.memory_space<hbm>> -> memref<640x128xf32, #tpu.memory_space<hbm>>
      %dma_wait3A_92 = arith.constant 0 : i32
      %dma_wait3A_93 = tpu.memref_slice %arg6[%mul3A_79, %dma_wait3A_92] : memref<10240x128xf32, #tpu.memory_space<vmem_shared>> -> memref<640x128xf32, #tpu.memory_space<vmem_shared>>
      tpu.wait_dma2 semaphore(%run_scoped3A_85 : memref<!tpu.dma_semaphore, #tpu.memory_space<semaphore_mem>>) src(%dma_wait3A_93 : memref<640x128xf32, #tpu.memory_space<vmem_shared>>) dst(%dma_wait3A_91 : memref<640x128xf32, #tpu.memory_space<hbm>>)
      tpu.yield
    }) : () -> ()
    return
  }
}

#map = affine_map<(d0, d1) -> (0, 0, 0)>
#map1 = affine_map<(d0, d1) -> (0)>
module attributes {stable_mosaic.version = 14 : i64} {
  func.func @_deg_body(%arg0: i32, %arg1: i32, %arg2: memref<32x80x128xi32, #tpu.memory_space<hbm>>, %arg3: memref<20480xf32, #tpu.memory_space<hbm>>, %arg4: memref<10240xf32, #tpu.memory_space<vmem_shared>>, %arg5: memref<128xf32, #tpu.memory_space<vmem>>, %arg6: memref<80x128xi32, #tpu.memory_space<vmem>>, %arg7: memref<640xf32, #tpu.memory_space<vmem>>) attributes {dimension_semantics = [#tpu.dimension_semantics<core_parallel>, #tpu.dimension_semantics<subcore_parallel>], iteration_bounds = array<i64: 2, 16>, scalar_prefetch = 0 : i64, scratch_operands = 4 : i64, tpu.core_type = #tpu.core_type<sc_vector_subcore>, window_params = [{transform_indices = #map}, {transform_indices = #map1}]} {
    %mul3A = arith.constant 16 : i32
    %mul3A_0 = arith.muli %arg0, %mul3A : i32
    %add3A = arith.addi %mul3A_0, %arg1 : i32
    %scan3A = arith.constant 0 : i32
    %scan3A_1 = arith.constant 8 : i32
    %scan3A_2 = arith.addi %scan3A, %scan3A_1 : i32
    %scan3A_3 = arith.constant 1 : i32
    scf.for %scan3A_25 = %scan3A to %scan3A_2 step %scan3A_3  : i32 {
      %mul3A_26 = arith.constant 1 : i32
      %mul3A_27 = arith.muli %scan3A_25, %mul3A_26 : i32
      %add3A_28 = arith.constant 0 : i32
      %add3A_29 = arith.addi %add3A_28, %mul3A_27 : i32
      %mul3A_30 = arith.constant 16 : i32
      %mul3A_31 = arith.muli %add3A_29, %mul3A_30 : i32
      %min3A = arith.constant 112 : i32
      %min3A_32 = arith.minsi %mul3A_31, %min3A : i32
      %broadcast_in_dim3A = arith.constant 1.000000e+00 : f32
      %broadcast_in_dim3A_33 = vector.broadcast %broadcast_in_dim3A : f32 to vector<16xf32>
      %swap3A = arith.index_cast %min3A_32 : i32 to index
      %swap3A_34 = tpu.vector_load %arg5[%swap3A] {strides = array<i32>} : memref<128xf32, #tpu.memory_space<vmem>>, vector<16xf32>,
      %swap3A_35 = vector.shape_cast %swap3A_34 : vector<16xf32> to vector<16xf32>
      %swap3A_36 = vector.shape_cast %broadcast_in_dim3A_33 : vector<16xf32> to vector<16xf32>
      tpu.vector_store %arg5[%swap3A], %swap3A_36 {strides = array<i32>} : memref<128xf32, #tpu.memory_space<vmem>>, vector<16xf32>,
    }
    %scan3A_4 = arith.constant 8 : i32
    %scan3A_5 = arith.constant 0 : i32
    %scan3A_6 = arith.constant 40 : i32
    %scan3A_7 = arith.addi %scan3A_5, %scan3A_6 : i32
    %scan3A_8 = arith.constant 1 : i32
    scf.for %scan3A_25 = %scan3A_5 to %scan3A_7 step %scan3A_8  : i32 {
      %mul3A_26 = arith.constant 1 : i32
      %mul3A_27 = arith.muli %scan3A_25, %mul3A_26 : i32
      %add3A_28 = arith.constant 0 : i32
      %add3A_29 = arith.addi %add3A_28, %mul3A_27 : i32
      %broadcast_in_dim3A = arith.constant 0.000000e+00 : f32
      %broadcast_in_dim3A_30 = vector.broadcast %broadcast_in_dim3A : f32 to vector<16xf32>
      %mul3A_31 = arith.constant 16 : i32
      %mul3A_32 = arith.muli %add3A_29, %mul3A_31 : i32
      %swap3A = arith.index_cast %mul3A_32 : i32 to index
      %swap3A_33 = tpu.vector_load %arg7[%swap3A] {strides = array<i32>} : memref<640xf32, #tpu.memory_space<vmem>>, vector<16xf32>,
      %swap3A_34 = vector.shape_cast %swap3A_33 : vector<16xf32> to vector<16xf32>
      %swap3A_35 = vector.shape_cast %broadcast_in_dim3A_30 : vector<16xf32> to vector<16xf32>
      tpu.vector_store %arg7[%swap3A], %swap3A_35 {strides = array<i32>} : memref<640xf32, #tpu.memory_space<vmem>>, vector<16xf32>,
    }
    %scan3A_9 = arith.constant 40 : i32
    %mul3A_10 = arith.constant 640 : i32
    %mul3A_11 = arith.muli %arg1, %mul3A_10 : i32
    "tpu.region"() ({
      %run_scoped3A = tpu.sem_alloc : memref<!tpu.dma_semaphore, #tpu.memory_space<semaphore_mem>>
      %dma_start3A = tpu.memref_slice %arg4[%mul3A_11] : memref<10240xf32, #tpu.memory_space<vmem_shared>> -> memref<640xf32, #tpu.memory_space<vmem_shared>>
      %dma_start3A_25 = tpu.memref_slice %arg4[%mul3A_11] : memref<10240xf32, #tpu.memory_space<vmem_shared>> -> memref<640xf32, #tpu.memory_space<vmem_shared>>
      tpu.enqueue_dma source(%arg7 : memref<640xf32, #tpu.memory_space<vmem>>) target(%dma_start3A_25 : memref<640xf32, #tpu.memory_space<vmem_shared>>) target_semaphore(%run_scoped3A : memref<!tpu.dma_semaphore, #tpu.memory_space<semaphore_mem>>)
      %dma_wait3A = tpu.memref_slice %arg4[%mul3A_11] : memref<10240xf32, #tpu.memory_space<vmem_shared>> -> memref<640xf32, #tpu.memory_space<vmem_shared>>
      %dma_wait3A_26 = tpu.memref_slice %arg4[%mul3A_11] : memref<10240xf32, #tpu.memory_space<vmem_shared>> -> memref<640xf32, #tpu.memory_space<vmem_shared>>
      tpu.wait_dma2 semaphore(%run_scoped3A : memref<!tpu.dma_semaphore, #tpu.memory_space<semaphore_mem>>) src(%arg7 : memref<640xf32, #tpu.memory_space<vmem>>) dst(%dma_wait3A_26 : memref<640xf32, #tpu.memory_space<vmem_shared>>)
      tpu.yield
    }) : () -> ()
    "tpu.region"() ({
      %run_scoped3A = tpu.sem_alloc : memref<!tpu.dma_semaphore, #tpu.memory_space<semaphore_mem>>
      %dma_start3A = arith.constant 0 : i32
      %dma_start3A_25 = arith.constant 0 : i32
      %dma_start3A_26 = tpu.memref_slice %arg2[%add3A, %dma_start3A, %dma_start3A_25] : memref<32x80x128xi32, #tpu.memory_space<hbm>> -> memref<1x80x128xi32, #tpu.memory_space<hbm>>
      %dma_start3A_27 = tpu.memref_squeeze %dma_start3A_26 : memref<1x80x128xi32, #tpu.memory_space<hbm>> -> memref<80x128xi32, #tpu.memory_space<hbm>>
      %dma_start3A_28 = arith.constant 0 : i32
      %dma_start3A_29 = arith.constant 0 : i32
      %dma_start3A_30 = tpu.memref_slice %arg2[%add3A, %dma_start3A_28, %dma_start3A_29] : memref<32x80x128xi32, #tpu.memory_space<hbm>> -> memref<1x80x128xi32, #tpu.memory_space<hbm>>
      %dma_start3A_31 = tpu.memref_squeeze %dma_start3A_30 : memref<1x80x128xi32, #tpu.memory_space<hbm>> -> memref<80x128xi32, #tpu.memory_space<hbm>>
      tpu.enqueue_dma source(%dma_start3A_31 : memref<80x128xi32, #tpu.memory_space<hbm>>) target(%arg6 : memref<80x128xi32, #tpu.memory_space<vmem>>) target_semaphore(%run_scoped3A : memref<!tpu.dma_semaphore, #tpu.memory_space<semaphore_mem>>)
      %dma_wait3A = arith.constant 0 : i32
      %dma_wait3A_32 = arith.constant 0 : i32
      %dma_wait3A_33 = tpu.memref_slice %arg2[%add3A, %dma_wait3A, %dma_wait3A_32] : memref<32x80x128xi32, #tpu.memory_space<hbm>> -> memref<1x80x128xi32, #tpu.memory_space<hbm>>
      %dma_wait3A_34 = tpu.memref_squeeze %dma_wait3A_33 : memref<1x80x128xi32, #tpu.memory_space<hbm>> -> memref<80x128xi32, #tpu.memory_space<hbm>>
      %dma_wait3A_35 = arith.constant 0 : i32
      %dma_wait3A_36 = arith.constant 0 : i32
      %dma_wait3A_37 = tpu.memref_slice %arg2[%add3A, %dma_wait3A_35, %dma_wait3A_36] : memref<32x80x128xi32, #tpu.memory_space<hbm>> -> memref<1x80x128xi32, #tpu.memory_space<hbm>>
      %dma_wait3A_38 = tpu.memref_squeeze %dma_wait3A_37 : memref<1x80x128xi32, #tpu.memory_space<hbm>> -> memref<80x128xi32, #tpu.memory_space<hbm>>
      tpu.wait_dma2 semaphore(%run_scoped3A : memref<!tpu.dma_semaphore, #tpu.memory_space<semaphore_mem>>) src(%dma_wait3A_38 : memref<80x128xi32, #tpu.memory_space<hbm>>) dst(%arg6 : memref<80x128xi32, #tpu.memory_space<vmem>>)
      tpu.yield
    }) : () -> ()
    %barrier3A = arith.constant 0 : index
    tpu.barrier barrier_id(%barrier3A)
    %scan3A_12 = arith.constant 0 : i32
    %scan3A_13 = arith.constant 80 : i32
    %scan3A_14 = arith.addi %scan3A_12, %scan3A_13 : i32
    %scan3A_15 = arith.constant 1 : i32
    scf.for %scan3A_25 = %scan3A_12 to %scan3A_14 step %scan3A_15  : i32 {
      %mul3A_26 = arith.constant 1 : i32
      %mul3A_27 = arith.muli %scan3A_25, %mul3A_26 : i32
      %add3A_28 = arith.constant 0 : i32
      %add3A_29 = arith.addi %add3A_28, %mul3A_27 : i32
      "tpu.region"() ({
        %run_scoped3A = tpu.sem_alloc : memref<!tpu.dma_semaphore, #tpu.memory_space<semaphore_mem>>
        %dma_start3A = arith.constant 0 : i32
        %dma_start3A_30 = tpu.memref_slice %arg6[%add3A_29, %dma_start3A] : memref<80x128xi32, #tpu.memory_space<vmem>> -> memref<1x128xi32, #tpu.memory_space<vmem>>
        %dma_start3A_31 = tpu.memref_squeeze %dma_start3A_30 : memref<1x128xi32, #tpu.memory_space<vmem>> -> memref<128xi32, #tpu.memory_space<vmem>>
        %dma_start3A_32 = arith.constant 0 : i32
        %dma_start3A_33 = tpu.memref_slice %arg4[%dma_start3A_32] : memref<10240xf32, #tpu.memory_space<vmem_shared>> -> memref<10240xf32, #tpu.memory_space<vmem_shared>>
        tpu.enqueue_indirect_dma source(%arg5 : memref<128xf32, #tpu.memory_space<vmem>>) target(%dma_start3A_33 : memref<10240xf32, #tpu.memory_space<vmem_shared>>) offsets(%dma_start3A_31 : memref<128xi32, #tpu.memory_space<vmem>>) semaphore(%run_scoped3A : memref<!tpu.dma_semaphore, #tpu.memory_space<semaphore_mem>>) {add = true}
        %dma_wait3A = arith.constant 0 : i32
        %dma_wait3A_34 = tpu.memref_slice %arg6[%add3A_29, %dma_wait3A] : memref<80x128xi32, #tpu.memory_space<vmem>> -> memref<1x128xi32, #tpu.memory_space<vmem>>
        %dma_wait3A_35 = tpu.memref_squeeze %dma_wait3A_34 : memref<1x128xi32, #tpu.memory_space<vmem>> -> memref<128xi32, #tpu.memory_space<vmem>>
        %dma_wait3A_36 = arith.constant 0 : i32
        %dma_wait3A_37 = tpu.memref_slice %arg4[%dma_wait3A_36] : memref<10240xf32, #tpu.memory_space<vmem_shared>> -> memref<10240xf32, #tpu.memory_space<vmem_shared>>
        tpu.wait_indirect_dma semaphore(%run_scoped3A : memref<!tpu.dma_semaphore, #tpu.memory_space<semaphore_mem>>) src(%arg5 : memref<128xf32, #tpu.memory_space<vmem>>) dst(%dma_wait3A_37 : memref<10240xf32, #tpu.memory_space<vmem_shared>>)
        tpu.yield
      }) : () -> ()
    }
    %scan3A_16 = arith.constant 80 : i32
    %barrier3A_17 = arith.constant 0 : index
    tpu.barrier barrier_id(%barrier3A_17)
    %mul3A_18 = arith.constant 640 : i32
    %mul3A_19 = arith.muli %arg1, %mul3A_18 : i32
    %mul3A_20 = arith.constant 10240 : i32
    %mul3A_21 = arith.muli %arg0, %mul3A_20 : i32
    %mul3A_22 = arith.constant 640 : i32
    %mul3A_23 = arith.muli %arg1, %mul3A_22 : i32
    %add3A_24 = arith.addi %mul3A_21, %mul3A_23 : i32
    "tpu.region"() ({
      %run_scoped3A = tpu.sem_alloc : memref<!tpu.dma_semaphore, #tpu.memory_space<semaphore_mem>>
      %dma_start3A = tpu.memref_slice %arg3[%add3A_24] : memref<20480xf32, #tpu.memory_space<hbm>> -> memref<640xf32, #tpu.memory_space<hbm>>
      %dma_start3A_25 = tpu.memref_slice %arg4[%mul3A_19] : memref<10240xf32, #tpu.memory_space<vmem_shared>> -> memref<640xf32, #tpu.memory_space<vmem_shared>>
      tpu.enqueue_dma source(%dma_start3A_25 : memref<640xf32, #tpu.memory_space<vmem_shared>>) target(%dma_start3A : memref<640xf32, #tpu.memory_space<hbm>>) target_semaphore(%run_scoped3A : memref<!tpu.dma_semaphore, #tpu.memory_space<semaphore_mem>>)
      %dma_wait3A = tpu.memref_slice %arg3[%add3A_24] : memref<20480xf32, #tpu.memory_space<hbm>> -> memref<640xf32, #tpu.memory_space<hbm>>
      %dma_wait3A_26 = tpu.memref_slice %arg4[%mul3A_19] : memref<10240xf32, #tpu.memory_space<vmem_shared>> -> memref<640xf32, #tpu.memory_space<vmem_shared>>
      tpu.wait_dma2 semaphore(%run_scoped3A : memref<!tpu.dma_semaphore, #tpu.memory_space<semaphore_mem>>) src(%dma_wait3A_26 : memref<640xf32, #tpu.memory_space<vmem_shared>>) dst(%dma_wait3A : memref<640xf32, #tpu.memory_space<hbm>>)
      tpu.yield
    }) : () -> ()
    return
  }
}

#map = affine_map<(d0, d1) -> (0, 0, 0)>
#map1 = affine_map<(d0, d1) -> (0, 0)>
module attributes {stable_mosaic.version = 14 : i64} {
  func.func @_agg_body(%arg0: i32, %arg1: i32, %arg2: memref<32x80x128xi32, #tpu.memory_space<hbm>>, %arg3: memref<32x80x128xi32, #tpu.memory_space<hbm>>, %arg4: memref<10000x128xf32, #tpu.memory_space<hbm>>, %arg5: memref<20480x128xf32, #tpu.memory_space<hbm>>, %arg6: memref<10240x128xf32, #tpu.memory_space<vmem_shared>>, %arg7: memref<40x128xi32, #tpu.memory_space<vmem>>, %arg8: memref<40x128xi32, #tpu.memory_space<vmem>>, %arg9: memref<128x128xf32, #tpu.memory_space<vmem>>, %arg10: memref<128x128xf32, #tpu.memory_space<vmem>>, %arg11: memref<!tpu.dma_semaphore, #tpu.memory_space<semaphore_mem>>, %arg12: memref<!tpu.dma_semaphore, #tpu.memory_space<semaphore_mem>>) attributes {dimension_semantics = [#tpu.dimension_semantics<core_parallel>, #tpu.dimension_semantics<subcore_parallel>], iteration_bounds = array<i64: 2, 16>, scalar_prefetch = 0 : i64, scratch_operands = 7 : i64, tpu.core_type = #tpu.core_type<sc_vector_subcore>, window_params = [{transform_indices = #map}, {transform_indices = #map}, {transform_indices = #map1}, {transform_indices = #map1}]} {
    %mul3A = arith.constant 16 : i32
    %mul3A_0 = arith.muli %arg0, %mul3A : i32
    %add3A = arith.addi %mul3A_0, %arg1 : i32
    %scan3A = arith.constant 0 : i32
    %scan3A_1 = arith.constant 1024 : i32
    %scan3A_2 = arith.addi %scan3A, %scan3A_1 : i32
    %scan3A_3 = arith.constant 1 : i32
    scf.for %scan3A_85 = %scan3A to %scan3A_2 step %scan3A_3  : i32 {
      %mul3A_86 = arith.constant 1 : i32
      %mul3A_87 = arith.muli %scan3A_85, %mul3A_86 : i32
      %add3A_88 = arith.constant 0 : i32
      %add3A_89 = arith.addi %add3A_88, %mul3A_87 : i32
      %jit3A = arith.constant 8 : i32
      %div3A = arith.divsi %add3A_89, %jit3A : i32
      %sign3A = arith.constant 0 : i32
      %sign3A_90 = arith.cmpi sgt, %add3A_89, %sign3A : i32
      %sign3A_91 = arith.extui %sign3A_90 : i1 to i32
      %sign3A_92 = arith.constant 0 : i32
      %sign3A_93 = arith.cmpi slt, %add3A_89, %sign3A_92 : i32
      %sign3A_94 = arith.extui %sign3A_93 : i1 to i32
      %sign3A_95 = arith.subi %sign3A_91, %sign3A_94 : i32
      %sign3A_96 = arith.constant 0 : i32
      %sign3A_97 = arith.cmpi sgt, %jit3A, %sign3A_96 : i32
      %sign3A_98 = arith.extui %sign3A_97 : i1 to i32
      %sign3A_99 = arith.constant 0 : i32
      %sign3A_100 = arith.cmpi slt, %jit3A, %sign3A_99 : i32
      %sign3A_101 = arith.extui %sign3A_100 : i1 to i32
      %sign3A_102 = arith.subi %sign3A_98, %sign3A_101 : i32
      %ne3A = arith.cmpi ne, %sign3A_95, %sign3A_102 : i32
      %rem3A = arith.remsi %add3A_89, %jit3A : i32
      %ne3A_103 = arith.constant 0 : i32
      %ne3A_104 = arith.cmpi ne, %rem3A, %ne3A_103 : i32
      %and3A = arith.andi %ne3A, %ne3A_104 : i1
      %sub3A = arith.constant 1 : i32
      %sub3A_105 = arith.subi %div3A, %sub3A : i32
      %select_n3A = arith.select %and3A, %sub3A_105, %div3A : i32
      %jit3A_106 = arith.constant 8 : i32
      %eq3A = arith.constant 0 : i32
      %eq3A_107 = arith.cmpi eq, %jit3A_106, %eq3A : i32
      %jit3A_108 = arith.constant 1 : i32
      %select_n3A_109 = arith.select %eq3A_107, %jit3A_108, %jit3A_106 : i32
      %rem3A_110 = arith.remsi %add3A_89, %select_n3A_109 : i32
      %ne3A_111 = arith.constant 0 : i32
      %ne3A_112 = arith.cmpi ne, %rem3A_110, %ne3A_111 : i32
      %lt3A = arith.constant 0 : i32
      %lt3A_113 = arith.cmpi slt, %rem3A_110, %lt3A : i32
      %lt3A_114 = arith.constant 0 : i32
      %lt3A_115 = arith.cmpi slt, %select_n3A_109, %lt3A_114 : i32
      %ne3A_116 = arith.xori %lt3A_113, %lt3A_115 : i1
      %and3A_117 = arith.andi %ne3A_116, %ne3A_112 : i1
      %add3A_118 = arith.addi %rem3A_110, %select_n3A_109 : i32
      %select_n3A_119 = arith.select %and3A_117, %add3A_118, %rem3A_110 : i32
      %broadcast_in_dim3A = arith.constant 0.000000e+00 : f32
      %broadcast_in_dim3A_120 = vector.broadcast %broadcast_in_dim3A : f32 to vector<16xf32>
      %mul3A_121 = arith.constant 16 : i32
      %mul3A_122 = arith.muli %select_n3A_119, %mul3A_121 : i32
      %swap3A = arith.index_cast %select_n3A : i32 to index
      %swap3A_123 = arith.index_cast %mul3A_122 : i32 to index
      %swap3A_124 = tpu.vector_load %arg9[%swap3A, %swap3A_123] {strides = array<i32>} : memref<128x128xf32, #tpu.memory_space<vmem>>, vector<1x16xf32>,
      %swap3A_125 = vector.shape_cast %swap3A_124 : vector<1x16xf32> to vector<16xf32>
      %swap3A_126 = vector.shape_cast %broadcast_in_dim3A_120 : vector<16xf32> to vector<1x16xf32>
      tpu.vector_store %arg9[%swap3A, %swap3A_123], %swap3A_126 {strides = array<i32>} : memref<128x128xf32, #tpu.memory_space<vmem>>, vector<1x16xf32>,
    }
    %scan3A_4 = arith.constant 1024 : i32
    %scan3A_5 = arith.constant 0 : i32
    %scan3A_6 = arith.constant 5 : i32
    %scan3A_7 = arith.addi %scan3A_5, %scan3A_6 : i32
    %scan3A_8 = arith.constant 1 : i32
    scf.for %scan3A_85 = %scan3A_5 to %scan3A_7 step %scan3A_8  : i32 {
      %mul3A_86 = arith.constant 1 : i32
      %mul3A_87 = arith.muli %scan3A_85, %mul3A_86 : i32
      %add3A_88 = arith.constant 0 : i32
      %add3A_89 = arith.addi %add3A_88, %mul3A_87 : i32
      %mul3A_90 = arith.constant 640 : i32
      %mul3A_91 = arith.muli %arg1, %mul3A_90 : i32
      %mul3A_92 = arith.constant 128 : i32
      %mul3A_93 = arith.muli %add3A_89, %mul3A_92 : i32
      %add3A_94 = arith.addi %mul3A_91, %mul3A_93 : i32
      "tpu.region"() ({
        %run_scoped3A_95 = tpu.sem_alloc : memref<!tpu.dma_semaphore, #tpu.memory_space<semaphore_mem>>
        %dma_start3A_96 = arith.constant 0 : i32
        %dma_start3A_97 = tpu.memref_slice %arg6[%add3A_94, %dma_start3A_96] : memref<10240x128xf32, #tpu.memory_space<vmem_shared>> -> memref<128x128xf32, #tpu.memory_space<vmem_shared>>
        %dma_start3A_98 = arith.constant 0 : i32
        %dma_start3A_99 = tpu.memref_slice %arg6[%add3A_94, %dma_start3A_98] : memref<10240x128xf32, #tpu.memory_space<vmem_shared>> -> memref<128x128xf32, #tpu.memory_space<vmem_shared>>
        tpu.enqueue_dma source(%arg9 : memref<128x128xf32, #tpu.memory_space<vmem>>) target(%dma_start3A_99 : memref<128x128xf32, #tpu.memory_space<vmem_shared>>) target_semaphore(%run_scoped3A_95 : memref<!tpu.dma_semaphore, #tpu.memory_space<semaphore_mem>>)
        %dma_wait3A_100 = arith.constant 0 : i32
        %dma_wait3A_101 = tpu.memref_slice %arg6[%add3A_94, %dma_wait3A_100] : memref<10240x128xf32, #tpu.memory_space<vmem_shared>> -> memref<128x128xf32, #tpu.memory_space<vmem_shared>>
        %dma_wait3A_102 = arith.constant 0 : i32
        %dma_wait3A_103 = tpu.memref_slice %arg6[%add3A_94, %dma_wait3A_102] : memref<10240x128xf32, #tpu.memory_space<vmem_shared>> -> memref<128x128xf32, #tpu.memory_space<vmem_shared>>
        tpu.wait_dma2 semaphore(%run_scoped3A_95 : memref<!tpu.dma_semaphore, #tpu.memory_space<semaphore_mem>>) src(%arg9 : memref<128x128xf32, #tpu.memory_space<vmem>>) dst(%dma_wait3A_103 : memref<128x128xf32, #tpu.memory_space<vmem_shared>>)
        tpu.yield
      }) : () -> ()
    }
    %scan3A_9 = arith.constant 5 : i32
    %barrier3A = arith.constant 0 : index
    tpu.barrier barrier_id(%barrier3A)
    "tpu.region"() ({
      %run_scoped3A_85 = tpu.sem_alloc : memref<!tpu.dma_semaphore, #tpu.memory_space<semaphore_mem>>
      %dma_start3A_86 = arith.constant 0 : i32
      %dma_start3A_87 = arith.constant 0 : i32
      %dma_start3A_88 = tpu.memref_slice %arg2[%add3A, %dma_start3A_86, %dma_start3A_87] : memref<32x80x128xi32, #tpu.memory_space<hbm>> -> memref<1x40x128xi32, #tpu.memory_space<hbm>>
      %dma_start3A_89 = tpu.memref_squeeze %dma_start3A_88 : memref<1x40x128xi32, #tpu.memory_space<hbm>> -> memref<40x128xi32, #tpu.memory_space<hbm>>
      %dma_start3A_90 = arith.constant 0 : i32
      %dma_start3A_91 = arith.constant 0 : i32
      %dma_start3A_92 = tpu.memref_slice %arg2[%add3A, %dma_start3A_90, %dma_start3A_91] : memref<32x80x128xi32, #tpu.memory_space<hbm>> -> memref<1x40x128xi32, #tpu.memory_space<hbm>>
      %dma_start3A_93 = tpu.memref_squeeze %dma_start3A_92 : memref<1x40x128xi32, #tpu.memory_space<hbm>> -> memref<40x128xi32, #tpu.memory_space<hbm>>
      tpu.enqueue_dma source(%dma_start3A_93 : memref<40x128xi32, #tpu.memory_space<hbm>>) target(%arg7 : memref<40x128xi32, #tpu.memory_space<vmem>>) target_semaphore(%run_scoped3A_85 : memref<!tpu.dma_semaphore, #tpu.memory_space<semaphore_mem>>)
      %dma_wait3A_94 = arith.constant 0 : i32
      %dma_wait3A_95 = arith.constant 0 : i32
      %dma_wait3A_96 = tpu.memref_slice %arg2[%add3A, %dma_wait3A_94, %dma_wait3A_95] : memref<32x80x128xi32, #tpu.memory_space<hbm>> -> memref<1x40x128xi32, #tpu.memory_space<hbm>>
      %dma_wait3A_97 = tpu.memref_squeeze %dma_wait3A_96 : memref<1x40x128xi32, #tpu.memory_space<hbm>> -> memref<40x128xi32, #tpu.memory_space<hbm>>
      %dma_wait3A_98 = arith.constant 0 : i32
      %dma_wait3A_99 = arith.constant 0 : i32
      %dma_wait3A_100 = tpu.memref_slice %arg2[%add3A, %dma_wait3A_98, %dma_wait3A_99] : memref<32x80x128xi32, #tpu.memory_space<hbm>> -> memref<1x40x128xi32, #tpu.memory_space<hbm>>
      %dma_wait3A_101 = tpu.memref_squeeze %dma_wait3A_100 : memref<1x40x128xi32, #tpu.memory_space<hbm>> -> memref<40x128xi32, #tpu.memory_space<hbm>>
      tpu.wait_dma2 semaphore(%run_scoped3A_85 : memref<!tpu.dma_semaphore, #tpu.memory_space<semaphore_mem>>) src(%dma_wait3A_101 : memref<40x128xi32, #tpu.memory_space<hbm>>) dst(%arg7 : memref<40x128xi32, #tpu.memory_space<vmem>>)
      tpu.yield
    }) : () -> ()
    "tpu.region"() ({
      %run_scoped3A_85 = tpu.sem_alloc : memref<!tpu.dma_semaphore, #tpu.memory_space<semaphore_mem>>
      %dma_start3A_86 = arith.constant 0 : i32
      %dma_start3A_87 = arith.constant 0 : i32
      %dma_start3A_88 = tpu.memref_slice %arg3[%add3A, %dma_start3A_86, %dma_start3A_87] : memref<32x80x128xi32, #tpu.memory_space<hbm>> -> memref<1x40x128xi32, #tpu.memory_space<hbm>>
      %dma_start3A_89 = tpu.memref_squeeze %dma_start3A_88 : memref<1x40x128xi32, #tpu.memory_space<hbm>> -> memref<40x128xi32, #tpu.memory_space<hbm>>
      %dma_start3A_90 = arith.constant 0 : i32
      %dma_start3A_91 = arith.constant 0 : i32
      %dma_start3A_92 = tpu.memref_slice %arg3[%add3A, %dma_start3A_90, %dma_start3A_91] : memref<32x80x128xi32, #tpu.memory_space<hbm>> -> memref<1x40x128xi32, #tpu.memory_space<hbm>>
      %dma_start3A_93 = tpu.memref_squeeze %dma_start3A_92 : memref<1x40x128xi32, #tpu.memory_space<hbm>> -> memref<40x128xi32, #tpu.memory_space<hbm>>
      tpu.enqueue_dma source(%dma_start3A_93 : memref<40x128xi32, #tpu.memory_space<hbm>>) target(%arg8 : memref<40x128xi32, #tpu.memory_space<vmem>>) target_semaphore(%run_scoped3A_85 : memref<!tpu.dma_semaphore, #tpu.memory_space<semaphore_mem>>)
      %dma_wait3A_94 = arith.constant 0 : i32
      %dma_wait3A_95 = arith.constant 0 : i32
      %dma_wait3A_96 = tpu.memref_slice %arg3[%add3A, %dma_wait3A_94, %dma_wait3A_95] : memref<32x80x128xi32, #tpu.memory_space<hbm>> -> memref<1x40x128xi32, #tpu.memory_space<hbm>>
      %dma_wait3A_97 = tpu.memref_squeeze %dma_wait3A_96 : memref<1x40x128xi32, #tpu.memory_space<hbm>> -> memref<40x128xi32, #tpu.memory_space<hbm>>
      %dma_wait3A_98 = arith.constant 0 : i32
      %dma_wait3A_99 = arith.constant 0 : i32
      %dma_wait3A_100 = tpu.memref_slice %arg3[%add3A, %dma_wait3A_98, %dma_wait3A_99] : memref<32x80x128xi32, #tpu.memory_space<hbm>> -> memref<1x40x128xi32, #tpu.memory_space<hbm>>
      %dma_wait3A_101 = tpu.memref_squeeze %dma_wait3A_100 : memref<1x40x128xi32, #tpu.memory_space<hbm>> -> memref<40x128xi32, #tpu.memory_space<hbm>>
      tpu.wait_dma2 semaphore(%run_scoped3A_85 : memref<!tpu.dma_semaphore, #tpu.memory_space<semaphore_mem>>) src(%dma_wait3A_101 : memref<40x128xi32, #tpu.memory_space<hbm>>) dst(%arg8 : memref<40x128xi32, #tpu.memory_space<vmem>>)
      tpu.yield
    }) : () -> ()
    %dma_start3A = arith.constant 0 : i32
    %dma_start3A_10 = arith.constant 0 : i32
    %dma_start3A_11 = tpu.memref_slice %arg7[%dma_start3A, %dma_start3A_10] : memref<40x128xi32, #tpu.memory_space<vmem>> -> memref<1x128xi32, #tpu.memory_space<vmem>>
    %dma_start3A_12 = tpu.memref_squeeze %dma_start3A_11 : memref<1x128xi32, #tpu.memory_space<vmem>> -> memref<128xi32, #tpu.memory_space<vmem>>
    %dma_start3A_13 = arith.constant 0 : i32
    %dma_start3A_14 = arith.constant 0 : i32
    %dma_start3A_15 = tpu.memref_slice %arg4[%dma_start3A_13, %dma_start3A_14] : memref<10000x128xf32, #tpu.memory_space<hbm>> -> memref<10000x128xf32, #tpu.memory_space<hbm>>
    tpu.enqueue_indirect_dma source(%dma_start3A_15 : memref<10000x128xf32, #tpu.memory_space<hbm>>) target(%arg9 : memref<128x128xf32, #tpu.memory_space<vmem>>) offsets(%dma_start3A_12 : memref<128xi32, #tpu.memory_space<vmem>>) semaphore(%arg11 : memref<!tpu.dma_semaphore, #tpu.memory_space<semaphore_mem>>)
    %scan3A_16 = arith.constant 0 : i32
    %scan3A_17 = arith.constant 19 : i32
    %scan3A_18 = arith.addi %scan3A_16, %scan3A_17 : i32
    %scan3A_19 = arith.constant 1 : i32
    scf.for %scan3A_85 = %scan3A_16 to %scan3A_18 step %scan3A_19  : i32 {
      %mul3A_86 = arith.constant 2 : i32
      %mul3A_87 = arith.muli %scan3A_85, %mul3A_86 : i32
      %add3A_88 = arith.constant 0 : i32
      %add3A_89 = arith.addi %add3A_88, %mul3A_87 : i32
      %add3A_90 = arith.constant 1 : i32
      %add3A_91 = arith.addi %add3A_89, %add3A_90 : i32
      %dma_start3A_92 = arith.constant 0 : i32
      %dma_start3A_93 = tpu.memref_slice %arg7[%add3A_91, %dma_start3A_92] : memref<40x128xi32, #tpu.memory_space<vmem>> -> memref<1x128xi32, #tpu.memory_space<vmem>>
      %dma_start3A_94 = tpu.memref_squeeze %dma_start3A_93 : memref<1x128xi32, #tpu.memory_space<vmem>> -> memref<128xi32, #tpu.memory_space<vmem>>
      %dma_start3A_95 = arith.constant 0 : i32
      %dma_start3A_96 = arith.constant 0 : i32
      %dma_start3A_97 = tpu.memref_slice %arg4[%dma_start3A_95, %dma_start3A_96] : memref<10000x128xf32, #tpu.memory_space<hbm>> -> memref<10000x128xf32, #tpu.memory_space<hbm>>
      tpu.enqueue_indirect_dma source(%dma_start3A_97 : memref<10000x128xf32, #tpu.memory_space<hbm>>) target(%arg10 : memref<128x128xf32, #tpu.memory_space<vmem>>) offsets(%dma_start3A_94 : memref<128xi32, #tpu.memory_space<vmem>>) semaphore(%arg12 : memref<!tpu.dma_semaphore, #tpu.memory_space<semaphore_mem>>)
      %dma_wait3A_98 = arith.constant 0 : i32
      %dma_wait3A_99 = tpu.memref_slice %arg7[%add3A_89, %dma_wait3A_98] : memref<40x128xi32, #tpu.memory_space<vmem>> -> memref<1x128xi32, #tpu.memory_space<vmem>>
      %dma_wait3A_100 = tpu.memref_squeeze %dma_wait3A_99 : memref<1x128xi32, #tpu.memory_space<vmem>> -> memref<128xi32, #tpu.memory_space<vmem>>
      %dma_wait3A_101 = arith.constant 0 : i32
      %dma_wait3A_102 = arith.constant 0 : i32
      %dma_wait3A_103 = tpu.memref_slice %arg4[%dma_wait3A_101, %dma_wait3A_102] : memref<10000x128xf32, #tpu.memory_space<hbm>> -> memref<10000x128xf32, #tpu.memory_space<hbm>>
      tpu.wait_indirect_dma semaphore(%arg11 : memref<!tpu.dma_semaphore, #tpu.memory_space<semaphore_mem>>) src(%dma_wait3A_103 : memref<10000x128xf32, #tpu.memory_space<hbm>>) dst(%arg9 : memref<128x128xf32, #tpu.memory_space<vmem>>)
      "tpu.region"() ({
        %run_scoped3A_122 = tpu.sem_alloc : memref<!tpu.dma_semaphore, #tpu.memory_space<semaphore_mem>>
        %dma_start3A_123 = arith.constant 0 : i32
        %dma_start3A_124 = tpu.memref_slice %arg8[%add3A_89, %dma_start3A_123] : memref<40x128xi32, #tpu.memory_space<vmem>> -> memref<1x128xi32, #tpu.memory_space<vmem>>
        %dma_start3A_125 = tpu.memref_squeeze %dma_start3A_124 : memref<1x128xi32, #tpu.memory_space<vmem>> -> memref<128xi32, #tpu.memory_space<vmem>>
        %dma_start3A_126 = arith.constant 0 : i32
        %dma_start3A_127 = arith.constant 0 : i32
        %dma_start3A_128 = tpu.memref_slice %arg6[%dma_start3A_126, %dma_start3A_127] : memref<10240x128xf32, #tpu.memory_space<vmem_shared>> -> memref<10240x128xf32, #tpu.memory_space<vmem_shared>>
        tpu.enqueue_indirect_dma source(%arg9 : memref<128x128xf32, #tpu.memory_space<vmem>>) target(%dma_start3A_128 : memref<10240x128xf32, #tpu.memory_space<vmem_shared>>) offsets(%dma_start3A_125 : memref<128xi32, #tpu.memory_space<vmem>>) semaphore(%run_scoped3A_122 : memref<!tpu.dma_semaphore, #tpu.memory_space<semaphore_mem>>) {add = true}
        %dma_wait3A_129 = arith.constant 0 : i32
        %dma_wait3A_130 = tpu.memref_slice %arg8[%add3A_89, %dma_wait3A_129] : memref<40x128xi32, #tpu.memory_space<vmem>> -> memref<1x128xi32, #tpu.memory_space<vmem>>
        %dma_wait3A_131 = tpu.memref_squeeze %dma_wait3A_130 : memref<1x128xi32, #tpu.memory_space<vmem>> -> memref<128xi32, #tpu.memory_space<vmem>>
        %dma_wait3A_132 = arith.constant 0 : i32
        %dma_wait3A_133 = arith.constant 0 : i32
        %dma_wait3A_134 = tpu.memref_slice %arg6[%dma_wait3A_132, %dma_wait3A_133] : memref<10240x128xf32, #tpu.memory_space<vmem_shared>> -> memref<10240x128xf32, #tpu.memory_space<vmem_shared>>
        tpu.wait_indirect_dma semaphore(%run_scoped3A_122 : memref<!tpu.dma_semaphore, #tpu.memory_space<semaphore_mem>>) src(%arg9 : memref<128x128xf32, #tpu.memory_space<vmem>>) dst(%dma_wait3A_134 : memref<10240x128xf32, #tpu.memory_space<vmem_shared>>)
        tpu.yield
      }) : () -> ()
      %add3A_104 = arith.constant 2 : i32
      %add3A_105 = arith.addi %add3A_89, %add3A_104 : i32
      %dma_start3A_106 = arith.constant 0 : i32
      %dma_start3A_107 = tpu.memref_slice %arg7[%add3A_105, %dma_start3A_106] : memref<40x128xi32, #tpu.memory_space<vmem>> -> memref<1x128xi32, #tpu.memory_space<vmem>>
      %dma_start3A_108 = tpu.memref_squeeze %dma_start3A_107 : memref<1x128xi32, #tpu.memory_space<vmem>> -> memref<128xi32, #tpu.memory_space<vmem>>
      %dma_start3A_109 = arith.constant 0 : i32
      %dma_start3A_110 = arith.constant 0 : i32
      %dma_start3A_111 = tpu.memref_slice %arg4[%dma_start3A_109, %dma_start3A_110] : memref<10000x128xf32, #tpu.memory_space<hbm>> -> memref<10000x128xf32, #tpu.memory_space<hbm>>
      tpu.enqueue_indirect_dma source(%dma_start3A_111 : memref<10000x128xf32, #tpu.memory_space<hbm>>) target(%arg9 : memref<128x128xf32, #tpu.memory_space<vmem>>) offsets(%dma_start3A_108 : memref<128xi32, #tpu.memory_space<vmem>>) semaphore(%arg11 : memref<!tpu.dma_semaphore, #tpu.memory_space<semaphore_mem>>)
      %add3A_112 = arith.constant 1 : i32
      %add3A_113 = arith.addi %add3A_89, %add3A_112 : i32
      %dma_wait3A_114 = arith.constant 0 : i32
      %dma_wait3A_115 = tpu.memref_slice %arg7[%add3A_113, %dma_wait3A_114] : memref<40x128xi32, #tpu.memory_space<vmem>> -> memref<1x128xi32, #tpu.memory_space<vmem>>
      %dma_wait3A_116 = tpu.memref_squeeze %dma_wait3A_115 : memref<1x128xi32, #tpu.memory_space<vmem>> -> memref<128xi32, #tpu.memory_space<vmem>>
      %dma_wait3A_117 = arith.constant 0 : i32
      %dma_wait3A_118 = arith.constant 0 : i32
      %dma_wait3A_119 = tpu.memref_slice %arg4[%dma_wait3A_117, %dma_wait3A_118] : memref<10000x128xf32, #tpu.memory_space<hbm>> -> memref<10000x128xf32, #tpu.memory_space<hbm>>
      tpu.wait_indirect_dma semaphore(%arg12 : memref<!tpu.dma_semaphore, #tpu.memory_space<semaphore_mem>>) src(%dma_wait3A_119 : memref<10000x128xf32, #tpu.memory_space<hbm>>) dst(%arg10 : memref<128x128xf32, #tpu.memory_space<vmem>>)
      %add3A_120 = arith.constant 1 : i32
      %add3A_121 = arith.addi %add3A_89, %add3A_120 : i32
      "tpu.region"() ({
        %run_scoped3A_122 = tpu.sem_alloc : memref<!tpu.dma_semaphore, #tpu.memory_space<semaphore_mem>>
        %dma_start3A_123 = arith.constant 0 : i32
        %dma_start3A_124 = tpu.memref_slice %arg8[%add3A_121, %dma_start3A_123] : memref<40x128xi32, #tpu.memory_space<vmem>> -> memref<1x128xi32, #tpu.memory_space<vmem>>
        %dma_start3A_125 = tpu.memref_squeeze %dma_start3A_124 : memref<1x128xi32, #tpu.memory_space<vmem>> -> memref<128xi32, #tpu.memory_space<vmem>>
        %dma_start3A_126 = arith.constant 0 : i32
        %dma_start3A_127 = arith.constant 0 : i32
        %dma_start3A_128 = tpu.memref_slice %arg6[%dma_start3A_126, %dma_start3A_127] : memref<10240x128xf32, #tpu.memory_space<vmem_shared>> -> memref<10240x128xf32, #tpu.memory_space<vmem_shared>>
        tpu.enqueue_indirect_dma source(%arg10 : memref<128x128xf32, #tpu.memory_space<vmem>>) target(%dma_start3A_128 : memref<10240x128xf32, #tpu.memory_space<vmem_shared>>) offsets(%dma_start3A_125 : memref<128xi32, #tpu.memory_space<vmem>>) semaphore(%run_scoped3A_122 : memref<!tpu.dma_semaphore, #tpu.memory_space<semaphore_mem>>) {add = true}
        %dma_wait3A_129 = arith.constant 0 : i32
        %dma_wait3A_130 = tpu.memref_slice %arg8[%add3A_121, %dma_wait3A_129] : memref<40x128xi32, #tpu.memory_space<vmem>> -> memref<1x128xi32, #tpu.memory_space<vmem>>
        %dma_wait3A_131 = tpu.memref_squeeze %dma_wait3A_130 : memref<1x128xi32, #tpu.memory_space<vmem>> -> memref<128xi32, #tpu.memory_space<vmem>>
        %dma_wait3A_132 = arith.constant 0 : i32
        %dma_wait3A_133 = arith.constant 0 : i32
        %dma_wait3A_134 = tpu.memref_slice %arg6[%dma_wait3A_132, %dma_wait3A_133] : memref<10240x128xf32, #tpu.memory_space<vmem_shared>> -> memref<10240x128xf32, #tpu.memory_space<vmem_shared>>
        tpu.wait_indirect_dma semaphore(%run_scoped3A_122 : memref<!tpu.dma_semaphore, #tpu.memory_space<semaphore_mem>>) src(%arg10 : memref<128x128xf32, #tpu.memory_space<vmem>>) dst(%dma_wait3A_134 : memref<10240x128xf32, #tpu.memory_space<vmem_shared>>)
        tpu.yield
      }) : () -> ()
    }
    %scan3A_20 = arith.constant 19 : i32
    %dma_start3A_21 = arith.constant 39 : i32
    %dma_start3A_22 = arith.constant 0 : i32
    %dma_start3A_23 = tpu.memref_slice %arg7[%dma_start3A_21, %dma_start3A_22] : memref<40x128xi32, #tpu.memory_space<vmem>> -> memref<1x128xi32, #tpu.memory_space<vmem>>
    %dma_start3A_24 = tpu.memref_squeeze %dma_start3A_23 : memref<1x128xi32, #tpu.memory_space<vmem>> -> memref<128xi32, #tpu.memory_space<vmem>>
    %dma_start3A_25 = arith.constant 0 : i32
    %dma_start3A_26 = arith.constant 0 : i32
    %dma_start3A_27 = tpu.memref_slice %arg4[%dma_start3A_25, %dma_start3A_26] : memref<10000x128xf32, #tpu.memory_space<hbm>> -> memref<10000x128xf32, #tpu.memory_space<hbm>>
    tpu.enqueue_indirect_dma source(%dma_start3A_27 : memref<10000x128xf32, #tpu.memory_space<hbm>>) target(%arg10 : memref<128x128xf32, #tpu.memory_space<vmem>>) offsets(%dma_start3A_24 : memref<128xi32, #tpu.memory_space<vmem>>) semaphore(%arg12 : memref<!tpu.dma_semaphore, #tpu.memory_space<semaphore_mem>>)
    %dma_wait3A = arith.constant 38 : i32
    %dma_wait3A_28 = arith.constant 0 : i32
    %dma_wait3A_29 = tpu.memref_slice %arg7[%dma_wait3A, %dma_wait3A_28] : memref<40x128xi32, #tpu.memory_space<vmem>> -> memref<1x128xi32, #tpu.memory_space<vmem>>
    %dma_wait3A_30 = tpu.memref_squeeze %dma_wait3A_29 : memref<1x128xi32, #tpu.memory_space<vmem>> -> memref<128xi32, #tpu.memory_space<vmem>>
    %dma_wait3A_31 = arith.constant 0 : i32
    %dma_wait3A_32 = arith.constant 0 : i32
    %dma_wait3A_33 = tpu.memref_slice %arg4[%dma_wait3A_31, %dma_wait3A_32] : memref<10000x128xf32, #tpu.memory_space<hbm>> -> memref<10000x128xf32, #tpu.memory_space<hbm>>
    tpu.wait_indirect_dma semaphore(%arg11 : memref<!tpu.dma_semaphore, #tpu.memory_space<semaphore_mem>>) src(%dma_wait3A_33 : memref<10000x128xf32, #tpu.memory_space<hbm>>) dst(%arg9 : memref<128x128xf32, #tpu.memory_space<vmem>>)
    %run_scoped3A = arith.constant 38 : i32
    "tpu.region"() ({
      %run_scoped3A_85 = tpu.sem_alloc : memref<!tpu.dma_semaphore, #tpu.memory_space<semaphore_mem>>
      %dma_start3A_86 = arith.constant 0 : i32
      %dma_start3A_87 = tpu.memref_slice %arg8[%run_scoped3A, %dma_start3A_86] : memref<40x128xi32, #tpu.memory_space<vmem>> -> memref<1x128xi32, #tpu.memory_space<vmem>>
      %dma_start3A_88 = tpu.memref_squeeze %dma_start3A_87 : memref<1x128xi32, #tpu.memory_space<vmem>> -> memref<128xi32, #tpu.memory_space<vmem>>
      %dma_start3A_89 = arith.constant 0 : i32
      %dma_start3A_90 = arith.constant 0 : i32
      %dma_start3A_91 = tpu.memref_slice %arg6[%dma_start3A_89, %dma_start3A_90] : memref<10240x128xf32, #tpu.memory_space<vmem_shared>> -> memref<10240x128xf32, #tpu.memory_space<vmem_shared>>
      tpu.enqueue_indirect_dma source(%arg9 : memref<128x128xf32, #tpu.memory_space<vmem>>) target(%dma_start3A_91 : memref<10240x128xf32, #tpu.memory_space<vmem_shared>>) offsets(%dma_start3A_88 : memref<128xi32, #tpu.memory_space<vmem>>) semaphore(%run_scoped3A_85 : memref<!tpu.dma_semaphore, #tpu.memory_space<semaphore_mem>>) {add = true}
      %dma_wait3A_92 = arith.constant 0 : i32
      %dma_wait3A_93 = tpu.memref_slice %arg8[%run_scoped3A, %dma_wait3A_92] : memref<40x128xi32, #tpu.memory_space<vmem>> -> memref<1x128xi32, #tpu.memory_space<vmem>>
      %dma_wait3A_94 = tpu.memref_squeeze %dma_wait3A_93 : memref<1x128xi32, #tpu.memory_space<vmem>> -> memref<128xi32, #tpu.memory_space<vmem>>
      %dma_wait3A_95 = arith.constant 0 : i32
      %dma_wait3A_96 = arith.constant 0 : i32
      %dma_wait3A_97 = tpu.memref_slice %arg6[%dma_wait3A_95, %dma_wait3A_96] : memref<10240x128xf32, #tpu.memory_space<vmem_shared>> -> memref<10240x128xf32, #tpu.memory_space<vmem_shared>>
      tpu.wait_indirect_dma semaphore(%run_scoped3A_85 : memref<!tpu.dma_semaphore, #tpu.memory_space<semaphore_mem>>) src(%arg9 : memref<128x128xf32, #tpu.memory_space<vmem>>) dst(%dma_wait3A_97 : memref<10240x128xf32, #tpu.memory_space<vmem_shared>>)
      tpu.yield
    }) : () -> ()
    %dma_wait3A_34 = arith.constant 39 : i32
    %dma_wait3A_35 = arith.constant 0 : i32
    %dma_wait3A_36 = tpu.memref_slice %arg7[%dma_wait3A_34, %dma_wait3A_35] : memref<40x128xi32, #tpu.memory_space<vmem>> -> memref<1x128xi32, #tpu.memory_space<vmem>>
    %dma_wait3A_37 = tpu.memref_squeeze %dma_wait3A_36 : memref<1x128xi32, #tpu.memory_space<vmem>> -> memref<128xi32, #tpu.memory_space<vmem>>
    %dma_wait3A_38 = arith.constant 0 : i32
    %dma_wait3A_39 = arith.constant 0 : i32
    %dma_wait3A_40 = tpu.memref_slice %arg4[%dma_wait3A_38, %dma_wait3A_39] : memref<10000x128xf32, #tpu.memory_space<hbm>> -> memref<10000x128xf32, #tpu.memory_space<hbm>>
    tpu.wait_indirect_dma semaphore(%arg12 : memref<!tpu.dma_semaphore, #tpu.memory_space<semaphore_mem>>) src(%dma_wait3A_40 : memref<10000x128xf32, #tpu.memory_space<hbm>>) dst(%arg10 : memref<128x128xf32, #tpu.memory_space<vmem>>)
    %run_scoped3A_41 = arith.constant 39 : i32
    "tpu.region"() ({
      %run_scoped3A_85 = tpu.sem_alloc : memref<!tpu.dma_semaphore, #tpu.memory_space<semaphore_mem>>
      %dma_start3A_86 = arith.constant 0 : i32
      %dma_start3A_87 = tpu.memref_slice %arg8[%run_scoped3A_41, %dma_start3A_86] : memref<40x128xi32, #tpu.memory_space<vmem>> -> memref<1x128xi32, #tpu.memory_space<vmem>>
      %dma_start3A_88 = tpu.memref_squeeze %dma_start3A_87 : memref<1x128xi32, #tpu.memory_space<vmem>> -> memref<128xi32, #tpu.memory_space<vmem>>
      %dma_start3A_89 = arith.constant 0 : i32
      %dma_start3A_90 = arith.constant 0 : i32
      %dma_start3A_91 = tpu.memref_slice %arg6[%dma_start3A_89, %dma_start3A_90] : memref<10240x128xf32, #tpu.memory_space<vmem_shared>> -> memref<10240x128xf32, #tpu.memory_space<vmem_shared>>
      tpu.enqueue_indirect_dma source(%arg10 : memref<128x128xf32, #tpu.memory_space<vmem>>) target(%dma_start3A_91 : memref<10240x128xf32, #tpu.memory_space<vmem_shared>>) offsets(%dma_start3A_88 : memref<128xi32, #tpu.memory_space<vmem>>) semaphore(%run_scoped3A_85 : memref<!tpu.dma_semaphore, #tpu.memory_space<semaphore_mem>>) {add = true}
      %dma_wait3A_92 = arith.constant 0 : i32
      %dma_wait3A_93 = tpu.memref_slice %arg8[%run_scoped3A_41, %dma_wait3A_92] : memref<40x128xi32, #tpu.memory_space<vmem>> -> memref<1x128xi32, #tpu.memory_space<vmem>>
      %dma_wait3A_94 = tpu.memref_squeeze %dma_wait3A_93 : memref<1x128xi32, #tpu.memory_space<vmem>> -> memref<128xi32, #tpu.memory_space<vmem>>
      %dma_wait3A_95 = arith.constant 0 : i32
      %dma_wait3A_96 = arith.constant 0 : i32
      %dma_wait3A_97 = tpu.memref_slice %arg6[%dma_wait3A_95, %dma_wait3A_96] : memref<10240x128xf32, #tpu.memory_space<vmem_shared>> -> memref<10240x128xf32, #tpu.memory_space<vmem_shared>>
      tpu.wait_indirect_dma semaphore(%run_scoped3A_85 : memref<!tpu.dma_semaphore, #tpu.memory_space<semaphore_mem>>) src(%arg10 : memref<128x128xf32, #tpu.memory_space<vmem>>) dst(%dma_wait3A_97 : memref<10240x128xf32, #tpu.memory_space<vmem_shared>>)
      tpu.yield
    }) : () -> ()
    "tpu.region"() ({
      %run_scoped3A_85 = tpu.sem_alloc : memref<!tpu.dma_semaphore, #tpu.memory_space<semaphore_mem>>
      %dma_start3A_86 = arith.constant 40 : i32
      %dma_start3A_87 = arith.constant 0 : i32
      %dma_start3A_88 = tpu.memref_slice %arg2[%add3A, %dma_start3A_86, %dma_start3A_87] : memref<32x80x128xi32, #tpu.memory_space<hbm>> -> memref<1x40x128xi32, #tpu.memory_space<hbm>>
      %dma_start3A_89 = tpu.memref_squeeze %dma_start3A_88 : memref<1x40x128xi32, #tpu.memory_space<hbm>> -> memref<40x128xi32, #tpu.memory_space<hbm>>
      %dma_start3A_90 = arith.constant 40 : i32
      %dma_start3A_91 = arith.constant 0 : i32
      %dma_start3A_92 = tpu.memref_slice %arg2[%add3A, %dma_start3A_90, %dma_start3A_91] : memref<32x80x128xi32, #tpu.memory_space<hbm>> -> memref<1x40x128xi32, #tpu.memory_space<hbm>>
      %dma_start3A_93 = tpu.memref_squeeze %dma_start3A_92 : memref<1x40x128xi32, #tpu.memory_space<hbm>> -> memref<40x128xi32, #tpu.memory_space<hbm>>
      tpu.enqueue_dma source(%dma_start3A_93 : memref<40x128xi32, #tpu.memory_space<hbm>>) target(%arg7 : memref<40x128xi32, #tpu.memory_space<vmem>>) target_semaphore(%run_scoped3A_85 : memref<!tpu.dma_semaphore, #tpu.memory_space<semaphore_mem>>)
      %dma_wait3A_94 = arith.constant 40 : i32
      %dma_wait3A_95 = arith.constant 0 : i32
      %dma_wait3A_96 = tpu.memref_slice %arg2[%add3A, %dma_wait3A_94, %dma_wait3A_95] : memref<32x80x128xi32, #tpu.memory_space<hbm>> -> memref<1x40x128xi32, #tpu.memory_space<hbm>>
      %dma_wait3A_97 = tpu.memref_squeeze %dma_wait3A_96 : memref<1x40x128xi32, #tpu.memory_space<hbm>> -> memref<40x128xi32, #tpu.memory_space<hbm>>
      %dma_wait3A_98 = arith.constant 40 : i32
      %dma_wait3A_99 = arith.constant 0 : i32
      %dma_wait3A_100 = tpu.memref_slice %arg2[%add3A, %dma_wait3A_98, %dma_wait3A_99] : memref<32x80x128xi32, #tpu.memory_space<hbm>> -> memref<1x40x128xi32, #tpu.memory_space<hbm>>
      %dma_wait3A_101 = tpu.memref_squeeze %dma_wait3A_100 : memref<1x40x128xi32, #tpu.memory_space<hbm>> -> memref<40x128xi32, #tpu.memory_space<hbm>>
      tpu.wait_dma2 semaphore(%run_scoped3A_85 : memref<!tpu.dma_semaphore, #tpu.memory_space<semaphore_mem>>) src(%dma_wait3A_101 : memref<40x128xi32, #tpu.memory_space<hbm>>) dst(%arg7 : memref<40x128xi32, #tpu.memory_space<vmem>>)
      tpu.yield
    }) : () -> ()
    "tpu.region"() ({
      %run_scoped3A_85 = tpu.sem_alloc : memref<!tpu.dma_semaphore, #tpu.memory_space<semaphore_mem>>
      %dma_start3A_86 = arith.constant 40 : i32
      %dma_start3A_87 = arith.constant 0 : i32
      %dma_start3A_88 = tpu.memref_slice %arg3[%add3A, %dma_start3A_86, %dma_start3A_87] : memref<32x80x128xi32, #tpu.memory_space<hbm>> -> memref<1x40x128xi32, #tpu.memory_space<hbm>>
      %dma_start3A_89 = tpu.memref_squeeze %dma_start3A_88 : memref<1x40x128xi32, #tpu.memory_space<hbm>> -> memref<40x128xi32, #tpu.memory_space<hbm>>
      %dma_start3A_90 = arith.constant 40 : i32
      %dma_start3A_91 = arith.constant 0 : i32
      %dma_start3A_92 = tpu.memref_slice %arg3[%add3A, %dma_start3A_90, %dma_start3A_91] : memref<32x80x128xi32, #tpu.memory_space<hbm>> -> memref<1x40x128xi32, #tpu.memory_space<hbm>>
      %dma_start3A_93 = tpu.memref_squeeze %dma_start3A_92 : memref<1x40x128xi32, #tpu.memory_space<hbm>> -> memref<40x128xi32, #tpu.memory_space<hbm>>
      tpu.enqueue_dma source(%dma_start3A_93 : memref<40x128xi32, #tpu.memory_space<hbm>>) target(%arg8 : memref<40x128xi32, #tpu.memory_space<vmem>>) target_semaphore(%run_scoped3A_85 : memref<!tpu.dma_semaphore, #tpu.memory_space<semaphore_mem>>)
      %dma_wait3A_94 = arith.constant 40 : i32
      %dma_wait3A_95 = arith.constant 0 : i32
      %dma_wait3A_96 = tpu.memref_slice %arg3[%add3A, %dma_wait3A_94, %dma_wait3A_95] : memref<32x80x128xi32, #tpu.memory_space<hbm>> -> memref<1x40x128xi32, #tpu.memory_space<hbm>>
      %dma_wait3A_97 = tpu.memref_squeeze %dma_wait3A_96 : memref<1x40x128xi32, #tpu.memory_space<hbm>> -> memref<40x128xi32, #tpu.memory_space<hbm>>
      %dma_wait3A_98 = arith.constant 40 : i32
      %dma_wait3A_99 = arith.constant 0 : i32
      %dma_wait3A_100 = tpu.memref_slice %arg3[%add3A, %dma_wait3A_98, %dma_wait3A_99] : memref<32x80x128xi32, #tpu.memory_space<hbm>> -> memref<1x40x128xi32, #tpu.memory_space<hbm>>
      %dma_wait3A_101 = tpu.memref_squeeze %dma_wait3A_100 : memref<1x40x128xi32, #tpu.memory_space<hbm>> -> memref<40x128xi32, #tpu.memory_space<hbm>>
      tpu.wait_dma2 semaphore(%run_scoped3A_85 : memref<!tpu.dma_semaphore, #tpu.memory_space<semaphore_mem>>) src(%dma_wait3A_101 : memref<40x128xi32, #tpu.memory_space<hbm>>) dst(%arg8 : memref<40x128xi32, #tpu.memory_space<vmem>>)
      tpu.yield
    }) : () -> ()
    %dma_start3A_42 = arith.constant 0 : i32
    %dma_start3A_43 = arith.constant 0 : i32
    %dma_start3A_44 = tpu.memref_slice %arg7[%dma_start3A_42, %dma_start3A_43] : memref<40x128xi32, #tpu.memory_space<vmem>> -> memref<1x128xi32, #tpu.memory_space<vmem>>
    %dma_start3A_45 = tpu.memref_squeeze %dma_start3A_44 : memref<1x128xi32, #tpu.memory_space<vmem>> -> memref<128xi32, #tpu.memory_space<vmem>>
    %dma_start3A_46 = arith.constant 0 : i32
    %dma_start3A_47 = arith.constant 0 : i32
    %dma_start3A_48 = tpu.memref_slice %arg4[%dma_start3A_46, %dma_start3A_47] : memref<10000x128xf32, #tpu.memory_space<hbm>> -> memref<10000x128xf32, #tpu.memory_space<hbm>>
    tpu.enqueue_indirect_dma source(%dma_start3A_48 : memref<10000x128xf32, #tpu.memory_space<hbm>>) target(%arg9 : memref<128x128xf32, #tpu.memory_space<vmem>>) offsets(%dma_start3A_45 : memref<128xi32, #tpu.memory_space<vmem>>) semaphore(%arg11 : memref<!tpu.dma_semaphore, #tpu.memory_space<semaphore_mem>>)
    %scan3A_49 = arith.constant 0 : i32
    %scan3A_50 = arith.constant 19 : i32
    %scan3A_51 = arith.addi %scan3A_49, %scan3A_50 : i32
    %scan3A_52 = arith.constant 1 : i32
    scf.for %scan3A_85 = %scan3A_49 to %scan3A_51 step %scan3A_52  : i32 {
      %mul3A_86 = arith.constant 2 : i32
      %mul3A_87 = arith.muli %scan3A_85, %mul3A_86 : i32
      %add3A_88 = arith.constant 0 : i32
      %add3A_89 = arith.addi %add3A_88, %mul3A_87 : i32
      %add3A_90 = arith.constant 1 : i32
      %add3A_91 = arith.addi %add3A_89, %add3A_90 : i32
      %dma_start3A_92 = arith.constant 0 : i32
      %dma_start3A_93 = tpu.memref_slice %arg7[%add3A_91, %dma_start3A_92] : memref<40x128xi32, #tpu.memory_space<vmem>> -> memref<1x128xi32, #tpu.memory_space<vmem>>
      %dma_start3A_94 = tpu.memref_squeeze %dma_start3A_93 : memref<1x128xi32, #tpu.memory_space<vmem>> -> memref<128xi32, #tpu.memory_space<vmem>>
      %dma_start3A_95 = arith.constant 0 : i32
      %dma_start3A_96 = arith.constant 0 : i32
      %dma_start3A_97 = tpu.memref_slice %arg4[%dma_start3A_95, %dma_start3A_96] : memref<10000x128xf32, #tpu.memory_space<hbm>> -> memref<10000x128xf32, #tpu.memory_space<hbm>>
      tpu.enqueue_indirect_dma source(%dma_start3A_97 : memref<10000x128xf32, #tpu.memory_space<hbm>>) target(%arg10 : memref<128x128xf32, #tpu.memory_space<vmem>>) offsets(%dma_start3A_94 : memref<128xi32, #tpu.memory_space<vmem>>) semaphore(%arg12 : memref<!tpu.dma_semaphore, #tpu.memory_space<semaphore_mem>>)
      %dma_wait3A_98 = arith.constant 0 : i32
      %dma_wait3A_99 = tpu.memref_slice %arg7[%add3A_89, %dma_wait3A_98] : memref<40x128xi32, #tpu.memory_space<vmem>> -> memref<1x128xi32, #tpu.memory_space<vmem>>
      %dma_wait3A_100 = tpu.memref_squeeze %dma_wait3A_99 : memref<1x128xi32, #tpu.memory_space<vmem>> -> memref<128xi32, #tpu.memory_space<vmem>>
      %dma_wait3A_101 = arith.constant 0 : i32
      %dma_wait3A_102 = arith.constant 0 : i32
      %dma_wait3A_103 = tpu.memref_slice %arg4[%dma_wait3A_101, %dma_wait3A_102] : memref<10000x128xf32, #tpu.memory_space<hbm>> -> memref<10000x128xf32, #tpu.memory_space<hbm>>
      tpu.wait_indirect_dma semaphore(%arg11 : memref<!tpu.dma_semaphore, #tpu.memory_space<semaphore_mem>>) src(%dma_wait3A_103 : memref<10000x128xf32, #tpu.memory_space<hbm>>) dst(%arg9 : memref<128x128xf32, #tpu.memory_space<vmem>>)
      "tpu.region"() ({
        %run_scoped3A_122 = tpu.sem_alloc : memref<!tpu.dma_semaphore, #tpu.memory_space<semaphore_mem>>
        %dma_start3A_123 = arith.constant 0 : i32
        %dma_start3A_124 = tpu.memref_slice %arg8[%add3A_89, %dma_start3A_123] : memref<40x128xi32, #tpu.memory_space<vmem>> -> memref<1x128xi32, #tpu.memory_space<vmem>>
        %dma_start3A_125 = tpu.memref_squeeze %dma_start3A_124 : memref<1x128xi32, #tpu.memory_space<vmem>> -> memref<128xi32, #tpu.memory_space<vmem>>
        %dma_start3A_126 = arith.constant 0 : i32
        %dma_start3A_127 = arith.constant 0 : i32
        %dma_start3A_128 = tpu.memref_slice %arg6[%dma_start3A_126, %dma_start3A_127] : memref<10240x128xf32, #tpu.memory_space<vmem_shared>> -> memref<10240x128xf32, #tpu.memory_space<vmem_shared>>
        tpu.enqueue_indirect_dma source(%arg9 : memref<128x128xf32, #tpu.memory_space<vmem>>) target(%dma_start3A_128 : memref<10240x128xf32, #tpu.memory_space<vmem_shared>>) offsets(%dma_start3A_125 : memref<128xi32, #tpu.memory_space<vmem>>) semaphore(%run_scoped3A_122 : memref<!tpu.dma_semaphore, #tpu.memory_space<semaphore_mem>>) {add = true}
        %dma_wait3A_129 = arith.constant 0 : i32
        %dma_wait3A_130 = tpu.memref_slice %arg8[%add3A_89, %dma_wait3A_129] : memref<40x128xi32, #tpu.memory_space<vmem>> -> memref<1x128xi32, #tpu.memory_space<vmem>>
        %dma_wait3A_131 = tpu.memref_squeeze %dma_wait3A_130 : memref<1x128xi32, #tpu.memory_space<vmem>> -> memref<128xi32, #tpu.memory_space<vmem>>
        %dma_wait3A_132 = arith.constant 0 : i32
        %dma_wait3A_133 = arith.constant 0 : i32
        %dma_wait3A_134 = tpu.memref_slice %arg6[%dma_wait3A_132, %dma_wait3A_133] : memref<10240x128xf32, #tpu.memory_space<vmem_shared>> -> memref<10240x128xf32, #tpu.memory_space<vmem_shared>>
        tpu.wait_indirect_dma semaphore(%run_scoped3A_122 : memref<!tpu.dma_semaphore, #tpu.memory_space<semaphore_mem>>) src(%arg9 : memref<128x128xf32, #tpu.memory_space<vmem>>) dst(%dma_wait3A_134 : memref<10240x128xf32, #tpu.memory_space<vmem_shared>>)
        tpu.yield
      }) : () -> ()
      %add3A_104 = arith.constant 2 : i32
      %add3A_105 = arith.addi %add3A_89, %add3A_104 : i32
      %dma_start3A_106 = arith.constant 0 : i32
      %dma_start3A_107 = tpu.memref_slice %arg7[%add3A_105, %dma_start3A_106] : memref<40x128xi32, #tpu.memory_space<vmem>> -> memref<1x128xi32, #tpu.memory_space<vmem>>
      %dma_start3A_108 = tpu.memref_squeeze %dma_start3A_107 : memref<1x128xi32, #tpu.memory_space<vmem>> -> memref<128xi32, #tpu.memory_space<vmem>>
      %dma_start3A_109 = arith.constant 0 : i32
      %dma_start3A_110 = arith.constant 0 : i32
      %dma_start3A_111 = tpu.memref_slice %arg4[%dma_start3A_109, %dma_start3A_110] : memref<10000x128xf32, #tpu.memory_space<hbm>> -> memref<10000x128xf32, #tpu.memory_space<hbm>>
      tpu.enqueue_indirect_dma source(%dma_start3A_111 : memref<10000x128xf32, #tpu.memory_space<hbm>>) target(%arg9 : memref<128x128xf32, #tpu.memory_space<vmem>>) offsets(%dma_start3A_108 : memref<128xi32, #tpu.memory_space<vmem>>) semaphore(%arg11 : memref<!tpu.dma_semaphore, #tpu.memory_space<semaphore_mem>>)
      %add3A_112 = arith.constant 1 : i32
      %add3A_113 = arith.addi %add3A_89, %add3A_112 : i32
      %dma_wait3A_114 = arith.constant 0 : i32
      %dma_wait3A_115 = tpu.memref_slice %arg7[%add3A_113, %dma_wait3A_114] : memref<40x128xi32, #tpu.memory_space<vmem>> -> memref<1x128xi32, #tpu.memory_space<vmem>>
      %dma_wait3A_116 = tpu.memref_squeeze %dma_wait3A_115 : memref<1x128xi32, #tpu.memory_space<vmem>> -> memref<128xi32, #tpu.memory_space<vmem>>
      %dma_wait3A_117 = arith.constant 0 : i32
      %dma_wait3A_118 = arith.constant 0 : i32
      %dma_wait3A_119 = tpu.memref_slice %arg4[%dma_wait3A_117, %dma_wait3A_118] : memref<10000x128xf32, #tpu.memory_space<hbm>> -> memref<10000x128xf32, #tpu.memory_space<hbm>>
      tpu.wait_indirect_dma semaphore(%arg12 : memref<!tpu.dma_semaphore, #tpu.memory_space<semaphore_mem>>) src(%dma_wait3A_119 : memref<10000x128xf32, #tpu.memory_space<hbm>>) dst(%arg10 : memref<128x128xf32, #tpu.memory_space<vmem>>)
      %add3A_120 = arith.constant 1 : i32
      %add3A_121 = arith.addi %add3A_89, %add3A_120 : i32
      "tpu.region"() ({
        %run_scoped3A_122 = tpu.sem_alloc : memref<!tpu.dma_semaphore, #tpu.memory_space<semaphore_mem>>
        %dma_start3A_123 = arith.constant 0 : i32
        %dma_start3A_124 = tpu.memref_slice %arg8[%add3A_121, %dma_start3A_123] : memref<40x128xi32, #tpu.memory_space<vmem>> -> memref<1x128xi32, #tpu.memory_space<vmem>>
        %dma_start3A_125 = tpu.memref_squeeze %dma_start3A_124 : memref<1x128xi32, #tpu.memory_space<vmem>> -> memref<128xi32, #tpu.memory_space<vmem>>
        %dma_start3A_126 = arith.constant 0 : i32
        %dma_start3A_127 = arith.constant 0 : i32
        %dma_start3A_128 = tpu.memref_slice %arg6[%dma_start3A_126, %dma_start3A_127] : memref<10240x128xf32, #tpu.memory_space<vmem_shared>> -> memref<10240x128xf32, #tpu.memory_space<vmem_shared>>
        tpu.enqueue_indirect_dma source(%arg10 : memref<128x128xf32, #tpu.memory_space<vmem>>) target(%dma_start3A_128 : memref<10240x128xf32, #tpu.memory_space<vmem_shared>>) offsets(%dma_start3A_125 : memref<128xi32, #tpu.memory_space<vmem>>) semaphore(%run_scoped3A_122 : memref<!tpu.dma_semaphore, #tpu.memory_space<semaphore_mem>>) {add = true}
        %dma_wait3A_129 = arith.constant 0 : i32
        %dma_wait3A_130 = tpu.memref_slice %arg8[%add3A_121, %dma_wait3A_129] : memref<40x128xi32, #tpu.memory_space<vmem>> -> memref<1x128xi32, #tpu.memory_space<vmem>>
        %dma_wait3A_131 = tpu.memref_squeeze %dma_wait3A_130 : memref<1x128xi32, #tpu.memory_space<vmem>> -> memref<128xi32, #tpu.memory_space<vmem>>
        %dma_wait3A_132 = arith.constant 0 : i32
        %dma_wait3A_133 = arith.constant 0 : i32
        %dma_wait3A_134 = tpu.memref_slice %arg6[%dma_wait3A_132, %dma_wait3A_133] : memref<10240x128xf32, #tpu.memory_space<vmem_shared>> -> memref<10240x128xf32, #tpu.memory_space<vmem_shared>>
        tpu.wait_indirect_dma semaphore(%run_scoped3A_122 : memref<!tpu.dma_semaphore, #tpu.memory_space<semaphore_mem>>) src(%arg10 : memref<128x128xf32, #tpu.memory_space<vmem>>) dst(%dma_wait3A_134 : memref<10240x128xf32, #tpu.memory_space<vmem_shared>>)
        tpu.yield
      }) : () -> ()
    }
    %scan3A_53 = arith.constant 19 : i32
    %dma_start3A_54 = arith.constant 39 : i32
    %dma_start3A_55 = arith.constant 0 : i32
    %dma_start3A_56 = tpu.memref_slice %arg7[%dma_start3A_54, %dma_start3A_55] : memref<40x128xi32, #tpu.memory_space<vmem>> -> memref<1x128xi32, #tpu.memory_space<vmem>>
    %dma_start3A_57 = tpu.memref_squeeze %dma_start3A_56 : memref<1x128xi32, #tpu.memory_space<vmem>> -> memref<128xi32, #tpu.memory_space<vmem>>
    %dma_start3A_58 = arith.constant 0 : i32
    %dma_start3A_59 = arith.constant 0 : i32
    %dma_start3A_60 = tpu.memref_slice %arg4[%dma_start3A_58, %dma_start3A_59] : memref<10000x128xf32, #tpu.memory_space<hbm>> -> memref<10000x128xf32, #tpu.memory_space<hbm>>
    tpu.enqueue_indirect_dma source(%dma_start3A_60 : memref<10000x128xf32, #tpu.memory_space<hbm>>) target(%arg10 : memref<128x128xf32, #tpu.memory_space<vmem>>) offsets(%dma_start3A_57 : memref<128xi32, #tpu.memory_space<vmem>>) semaphore(%arg12 : memref<!tpu.dma_semaphore, #tpu.memory_space<semaphore_mem>>)
    %dma_wait3A_61 = arith.constant 38 : i32
    %dma_wait3A_62 = arith.constant 0 : i32
    %dma_wait3A_63 = tpu.memref_slice %arg7[%dma_wait3A_61, %dma_wait3A_62] : memref<40x128xi32, #tpu.memory_space<vmem>> -> memref<1x128xi32, #tpu.memory_space<vmem>>
    %dma_wait3A_64 = tpu.memref_squeeze %dma_wait3A_63 : memref<1x128xi32, #tpu.memory_space<vmem>> -> memref<128xi32, #tpu.memory_space<vmem>>
    %dma_wait3A_65 = arith.constant 0 : i32
    %dma_wait3A_66 = arith.constant 0 : i32
    %dma_wait3A_67 = tpu.memref_slice %arg4[%dma_wait3A_65, %dma_wait3A_66] : memref<10000x128xf32, #tpu.memory_space<hbm>> -> memref<10000x128xf32, #tpu.memory_space<hbm>>
    tpu.wait_indirect_dma semaphore(%arg11 : memref<!tpu.dma_semaphore, #tpu.memory_space<semaphore_mem>>) src(%dma_wait3A_67 : memref<10000x128xf32, #tpu.memory_space<hbm>>) dst(%arg9 : memref<128x128xf32, #tpu.memory_space<vmem>>)
    %run_scoped3A_68 = arith.constant 38 : i32
    "tpu.region"() ({
      %run_scoped3A_85 = tpu.sem_alloc : memref<!tpu.dma_semaphore, #tpu.memory_space<semaphore_mem>>
      %dma_start3A_86 = arith.constant 0 : i32
      %dma_start3A_87 = tpu.memref_slice %arg8[%run_scoped3A_68, %dma_start3A_86] : memref<40x128xi32, #tpu.memory_space<vmem>> -> memref<1x128xi32, #tpu.memory_space<vmem>>
      %dma_start3A_88 = tpu.memref_squeeze %dma_start3A_87 : memref<1x128xi32, #tpu.memory_space<vmem>> -> memref<128xi32, #tpu.memory_space<vmem>>
      %dma_start3A_89 = arith.constant 0 : i32
      %dma_start3A_90 = arith.constant 0 : i32
      %dma_start3A_91 = tpu.memref_slice %arg6[%dma_start3A_89, %dma_start3A_90] : memref<10240x128xf32, #tpu.memory_space<vmem_shared>> -> memref<10240x128xf32, #tpu.memory_space<vmem_shared>>
      tpu.enqueue_indirect_dma source(%arg9 : memref<128x128xf32, #tpu.memory_space<vmem>>) target(%dma_start3A_91 : memref<10240x128xf32, #tpu.memory_space<vmem_shared>>) offsets(%dma_start3A_88 : memref<128xi32, #tpu.memory_space<vmem>>) semaphore(%run_scoped3A_85 : memref<!tpu.dma_semaphore, #tpu.memory_space<semaphore_mem>>) {add = true}
      %dma_wait3A_92 = arith.constant 0 : i32
      %dma_wait3A_93 = tpu.memref_slice %arg8[%run_scoped3A_68, %dma_wait3A_92] : memref<40x128xi32, #tpu.memory_space<vmem>> -> memref<1x128xi32, #tpu.memory_space<vmem>>
      %dma_wait3A_94 = tpu.memref_squeeze %dma_wait3A_93 : memref<1x128xi32, #tpu.memory_space<vmem>> -> memref<128xi32, #tpu.memory_space<vmem>>
      %dma_wait3A_95 = arith.constant 0 : i32
      %dma_wait3A_96 = arith.constant 0 : i32
      %dma_wait3A_97 = tpu.memref_slice %arg6[%dma_wait3A_95, %dma_wait3A_96] : memref<10240x128xf32, #tpu.memory_space<vmem_shared>> -> memref<10240x128xf32, #tpu.memory_space<vmem_shared>>
      tpu.wait_indirect_dma semaphore(%run_scoped3A_85 : memref<!tpu.dma_semaphore, #tpu.memory_space<semaphore_mem>>) src(%arg9 : memref<128x128xf32, #tpu.memory_space<vmem>>) dst(%dma_wait3A_97 : memref<10240x128xf32, #tpu.memory_space<vmem_shared>>)
      tpu.yield
    }) : () -> ()
    %dma_wait3A_69 = arith.constant 39 : i32
    %dma_wait3A_70 = arith.constant 0 : i32
    %dma_wait3A_71 = tpu.memref_slice %arg7[%dma_wait3A_69, %dma_wait3A_70] : memref<40x128xi32, #tpu.memory_space<vmem>> -> memref<1x128xi32, #tpu.memory_space<vmem>>
    %dma_wait3A_72 = tpu.memref_squeeze %dma_wait3A_71 : memref<1x128xi32, #tpu.memory_space<vmem>> -> memref<128xi32, #tpu.memory_space<vmem>>
    %dma_wait3A_73 = arith.constant 0 : i32
    %dma_wait3A_74 = arith.constant 0 : i32
    %dma_wait3A_75 = tpu.memref_slice %arg4[%dma_wait3A_73, %dma_wait3A_74] : memref<10000x128xf32, #tpu.memory_space<hbm>> -> memref<10000x128xf32, #tpu.memory_space<hbm>>
    tpu.wait_indirect_dma semaphore(%arg12 : memref<!tpu.dma_semaphore, #tpu.memory_space<semaphore_mem>>) src(%dma_wait3A_75 : memref<10000x128xf32, #tpu.memory_space<hbm>>) dst(%arg10 : memref<128x128xf32, #tpu.memory_space<vmem>>)
    %run_scoped3A_76 = arith.constant 39 : i32
    "tpu.region"() ({
      %run_scoped3A_85 = tpu.sem_alloc : memref<!tpu.dma_semaphore, #tpu.memory_space<semaphore_mem>>
      %dma_start3A_86 = arith.constant 0 : i32
      %dma_start3A_87 = tpu.memref_slice %arg8[%run_scoped3A_76, %dma_start3A_86] : memref<40x128xi32, #tpu.memory_space<vmem>> -> memref<1x128xi32, #tpu.memory_space<vmem>>
      %dma_start3A_88 = tpu.memref_squeeze %dma_start3A_87 : memref<1x128xi32, #tpu.memory_space<vmem>> -> memref<128xi32, #tpu.memory_space<vmem>>
      %dma_start3A_89 = arith.constant 0 : i32
      %dma_start3A_90 = arith.constant 0 : i32
      %dma_start3A_91 = tpu.memref_slice %arg6[%dma_start3A_89, %dma_start3A_90] : memref<10240x128xf32, #tpu.memory_space<vmem_shared>> -> memref<10240x128xf32, #tpu.memory_space<vmem_shared>>
      tpu.enqueue_indirect_dma source(%arg10 : memref<128x128xf32, #tpu.memory_space<vmem>>) target(%dma_start3A_91 : memref<10240x128xf32, #tpu.memory_space<vmem_shared>>) offsets(%dma_start3A_88 : memref<128xi32, #tpu.memory_space<vmem>>) semaphore(%run_scoped3A_85 : memref<!tpu.dma_semaphore, #tpu.memory_space<semaphore_mem>>) {add = true}
      %dma_wait3A_92 = arith.constant 0 : i32
      %dma_wait3A_93 = tpu.memref_slice %arg8[%run_scoped3A_76, %dma_wait3A_92] : memref<40x128xi32, #tpu.memory_space<vmem>> -> memref<1x128xi32, #tpu.memory_space<vmem>>
      %dma_wait3A_94 = tpu.memref_squeeze %dma_wait3A_93 : memref<1x128xi32, #tpu.memory_space<vmem>> -> memref<128xi32, #tpu.memory_space<vmem>>
      %dma_wait3A_95 = arith.constant 0 : i32
      %dma_wait3A_96 = arith.constant 0 : i32
      %dma_wait3A_97 = tpu.memref_slice %arg6[%dma_wait3A_95, %dma_wait3A_96] : memref<10240x128xf32, #tpu.memory_space<vmem_shared>> -> memref<10240x128xf32, #tpu.memory_space<vmem_shared>>
      tpu.wait_indirect_dma semaphore(%run_scoped3A_85 : memref<!tpu.dma_semaphore, #tpu.memory_space<semaphore_mem>>) src(%arg10 : memref<128x128xf32, #tpu.memory_space<vmem>>) dst(%dma_wait3A_97 : memref<10240x128xf32, #tpu.memory_space<vmem_shared>>)
      tpu.yield
    }) : () -> ()
    %barrier3A_77 = arith.constant 0 : index
    tpu.barrier barrier_id(%barrier3A_77)
    %mul3A_78 = arith.constant 640 : i32
    %mul3A_79 = arith.muli %arg1, %mul3A_78 : i32
    %mul3A_80 = arith.constant 10240 : i32
    %mul3A_81 = arith.muli %arg0, %mul3A_80 : i32
    %mul3A_82 = arith.constant 640 : i32
    %mul3A_83 = arith.muli %arg1, %mul3A_82 : i32
    %add3A_84 = arith.addi %mul3A_81, %mul3A_83 : i32
    "tpu.region"() ({
      %run_scoped3A_85 = tpu.sem_alloc : memref<!tpu.dma_semaphore, #tpu.memory_space<semaphore_mem>>
      %dma_start3A_86 = arith.constant 0 : i32
      %dma_start3A_87 = tpu.memref_slice %arg5[%add3A_84, %dma_start3A_86] : memref<20480x128xf32, #tpu.memory_space<hbm>> -> memref<640x128xf32, #tpu.memory_space<hbm>>
      %dma_start3A_88 = arith.constant 0 : i32
      %dma_start3A_89 = tpu.memref_slice %arg6[%mul3A_79, %dma_start3A_88] : memref<10240x128xf32, #tpu.memory_space<vmem_shared>> -> memref<640x128xf32, #tpu.memory_space<vmem_shared>>
      tpu.enqueue_dma source(%dma_start3A_89 : memref<640x128xf32, #tpu.memory_space<vmem_shared>>) target(%dma_start3A_87 : memref<640x128xf32, #tpu.memory_space<hbm>>) target_semaphore(%run_scoped3A_85 : memref<!tpu.dma_semaphore, #tpu.memory_space<semaphore_mem>>)
      %dma_wait3A_90 = arith.constant 0 : i32
      %dma_wait3A_91 = tpu.memref_slice %arg5[%add3A_84, %dma_wait3A_90] : memref<20480x128xf32, #tpu.memory_space<hbm>> -> memref<640x128xf32, #tpu.memory_space<hbm>>
      %dma_wait3A_92 = arith.constant 0 : i32
      %dma_wait3A_93 = tpu.memref_slice %arg6[%mul3A_79, %dma_wait3A_92] : memref<10240x128xf32, #tpu.memory_space<vmem_shared>> -> memref<640x128xf32, #tpu.memory_space<vmem_shared>>
      tpu.wait_dma2 semaphore(%run_scoped3A_85 : memref<!tpu.dma_semaphore, #tpu.memory_space<semaphore_mem>>) src(%dma_wait3A_93 : memref<640x128xf32, #tpu.memory_space<vmem_shared>>) dst(%dma_wait3A_91 : memref<640x128xf32, #tpu.memory_space<hbm>>)
      tpu.yield
    }) : () -> ()
    return
  }
}

module attributes {stable_mosaic.version = 14 : i64} {
  func.func @_tc1_body(%arg0: i32, %arg1: memref<2x1000x1xf32, #tpu.memory_space<vmem>>, %arg2: memref<1000x128xf32, #tpu.memory_space<vmem>>, %arg3: memref<128x128xf32, #tpu.memory_space<vmem>>, %arg4: memref<1000x128xf32, #tpu.memory_space<vmem>>, %arg5: memref<1000x128xf32, #tpu.memory_space<vmem>>) attributes {dimension_semantics = [#tpu.dimension_semantics<arbitrary>], iteration_bounds = array<i64: 10>, scalar_prefetch = 0 : i64, scratch_operands = 0 : i64, tpu.core_type = #tpu.core_type<tc>, window_params = [{transform_indices = @transform_0, window_bounds = array<i64: 2, 1000, 1>}, {transform_indices = @transform_1, window_bounds = array<i64: 1000, 128>}, {pipeline_mode = #tpu.pipeline_mode<synchronous>, transform_indices = @transform_2, window_bounds = array<i64: 128, 128>}, {transform_indices = @transform_3, window_bounds = array<i64: 1000, 128>}, {transform_indices = @transform_4, window_bounds = array<i64: 1000, 128>}]} {
    %get3A = arith.constant 0 : index
    %get3A_0 = arith.constant 0 : index
    %get3A_1 = arith.constant 0 : index
    %get3A_2 = vector.load %arg1[%get3A, %get3A_0, %get3A_1] : memref<2x1000x1xf32, #tpu.memory_space<vmem>>, vector<1x1000x1xf32>
    %get3A_3 = vector.shape_cast %get3A_2 : vector<1x1000x1xf32> to vector<1000x1xf32>
    %get3A_4 = arith.constant 1 : index
    %get3A_5 = arith.constant 0 : index
    %get3A_6 = arith.constant 0 : index
    %get3A_7 = vector.load %arg1[%get3A_4, %get3A_5, %get3A_6] : memref<2x1000x1xf32, #tpu.memory_space<vmem>>, vector<1x1000x1xf32>
    %get3A_8 = vector.shape_cast %get3A_7 : vector<1x1000x1xf32> to vector<1000x1xf32>
    %add3A = arith.addf %get3A_3, %get3A_8 : vector<1000x1xf32>
    %add3A_9 = arith.constant 1.000000e+00 : f32
    %add3A_10 = vector.broadcast %add3A_9 : f32 to vector<1000x1xf32>
    %add3A_11 = arith.addf %add3A, %add3A_10 : vector<1000x1xf32>
    %rsqrt3A = math.rsqrt %add3A_11 : vector<1000x1xf32>
    %get3A_12 = arith.constant 0 : index
    %get3A_13 = arith.constant 0 : index
    %get3A_14 = vector.load %arg2[%get3A_12, %get3A_13] : memref<1000x128xf32, #tpu.memory_space<vmem>>, vector<1000x128xf32>
    %get3A_15 = arith.constant 0 : index
    %get3A_16 = arith.constant 0 : index
    %get3A_17 = vector.load %arg3[%get3A_15, %get3A_16] : memref<128x128xf32, #tpu.memory_space<vmem>>, vector<128x128xf32>
    %dot_general3A = arith.constant dense<0.000000e+00> : vector<1000x128xf32>
    %dot_general3A_18 = tpu.matmul %get3A_14, %get3A_17, %dot_general3A {dimension_numbers = #tpu.dot_dimension_numbers<[1], [0], [0], [1], [0, 0, 1, 1], [], []>, transpose_lhs_hint = false} : vector<1000x128xf32>, vector<128x128xf32>, vector<1000x128xf32> -> vector<1000x128xf32>
    %mul3A = vector.broadcast %rsqrt3A : vector<1000x1xf32> to vector<1000x128xf32>
    %mul3A_19 = arith.mulf %dot_general3A_18, %mul3A : vector<1000x128xf32>
    %swap3A = arith.constant 0 : index
    %swap3A_20 = arith.constant 0 : index
    %swap3A_21 = vector.load %arg4[%swap3A, %swap3A_20] : memref<1000x128xf32, #tpu.memory_space<vmem>>, vector<1000x128xf32>
    tpu.vector_store %arg4[%swap3A, %swap3A_20], %mul3A_19 {strides = array<i32>} : memref<1000x128xf32, #tpu.memory_space<vmem>>, vector<1000x128xf32>,
    %broadcast_in_dim3A = vector.shape_cast %rsqrt3A : vector<1000x1xf32> to vector<1000x1xf32>
    %broadcast_in_dim3A_22 = vector.broadcast %broadcast_in_dim3A : vector<1000x1xf32> to vector<1000x128xf32>
    %swap3A_23 = arith.constant 0 : index
    %swap3A_24 = arith.constant 0 : index
    %swap3A_25 = vector.load %arg5[%swap3A_23, %swap3A_24] : memref<1000x128xf32, #tpu.memory_space<vmem>>, vector<1000x128xf32>
    tpu.vector_store %arg5[%swap3A_23, %swap3A_24], %broadcast_in_dim3A_22 {strides = array<i32>} : memref<1000x128xf32, #tpu.memory_space<vmem>>, vector<1000x128xf32>,
    return
  }
  func.func @transform_0(%arg0: i32) -> (i32, i32, i32) {
    %c0_i32 = arith.constant 0 : i32
    %c0_i32_0 = arith.constant 0 : i32
    %c0_i32_1 = arith.constant 0 : i32
    return %c0_i32, %arg0, %c0_i32_0 : i32, i32, i32
  }
  func.func @transform_1(%arg0: i32) -> (i32, i32) {
    %c0_i32 = arith.constant 0 : i32
    %c0_i32_0 = arith.constant 0 : i32
    return %arg0, %c0_i32 : i32, i32
  }
  func.func @transform_2(%arg0: i32) -> (i32, i32) {
    %c0_i32 = arith.constant 0 : i32
    %c0_i32_0 = arith.constant 0 : i32
    %c0_i32_1 = arith.constant 0 : i32
    return %c0_i32, %c0_i32_0 : i32, i32
  }
  func.func @transform_3(%arg0: i32) -> (i32, i32) {
    %c0_i32 = arith.constant 0 : i32
    %c0_i32_0 = arith.constant 0 : i32
    return %arg0, %c0_i32 : i32, i32
  }
  func.func @transform_4(%arg0: i32) -> (i32, i32) {
    %c0_i32 = arith.constant 0 : i32
    %c0_i32_0 = arith.constant 0 : i32
    return %arg0, %c0_i32 : i32, i32
  }
}

module attributes {stable_mosaic.version = 14 : i64} {
  func.func @_tc2_body(%arg0: i32, %arg1: memref<2x1000x128xf32, #tpu.memory_space<vmem>>, %arg2: memref<1000x128xf32, #tpu.memory_space<vmem>>, %arg3: memref<1000x128xf32, #tpu.memory_space<vmem>>, %arg4: memref<1x128xf32, #tpu.memory_space<vmem>>, %arg5: memref<128x128xf32, #tpu.memory_space<vmem>>, %arg6: memref<1000x128xf32, #tpu.memory_space<vmem>>) attributes {dimension_semantics = [#tpu.dimension_semantics<arbitrary>], iteration_bounds = array<i64: 10>, scalar_prefetch = 0 : i64, scratch_operands = 0 : i64, tpu.core_type = #tpu.core_type<tc>, window_params = [{transform_indices = @transform_0, window_bounds = array<i64: 2, 1000, 128>}, {transform_indices = @transform_1, window_bounds = array<i64: 1000, 128>}, {transform_indices = @transform_2, window_bounds = array<i64: 1000, 128>}, {pipeline_mode = #tpu.pipeline_mode<synchronous>, transform_indices = @transform_3, window_bounds = array<i64: 1, 128>}, {pipeline_mode = #tpu.pipeline_mode<synchronous>, transform_indices = @transform_4, window_bounds = array<i64: 128, 128>}, {transform_indices = @transform_5, window_bounds = array<i64: 1000, 128>}]} {
    %get3A = arith.constant 0 : index
    %get3A_0 = arith.constant 0 : index
    %get3A_1 = arith.constant 0 : index
    %get3A_2 = vector.load %arg1[%get3A, %get3A_0, %get3A_1] : memref<2x1000x128xf32, #tpu.memory_space<vmem>>, vector<1x1000x128xf32>
    %get3A_3 = vector.shape_cast %get3A_2 : vector<1x1000x128xf32> to vector<1000x128xf32>
    %get3A_4 = arith.constant 1 : index
    %get3A_5 = arith.constant 0 : index
    %get3A_6 = arith.constant 0 : index
    %get3A_7 = vector.load %arg1[%get3A_4, %get3A_5, %get3A_6] : memref<2x1000x128xf32, #tpu.memory_space<vmem>>, vector<1x1000x128xf32>
    %get3A_8 = vector.shape_cast %get3A_7 : vector<1x1000x128xf32> to vector<1000x128xf32>
    %add3A = arith.addf %get3A_3, %get3A_8 : vector<1000x128xf32>
    %get3A_9 = arith.constant 0 : index
    %get3A_10 = arith.constant 0 : index
    %get3A_11 = vector.load %arg2[%get3A_9, %get3A_10] : memref<1000x128xf32, #tpu.memory_space<vmem>>, vector<1000x128xf32>
    %add3A_12 = arith.addf %add3A, %get3A_11 : vector<1000x128xf32>
    %get3A_13 = arith.constant 0 : index
    %get3A_14 = arith.constant 0 : index
    %get3A_15 = vector.load %arg3[%get3A_13, %get3A_14] : memref<1000x128xf32, #tpu.memory_space<vmem>>, vector<1000x128xf32>
    %mul3A = arith.mulf %add3A_12, %get3A_15 : vector<1000x128xf32>
    %get3A_16 = arith.constant 0 : index
    %get3A_17 = arith.constant 0 : index
    %get3A_18 = vector.load %arg4[%get3A_16, %get3A_17] : memref<1x128xf32, #tpu.memory_space<vmem>>, vector<1x128xf32>
    %add3A_19 = vector.broadcast %get3A_18 : vector<1x128xf32> to vector<1000x128xf32>
    %add3A_20 = arith.addf %mul3A, %add3A_19 : vector<1000x128xf32>
    %max3A = arith.constant 0.000000e+00 : f32
    %max3A_21 = vector.broadcast %max3A : f32 to vector<1000x128xf32>
    %max3A_22 = arith.maximumf %add3A_20, %max3A_21 : vector<1000x128xf32>
    %get3A_23 = arith.constant 0 : index
    %get3A_24 = arith.constant 0 : index
    %get3A_25 = vector.load %arg5[%get3A_23, %get3A_24] : memref<128x128xf32, #tpu.memory_space<vmem>>, vector<128x128xf32>
    %dot_general3A = arith.constant dense<0.000000e+00> : vector<1000x128xf32>
    %dot_general3A_26 = tpu.matmul %max3A_22, %get3A_25, %dot_general3A {dimension_numbers = #tpu.dot_dimension_numbers<[1], [0], [0], [1], [0, 0, 1, 1], [], []>, transpose_lhs_hint = false} : vector<1000x128xf32>, vector<128x128xf32>, vector<1000x128xf32> -> vector<1000x128xf32>
    %get3A_27 = arith.constant 0 : index
    %get3A_28 = arith.constant 0 : index
    %get3A_29 = vector.load %arg3[%get3A_27, %get3A_28] : memref<1000x128xf32, #tpu.memory_space<vmem>>, vector<1000x128xf32>
    %mul3A_30 = arith.mulf %dot_general3A_26, %get3A_29 : vector<1000x128xf32>
    %swap3A = arith.constant 0 : index
    %swap3A_31 = arith.constant 0 : index
    %swap3A_32 = vector.load %arg6[%swap3A, %swap3A_31] : memref<1000x128xf32, #tpu.memory_space<vmem>>, vector<1000x128xf32>
    tpu.vector_store %arg6[%swap3A, %swap3A_31], %mul3A_30 {strides = array<i32>} : memref<1000x128xf32, #tpu.memory_space<vmem>>, vector<1000x128xf32>,
    return
  }
  func.func @transform_0(%arg0: i32) -> (i32, i32, i32) {
    %c0_i32 = arith.constant 0 : i32
    %c0_i32_0 = arith.constant 0 : i32
    %c0_i32_1 = arith.constant 0 : i32
    return %c0_i32, %arg0, %c0_i32_0 : i32, i32, i32
  }
  func.func @transform_1(%arg0: i32) -> (i32, i32) {
    %c0_i32 = arith.constant 0 : i32
    %c0_i32_0 = arith.constant 0 : i32
    return %arg0, %c0_i32 : i32, i32
  }
  func.func @transform_2(%arg0: i32) -> (i32, i32) {
    %c0_i32 = arith.constant 0 : i32
    %c0_i32_0 = arith.constant 0 : i32
    return %arg0, %c0_i32 : i32, i32
  }
  func.func @transform_3(%arg0: i32) -> (i32, i32) {
    %c0_i32 = arith.constant 0 : i32
    %c0_i32_0 = arith.constant 0 : i32
    %c0_i32_1 = arith.constant 0 : i32
    return %c0_i32, %c0_i32_0 : i32, i32
  }
  func.func @transform_4(%arg0: i32) -> (i32, i32) {
    %c0_i32 = arith.constant 0 : i32
    %c0_i32_0 = arith.constant 0 : i32
    %c0_i32_1 = arith.constant 0 : i32
    return %c0_i32, %c0_i32_0 : i32, i32
  }
  func.func @transform_5(%arg0: i32) -> (i32, i32) {
    %c0_i32 = arith.constant 0 : i32
    %c0_i32_0 = arith.constant 0 : i32
    return %arg0, %c0_i32 : i32, i32
  }
}

module attributes {stable_mosaic.version = 14 : i64} {
  func.func @_tc3_body(%arg0: i32, %arg1: memref<2x1000x128xf32, #tpu.memory_space<vmem>>, %arg2: memref<1000x128xf32, #tpu.memory_space<vmem>>, %arg3: memref<1000x128xf32, #tpu.memory_space<vmem>>, %arg4: memref<1x128xf32, #tpu.memory_space<vmem>>, %arg5: memref<1000x128xf32, #tpu.memory_space<vmem>>) attributes {dimension_semantics = [#tpu.dimension_semantics<arbitrary>], iteration_bounds = array<i64: 10>, scalar_prefetch = 0 : i64, scratch_operands = 0 : i64, tpu.core_type = #tpu.core_type<tc>, window_params = [{transform_indices = @transform_0, window_bounds = array<i64: 2, 1000, 128>}, {transform_indices = @transform_1, window_bounds = array<i64: 1000, 128>}, {transform_indices = @transform_2, window_bounds = array<i64: 1000, 128>}, {pipeline_mode = #tpu.pipeline_mode<synchronous>, transform_indices = @transform_3, window_bounds = array<i64: 1, 128>}, {transform_indices = @transform_4, window_bounds = array<i64: 1000, 128>}]} {
    %get3A = arith.constant 0 : index
    %get3A_0 = arith.constant 0 : index
    %get3A_1 = arith.constant 0 : index
    %get3A_2 = vector.load %arg1[%get3A, %get3A_0, %get3A_1] : memref<2x1000x128xf32, #tpu.memory_space<vmem>>, vector<1x1000x128xf32>
    %get3A_3 = vector.shape_cast %get3A_2 : vector<1x1000x128xf32> to vector<1000x128xf32>
    %get3A_4 = arith.constant 1 : index
    %get3A_5 = arith.constant 0 : index
    %get3A_6 = arith.constant 0 : index
    %get3A_7 = vector.load %arg1[%get3A_4, %get3A_5, %get3A_6] : memref<2x1000x128xf32, #tpu.memory_space<vmem>>, vector<1x1000x128xf32>
    %get3A_8 = vector.shape_cast %get3A_7 : vector<1x1000x128xf32> to vector<1000x128xf32>
    %add3A = arith.addf %get3A_3, %get3A_8 : vector<1000x128xf32>
    %get3A_9 = arith.constant 0 : index
    %get3A_10 = arith.constant 0 : index
    %get3A_11 = vector.load %arg2[%get3A_9, %get3A_10] : memref<1000x128xf32, #tpu.memory_space<vmem>>, vector<1000x128xf32>
    %add3A_12 = arith.addf %add3A, %get3A_11 : vector<1000x128xf32>
    %get3A_13 = arith.constant 0 : index
    %get3A_14 = arith.constant 0 : index
    %get3A_15 = vector.load %arg3[%get3A_13, %get3A_14] : memref<1000x128xf32, #tpu.memory_space<vmem>>, vector<1000x128xf32>
    %mul3A = arith.mulf %add3A_12, %get3A_15 : vector<1000x128xf32>
    %get3A_16 = arith.constant 0 : index
    %get3A_17 = arith.constant 0 : index
    %get3A_18 = vector.load %arg4[%get3A_16, %get3A_17] : memref<1x128xf32, #tpu.memory_space<vmem>>, vector<1x128xf32>
    %add3A_19 = vector.broadcast %get3A_18 : vector<1x128xf32> to vector<1000x128xf32>
    %add3A_20 = arith.addf %mul3A, %add3A_19 : vector<1000x128xf32>
    %swap3A = arith.constant 0 : index
    %swap3A_21 = arith.constant 0 : index
    %swap3A_22 = vector.load %arg5[%swap3A, %swap3A_21] : memref<1000x128xf32, #tpu.memory_space<vmem>>, vector<1000x128xf32>
    tpu.vector_store %arg5[%swap3A, %swap3A_21], %add3A_20 {strides = array<i32>} : memref<1000x128xf32, #tpu.memory_space<vmem>>, vector<1000x128xf32>,
    return
  }
  func.func @transform_0(%arg0: i32) -> (i32, i32, i32) {
    %c0_i32 = arith.constant 0 : i32
    %c0_i32_0 = arith.constant 0 : i32
    %c0_i32_1 = arith.constant 0 : i32
    return %c0_i32, %arg0, %c0_i32_0 : i32, i32, i32
  }
  func.func @transform_1(%arg0: i32) -> (i32, i32) {
    %c0_i32 = arith.constant 0 : i32
    %c0_i32_0 = arith.constant 0 : i32
    return %arg0, %c0_i32 : i32, i32
  }
  func.func @transform_2(%arg0: i32) -> (i32, i32) {
    %c0_i32 = arith.constant 0 : i32
    %c0_i32_0 = arith.constant 0 : i32
    return %arg0, %c0_i32 : i32, i32
  }
  func.func @transform_3(%arg0: i32) -> (i32, i32) {
    %c0_i32 = arith.constant 0 : i32
    %c0_i32_0 = arith.constant 0 : i32
    %c0_i32_1 = arith.constant 0 : i32
    return %c0_i32, %c0_i32_0 : i32, i32
  }
  func.func @transform_4(%arg0: i32) -> (i32, i32) {
    %c0_i32 = arith.constant 0 : i32
    %c0_i32_0 = arith.constant 0 : i32
    return %arg0, %c0_i32 : i32, i32
  }
}

</mosaic_0001>

<sc_bundles>
// kernel: kernel.11.cloned.1.call-start
scs
__scs_entry_jumppad:
0x0: {  	(pc) =	sbr.rel $0x88, $3  }
0x1: {  	(tag) =	ssettag $0x0;
	lr =	simm.s32 $0x1  }
0x2: {  	[smem:$0x3F9B] =	sst lr;
	_ =	strace $0xD0000000  }
0x3: {  	_ = 	snop  }
0x4: {  	_ = 	snop  }
0x5: {  	_ = 	snop  }
0x6: {  	_ = 	snop  }
0x7: {  	_ = 	snop  }
__scs_overlays_trampoline_lowered:
0x8: {  	[smem:$0x3FAA] =	sst s0  }
0x9: {  	[smem:$0x3FAB] =	sst s1  }
0xa: {  	[smem:$0x3FAC] =	sst s2  }
0xb: {  	[smem:$0x3FAD] =	sst s3  }
0xc: {  	[smem:$0x3FAE] =	sst s4  }
0xd: {  	[smem:$0x3FAF] =	sst s5  }
0xe: {  	[smem:$0x3FB0] =	sst s6  }
0xf: {  	[smem:$0x3FB1] =	sst s7  }
0x10: {  	[smem:$0x3FB2] =	sst s8  }
0x11: {  	[smem:$0x3FB3] =	sst s9;
	s0 =	simm.s32 @!p0 $0x0  }
0x12: {  	s1 =	sld [smem:$0x3F99];
	s0 =	simm.s32 @p0 $0x1  }
0x13: {  	[smem:$0x3FB4] =	sst s0;
	s0 =	simm.s32 @!p1 $0x0  }
0x14: {  	s2 =	sld [smem:$0x3F98];
	s0 =	simm.s32 @p1 $0x1  }
0x15: {  	[smem:$0x3FB5] =	sst s0;
	s0 =	simm.s32 @!p2 $0x0  }
0x16: {  	s3 =	sld [smem:$0x3FDB];
	s0 =	simm.s32 @p2 $0x1  }
0x17: {  	s4 =	simm.s32 $0x1BF5;
	[smem:$0x3FB7] =	sst s0  }
0x18: {  	s0 =	sld [smem:$0x3F9A];
	_ =	swait.ge [sflag:s4], $0x0  }
0x19: {  	s7 =	sld [smem:$0x3F9B]  }
0x1a: {  	s8 =	sadd.s32 $0xFFFFE003, lr  }
0x1b: {  	s9 =	sadd.s32 $0xFFFFFEF7, lr;
	s5 =	simm.s32 $0xFFFFFFFF;
	p2 =	slt.u32 s8, $0xFFFFF086  }
0x1c: {  	p1 =	slt.u32 s9, $0xF7A;
	s5 =	simm.s32 @!p2 $0x0  }
0x1d: {  	s5 =	simm.s32 @p1 $0x1;
	p0 =	seq.s32 s7, s2  }
0x1e: {  	s7 =	smul.u32 @!p0 $0xF7A, s2;
	p2 =	seq.s32 @!p0 s5, $0x0  }
0x1f: {  	s9 =	smul.u32 $0xF7A, s1;
	s8 =	simm.s32 @!p0 $0x1BF5;
	p2 =	por !p2, p0  }
0x20: {  	[sflag:s8] =	ssyncset.s32 @!p0 $0xFFFFF086;
	s6 =	sadd.s32 @!p0 s3, s7;
	s7 =	simm.s32 @!p0 $0x108  }
0x21: {  	s3 =	sadd.s32 s3, s9;
	s6 =	sadd.s32 @!p0 $0x88, s6;
	s7 =	simm.s32 @p2 $0x1082  }
0x22: {  	[simem:s7], [sflag:s8] =	dma.local @!p0 [hbm:s6], $0xF7A  }
0x23: {  	s9 =	sor.u32 $0xD0000000, s2;
	s6 =	simm.s32 $0x108;
	_ =	swait.ge @!p0 [sflag:s8], $0x0  }
0x24: {  	s3 =	sadd.s32 $0x88, s3;
	s6 =	simm.s32 @!p1 $0x1082;
	[sflag:s4] =	ssyncset.s32 $0xFFFFF086  }
0x25: {  	[simem:s6], [sflag:s4] =	dma.local [hbm:s3], $0xF7A  }
0x26: {  	[smem:$0x3F9B] =	sst s1;
	(tag) =	ssettag s2;
	_ =	strace s9  }
0x27: {  	s1 =	sld [smem:$0x3FAB]  }
0x28: {  	s2 =	sld [smem:$0x3FAC]  }
0x29: {  	s4 =	sld [smem:$0x3FAE]  }
0x2a: {  	p0 =	seq.s32 s5, $0x0;
	s5 =	sld [smem:$0x3FAF]  }
0x2b: {  	s6 =	sld [smem:$0x3FB0]  }
0x2c: {  	s7 =	sld [smem:$0x3FB1]  }
0x2d: {  	s3 =	simm.s32 $0x108;
	s8 =	sld [smem:$0x3FB2]  }
0x2e: {  	s3 =	simm.s32 @!p0 $0x1082;
	s9 =	sld [smem:$0x3FB3]  }
0x2f: {  	lr =	sadd.s32 s0, s3;
	s0 =	sld [smem:$0x3FAA]  }
0x30: {  	s3 =	sld [smem:$0x3FAD]  }
0x31: {  	[smem:$0x3FB6] =	sst s10  }
0x32: {  	s10 =	sld [smem:$0x3FB4];
	_ =	sdelay $0x3  }
0x33: {  	p0 =	seq.s32 s10, $0x1;
	s10 =	sld [smem:$0x3FB6];
	_ =	sdelay $0x3  }
0x34: {  	[smem:$0x3FB6] =	sst s10  }
0x35: {  	s10 =	sld [smem:$0x3FB5];
	_ =	sdelay $0x3  }
0x36: {  	p1 =	seq.s32 s10, $0x1;
	s10 =	sld [smem:$0x3FB6];
	_ =	sdelay $0x3  }
0x37: {  	[smem:$0x3FB6] =	sst s10  }
0x38: {  	s10 =	sld [smem:$0x3FB7]  }
0x39: {  	_ = 	snop;
	(pc) =	sbr.ind lr, $3  }
0x3a: {  	_ = 	snop  }
0x3b: {  	_ = 	snop  }
0x3c: {  	p2 =	seq.s32 s10, $0x1;
	s10 =	sld [smem:$0x3FB6]  }
0x3d: {  	_ =	shalt  }
0x3e: {  	_ =	shalt  }
0x3f: {  	_ =	shalt  }
0x40: {  	_ =	shalt  }
0x41: {  	_ =	shalt  }
0x42: {  	_ =	shalt  }
0x43: {  	_ =	shalt  }
0x44: {  	_ =	shalt  }
0x45: {  	_ =	shalt  }
0x46: {  	_ =	shalt  }
0x47: {  	_ =	shalt  }
0x48: {  	_ =	shalt  }
0x49: {  	_ =	shalt  }
0x4a: {  	_ =	shalt  }
0x4b: {  	_ =	shalt  }
0x4c: {  	_ =	shalt  }
0x4d: {  	_ =	shalt  }
0x4e: {  	_ =	shalt  }
0x4f: {  	_ =	shalt  }
0x50: {  	_ =	shalt  }
0x51: {  	_ =	shalt  }
0x52: {  	_ =	shalt  }
0x53: {  	_ =	shalt  }
0x54: {  	_ =	shalt  }
0x55: {  	_ =	shalt  }
0x56: {  	_ =	shalt  }
0x57: {  	_ =	shalt  }
0x58: {  	_ =	shalt  }
0x59: {  	_ =	shalt  }
0x5a: {  	_ =	shalt  }
0x5b: {  	_ =	shalt  }
0x5c: {  	_ =	shalt  }
0x5d: {  	_ =	shalt  }
0x5e: {  	_ =	shalt  }
0x5f: {  	_ =	shalt  }
0x60: {  	_ =	shalt  }
0x61: {  	_ =	shalt  }
0x62: {  	_ =	shalt  }
0x63: {  	_ =	shalt  }
0x64: {  	_ =	shalt  }
0x65: {  	_ =	shalt  }
0x66: {  	_ =	shalt  }
0x67: {  	_ =	shalt  }
0x68: {  	_ =	shalt  }
0x69: {  	_ =	shalt  }
0x6a: {  	_ =	shalt  }
0x6b: {  	_ =	shalt  }
0x6c: {  	_ =	shalt  }
0x6d: {  	_ =	shalt  }
0x6e: {  	_ =	shalt  }
0x6f: {  	_ =	shalt  }
0x70: {  	_ =	shalt  }
0x71: {  	_ =	shalt  }
0x72: {  	_ =	shalt  }
0x73: {  	_ =	shalt  }
0x74: {  	_ =	shalt  }
0x75: {  	_ =	shalt  }
0x76: {  	_ =	shalt  }
0x77: {  	_ =	shalt  }
0x78: {  	_ =	shalt  }
0x79: {  	_ =	shalt  }
0x7a: {  	_ =	shalt  }
0x7b: {  	_ =	shalt  }
0x7c: {  	_ =	shalt  }
0x7d: {  	_ =	shalt  }
0x7e: {  	_ =	shalt  }
0x7f: {  	_ =	shalt  }
0x80: {  	_ =	shalt  }
0x81: {  	_ =	shalt  }
0x82: {  	_ =	shalt  }
0x83: {  	_ =	shalt  }
0x84: {  	_ =	shalt  }
0x85: {  	_ =	shalt  }
0x86: {  	_ =	shalt  }
0x87: {  	_ =	shalt  }
.Lfunc_end0:
.L_simem_size_0:
called_computation.1_lowered:
.L_overlay_start_0:
0x88: {  	s2 =	sld [smem:$0x3FD9]  }
0x89: {  	s3 =	sld [smem:$0x3FFE];
	_ =	sdelay $0x1  }
0x8a: {  	s1 =	srdreg.scid  }
0x8b: {  	s0 =	sand.u32 $0x1, s1  }
0x8c: {  	s17 =	sshll.u32 s0, $0xA;
	s2 =	sadd.s32 s3, s2  }
0x8d: {  	s2 =	sadd.s32 s2, s17  }
0x8e: {  	[smem:$0x3FC2] =	sst s2  }
0x8f: {  	_ = 	snop  }
0x90: {  	s2 =	sld [smem:$0x3FD0];
	(tm) =	ssettm $0x1  }
0x91: {  	s18 =	sld [smem:$0x3FFB];
	_ =	sdelay $0x3  }
0x92: {  	_ =	strace s18  }
0x93: {  	s3 =	sld [smem:$0x3FFC];
	_ =	sdelay $0x3  }
0x94: {  	_ =	strace s3  }
0x95: {  	s3 =	sld [smem:$0x3FFD];
	_ =	sdelay $0x3  }
0x96: {  	_ =	strace s3  }
0x97: {  	_ =	strace $0x8FFFFFFF  }
0x98: {  	s19 =	sld [smem:$0x3FDB];
	_ =	sdelay $0x1  }
0x99: {  	s4 =	simm.s32 $_scs_section_size  }
0x9a: {  	s5 =	simm.s32 $_size__tile_overlayer_lowered;
	s6 =	simm.s32 $_tile_overlayer_lowered  }
0x9b: {  	s22 =	simm.s32 $0x1BFF;
	s21 =	sshll.u32 s6, $0x1;
	s3 =	sadd.s32 s4, s19  }
0x9c: {  	s7 =	simm.s32 $0x0;
	s20 =	sshll.u32 s5, $0x1;
	s5 =	sadd.s32 s21, s3  }
0x9d: {  	[timem:s7], [sflag:s22] =	dma.local [hbm:s5], s20  }
0x9e: {  	_ =	swait.ge [sflag:s22], s20  }
0x9f: {  	s4 =	ssub.s32 $0x0, s20;
	[sflag:s22] =	ssyncset.done $0x0  }
0xa0: {  	[sflag:s22] =	ssyncadd.s32 s4;
	_ =	sdelay $0x1  }
0xa1: {  	s23 =	simm.s32 $0x1B8B  }
0xa2: {  	_ =	swait.ge [sflag:s23], $0x1  }
0xa3: {  	[sflag:s23] =	ssyncset.done $0x0  }
0xa4: {  	s25 =	simm.s32 $0x1B8E;
	s24 =	sld [smem:$0x3FFE];
	[sflag:s23] =	ssyncadd.s32 $0xFFFFFFFF  }
0xa5: {  	s26 =	simm.s32 $execute0_lowered;
	[smem:$0x3FD2] =	sst s25  }
0xa6: {  	s5 =	sshll.u32 s26, $0x1;
	_ =	strace $0x80000049;
	[dreg:$0x1] =	wrdreg $0xFFFFFFFF  }
0xa7: {  	s28 =	simm.s32 $_size_execute0_lowered;
	s3 =	sadd.s32 s3, s5;
	[dreg:$0x0] =	wrdreg $0x0  }
0xa8: {  	s5 =	sshll.u32 s28, $0x1;
	[dreg:$0x2] =	wrdreg s3  }
0xa9: {  	[dreg:$0x3] =	wrdreg s5  }
0xaa: {  	[dreg:$0x4] =	wrdreg $0xC0  }
0xab: {  	_ =	task [dreg:s7], $0x5FFFF  }
0xac: {  	[dreg:$0x1] =	wrdreg $0xFFFFFFFF  }
0xad: {  	[dreg:$0x0] =	wrdreg $0x60  }
0xae: {  	[dreg:$0x2] =	wrdreg s24  }
0xaf: {  	[dreg:$0x3] =	wrdreg s2  }
0xb0: {  	[dreg:$0x4] =	wrdreg $0x0  }
0xb1: {  	[dreg:$0x5] =	wrdreg $0x9  }
0xb2: {  	_ =	task.clear_ibuf [dreg:s7], $0x6FFFF;
	_ =	strace $0x90000049  }
0xb3: {  	s29 =	simm.s32 $0x9;
	_ =	strace $0x8000004B  }
0xb4: {  	_ =	swait.ge [sflag:s29], $0x1  }
0xb5: {  	[sflag:s29] =	ssyncadd.s32 $0xFFFFFFFF  }
0xb6: {  	_ =	strace $0x9000004B  }
0xb7: {  	_ =	sfence  }
0xb8: {  	s30 =	sld [smem:$0x0];
	_ =	sdelay $0x2  }
0xb9: {  	s31 =	sshll.u32 s1, $0xD;
	s1 =	sshrl.u32 s1, $0x2  }
0xba: {  	s3 =	sand.u32 $0x4000, s31;
	s1 =	sadd.s32 s1, s30  }
0xbb: {  	s0 =	sor.u32 s3, s0;
	s1 =	sshll.u32 s1, $0x11  }
0xbc: {  	s0 =	sor.u32 s1, s0  }
0xbd: {  	s0 =	sadd.s32 $0x8F2B, s0  }
0xbe: {  	[sflag:s0] =	ssyncadd.remote.s32 $0x1  }
0xbf: {  	_ =	sfence.sel $0xFFFF  }
0xc0: {  	[dreg:$0x0] =	wrdreg $0xFFFFFFFF;
	(pc) =	sbr.abs _section_cstart, $3  }
0xc1: {  	[dreg:$0x1] =	wrdreg $0xFFFFFFFF  }
0xc2: {  	_ =	task.clear_ibuf [dreg:s7], $0x2FFFF;
	_ =	strace $0x9FFFFFFF  }
0xc3: {  	(tm) =	ssettm $0x7FFFFFFF  }
tec
execute0_lowered:
.L_overlay_start_1:
0x0: {  	(tag) =	ssettag $0x1  }
0x1: {  	s5 =	rddreg [dreg:$0x0]  }
0x2: {  	s1 =	rddreg [dreg:$0x1]  }
0x3: {  	s2 =	rddreg [dreg:$0x2]  }
0x4: {  	s4 =	simm.s32 $0x0;
	s3 =	srdreg.scid;
	s0 =	stileid.u32  }
0x5: {  	s16 =	simm.s32 $0x16800;
	s17 =	simm.s32 $0x3;
	s18 =	simm.s32 $0x14000  }
0x6: {  	s19 =	simm.s32 $0x15400;
	s20 =	simm.s32 $0x80;
	s21 =	simm.s32 $0x1A800  }
0x7: {  	s22 =	simm.s32 $0x1;
	s23 =	simm.s32 $0x2;
	s28 =	simm.s32 $0x0  }
0x8: {  	[smem:$0x7FF] =	sst s4;
	s6 =	sand.u32 $0x1, s3;
	s8 =	smul.u32 $0x2800, s0  }
0x9: {  	s10 =	sadd.s32 $0xC600, s5;
	s11 =	smul.u32 $0x50000, s0;
	s25 =	sadd.s32 $0x2600, s5  }
0xa: {  	s7 =	smul.u32 $0x28000, s6;
	s9 =	sshll.u32 s6, $0x4;
	s6 =	ssub.s32 $0x2, s6  }
0xb: {  	_ =	strace $0x8000004A;
	s9 =	sor.u32 s0, s9;
	s26 =	sshrl.u32 s6, $0x1  }
0xc: {  	s29 =	sshrl.u32 s11, $0x2;
	s7 =	sadd.s32 s8, s7;
	s24 =	smul.u32 $0x2800, s9  }
0xd: {  	s13 =	ssub.s32 s6, s26;
	s26 =	simm.s32 $0x16780;
	s12 =	sadd.s32 s7, s5  }
0xe: {  	s5 =	sadd.s32 s29, s2;
	s11 =	smax.u32 s13, $0x1;
	s30 =	sshrl.u32 s24, $0x3  }
0xf: {  	s13 =	sadd.s32 $0x8000, s5;
	s14 =	sadd.s32 $0xC000, s5;
	s15 =	sadd.s32 $0x10000, s5  }
0x10: {  	s24 =	simm.s32 $0x15380;
	s6 =	sadd.s32 s10, s30;
	s31 =	sadd.s32 $0x280, s30  }
0x11: {  	s7 =	sadd.s32 s25, s30;
	s8 =	sadd.s32 s10, s31;
	s9 =	sadd.s32 s25, s31  }
0x12: {  	v0 =	vimm.f32 $0.0e+00;
	s10 =	sadd.s32 $0x16600, s12;
	s12 =	sadd.s32 $0x4000, s5;
	s25 =	simm.s32 $0x16700  }
.LBB2_1:
0x13: {  	s29 =	sand.u32 $0xFE00, s4  }
0x14: {  	s30 =	sand.u32 $0x70, s4;
	s31 =	sshrl.u32 s29, $0x2  }
0x15: {  	s29 =	simm.s32 $0x40;
	s31 =	sor.u32 s30, s31;
	s30 =	simm.s32 $0x0  }
.LBB2_2:
0x16: {  	p0 =	sne.s32 s29, $0xFFC0  }
0x17: {  	[tilespmem:s31+$0x16800] =	vst v0;
	s30 =	sadd.s32 $0x10, s30;
	s31 =	smov.u32 s29;
	s29 =	sadd.s32 $0x40, s29  }
.Ltmp0:
0x18: {  	(pc) =	sbr.rel @p0 .LBB2_2-.Ltmp0, $4  }
0x19: {  	_ = 	snop  }
0x1a: {  	s31 =	sand.u32 $0xFE00, s31  }
0x1b: {  	s0 =	sand.u32 $0x70, s30;
	s31 =	sshrl.u32 s31, $0x2  }
0x1c: {  	s31 =	sor.u32 s0, s31  }
0x1d: {  	[tilespmem:s31+$0x16800] =	vst v0  }
0x1e: {  	[spmem:s5] =	stream.linear.scatter [tilespmem:s16], [sflag:$0x3], $0x4000, $0x38;
	[tilespmem:$0x1E800] =	vst v63  }
0x1f: {  	_ =	swait.ge [sflag:s17], $0x4000  }
0x20: {  	[sflag:s17] =	ssyncset.done $0x0  }
0x21: {  	[sflag:s17] =	ssyncadd.s32 $0xFFFFC000  }
0x22: {  	[spmem:s12] =	stream.linear.scatter [tilespmem:s16], [sflag:$0x3], $0x4000, $0x38;
	[tilespmem:$0x1E800] =	vst v63  }
0x23: {  	_ =	swait.ge [sflag:s17], $0x4000  }
0x24: {  	[sflag:s17] =	ssyncset.done $0x0  }
0x25: {  	[sflag:s17] =	ssyncadd.s32 $0xFFFFC000  }
0x26: {  	[spmem:s13] =	stream.linear.scatter [tilespmem:s16], [sflag:$0x3], $0x4000, $0x38;
	[tilespmem:$0x1E800] =	vst v63  }
0x27: {  	_ =	swait.ge [sflag:s17], $0x4000  }
0x28: {  	[sflag:s17] =	ssyncset.done $0x0  }
0x29: {  	[sflag:s17] =	ssyncadd.s32 $0xFFFFC000  }
0x2a: {  	[spmem:s14] =	stream.linear.scatter [tilespmem:s16], [sflag:$0x3], $0x4000, $0x38;
	[tilespmem:$0x1E800] =	vst v63  }
0x2b: {  	_ =	swait.ge [sflag:s17], $0x4000  }
0x2c: {  	[sflag:s17] =	ssyncset.done $0x0  }
0x2d: {  	[sflag:s17] =	ssyncadd.s32 $0xFFFFC000  }
0x2e: {  	[spmem:s15] =	stream.linear.scatter [tilespmem:s16], [sflag:$0x3], $0x4000, $0x38;
	[tilespmem:$0x1E800] =	vst v63  }
0x2f: {  	_ =	swait.ge [sflag:s17], $0x4000  }
0x30: {  	[sflag:s17] =	ssyncset.done $0x0  }
0x31: {  	[sflag:s17] =	ssyncadd.s32 $0xFFFFC000  }
0x32: {  	s0 =	simm.s32 $0x0;
	[bflag:$0x0] =	sbarrier.arrive $0xFFFF  }
0x33: {  	[tilespmem:s18], [sflag:$0x3] =	stream.linear.gather [hbm4b:s6+s0], $0x1400, $0x38;
	[tilespmem:$0x1E800] =	vst v63  }
0x34: {  	_ =	swait.ge [sflag:s17], $0x1400  }
0x35: {  	[sflag:s17] =	ssyncset.done $0x0  }
0x36: {  	[sflag:s17] =	ssyncadd.s32 $0xFFFFEC00  }
0x37: {  	[tilespmem:s19], [sflag:$0x3] =	stream.linear.gather [hbm4b:s7+s0], $0x1400, $0x38;
	[tilespmem:$0x1E800] =	vst v63  }
0x38: {  	_ =	swait.ge [sflag:s17], $0x1400  }
0x39: {  	[sflag:s17] =	ssyncset.done $0x0  }
0x3a: {  	[sflag:s17] =	ssyncadd.s32 $0xFFFFEC00  }
0x3b: {  	[tilespmem:s16], [sflag:$0x1] =	stream.indirect.gather [hbm4b:s1+s20], $0x80, s18, s20, $0xb8;
	[tilespmem:$0x1E800] =	vst v63  }
0x3c: {  	s3 =	simm.s32 $0x14080  }
0x3d: {  	[tilespmem:s21], [sflag:$0x2] =	stream.indirect.gather [hbm4b:s1+s20], $0x80, s3, s20, $0xb8;
	[tilespmem:$0x1E800] =	vst v63  }
0x3e: {  	_ =	swait.ge [sflag:s22], $0x4000  }
0x3f: {  	[sflag:s22] =	ssyncset.done $0x0  }
0x40: {  	s31 =	simm.s32 $0x15400;
	[sflag:s22] =	ssyncadd.s32 $0xFFFFC000  }
0x41: {  	[spmem:s2] =	stream.indirect.scatter.add.f32 [tilespmem:s16], [sflag:$0x3], $0x80, s31, s20, $0xb8;
	[tilespmem:$0x1E800] =	vst v63  }
0x42: {  	_ =	swait.ge [sflag:s17], $0x4000  }
0x43: {  	[sflag:s17] =	ssyncset.done $0x0  }
0x44: {  	s3 =	simm.s32 $0x14100;
	[sflag:s17] =	ssyncadd.s32 $0xFFFFC000  }
0x45: {  	[tilespmem:s16], [sflag:$0x1] =	stream.indirect.gather [hbm4b:s1+s20], $0x80, s3, s20, $0xb8;
	[tilespmem:$0x1E800] =	vst v63  }
0x46: {  	_ =	swait.ge [sflag:s23], $0x4000  }
0x47: {  	[sflag:s23] =	ssyncset.done $0x0  }
0x48: {  	s31 =	simm.s32 $0x15480;
	[sflag:s23] =	ssyncadd.s32 $0xFFFFC000  }
0x49: {  	[spmem:s2] =	stream.indirect.scatter.add.f32 [tilespmem:s21], [sflag:$0x3], $0x80, s31, s20, $0xb8;
	[tilespmem:$0x1E800] =	vst v63  }
0x4a: {  	_ =	swait.ge [sflag:s17], $0x4000  }
0x4b: {  	s30 =	simm.s32 $0x800;
	s29 =	simm.s32 $0x100;
	[sflag:s17] =	ssyncset.done $0x0  }
.LBB2_4:
0x4c: {  	s0 =	sadd.s32 $0x14080, s29  }
0x4d: {  	[sflag:s17] =	ssyncadd.s32 $0xFFFFC000;
	s31 =	smov.u32 s30;
	s3 =	sadd.s32 $0x400, s30  }
0x4e: {  	[tilespmem:s21], [sflag:$0x2] =	stream.indirect.gather [hbm4b:s1+s20], $0x80, s0, s20, $0xb8;
	[tilespmem:$0x1E800] =	vst v63  }
0x4f: {  	p0 =	sne.s32 s30, $0x4800;
	_ =	swait.ge [sflag:s22], $0x4000  }
0x50: {  	[sflag:s22] =	ssyncset.done $0x0  }
0x51: {  	s0 =	sadd.s32 $0x15400, s29;
	[sflag:s22] =	ssyncadd.s32 $0xFFFFC000  }
0x52: {  	[spmem:s2] =	stream.indirect.scatter.add.f32 [tilespmem:s16], [sflag:$0x3], $0x80, s0, s20, $0xb8;
	[tilespmem:$0x1E800] =	vst v63  }
0x53: {  	_ =	swait.ge [sflag:s17], $0x4000  }
0x54: {  	[sflag:s17] =	ssyncset.done $0x0  }
0x55: {  	s0 =	sadd.s32 $0x14100, s29;
	[sflag:s17] =	ssyncadd.s32 $0xFFFFC000  }
0x56: {  	[tilespmem:s16], [sflag:$0x1] =	stream.indirect.gather [hbm4b:s1+s20], $0x80, s0, s20, $0xb8;
	[tilespmem:$0x1E800] =	vst v63  }
0x57: {  	_ =	swait.ge [sflag:s23], $0x4000  }
.Ltmp1:
0x58: {  	[sflag:s23] =	ssyncset.done $0x0;
	(pc) =	sbr.rel @p0 .LBB2_4-.Ltmp1, $4  }
0x59: {  	s0 =	sadd.s32 $0x15480, s29;
	[sflag:s23] =	ssyncadd.s32 $0xFFFFC000  }
0x5a: {  	[spmem:s2] =	stream.indirect.scatter.add.f32 [tilespmem:s21], [sflag:$0x3], $0x80, s0, s20, $0xb8;
	[tilespmem:$0x1E800] =	vst v63  }
0x5b: {  	_ =	swait.ge [sflag:s17], $0x4000  }
0x5c: {  	s30 =	smov.u32 s3;
	s29 =	sshra.s32 s31, $0x2;
	[sflag:s17] =	ssyncset.done $0x0  }
0x5d: {  	s0 =	sadd.s32 $0x14080, s29;
	[sflag:s17] =	ssyncadd.s32 $0xFFFFC000  }
0x5e: {  	[tilespmem:s21], [sflag:$0x2] =	stream.indirect.gather [hbm4b:s1+s20], $0x80, s0, s20, $0xb8;
	[tilespmem:$0x1E800] =	vst v63  }
0x5f: {  	_ =	swait.ge [sflag:s22], $0x4000  }
0x60: {  	[sflag:s22] =	ssyncset.done $0x0  }
0x61: {  	s3 =	sadd.s32 $0x15400, s29;
	[sflag:s22] =	ssyncadd.s32 $0xFFFFC000  }
0x62: {  	[spmem:s2] =	stream.indirect.scatter.add.f32 [tilespmem:s16], [sflag:$0x3], $0x80, s3, s20, $0xb8;
	[tilespmem:$0x1E800] =	vst v63  }
0x63: {  	_ =	swait.ge [sflag:s17], $0x4000  }
0x64: {  	[sflag:s17] =	ssyncset.done $0x0  }
0x65: {  	s31 =	sadd.s32 $0x14100, s29;
	[sflag:s17] =	ssyncadd.s32 $0xFFFFC000  }
0x66: {  	[tilespmem:s16], [sflag:$0x1] =	stream.indirect.gather [hbm4b:s1+s20], $0x80, s31, s20, $0xb8;
	[tilespmem:$0x1E800] =	vst v63  }
0x67: {  	_ =	swait.ge [sflag:s23], $0x4000  }
0x68: {  	[sflag:s23] =	ssyncset.done $0x0  }
0x69: {  	s3 =	sadd.s32 $0x15480, s29;
	[sflag:s23] =	ssyncadd.s32 $0xFFFFC000  }
0x6a: {  	[spmem:s2] =	stream.indirect.scatter.add.f32 [tilespmem:s21], [sflag:$0x3], $0x80, s3, s20, $0xb8;
	[tilespmem:$0x1E800] =	vst v63  }
0x6b: {  	_ =	swait.ge [sflag:s17], $0x4000  }
0x6c: {  	[sflag:s17] =	ssyncset.done $0x0  }
0x6d: {  	[sflag:s17] =	ssyncadd.s32 $0xFFFFC000  }
0x6e: {  	[tilespmem:s21], [sflag:$0x2] =	stream.indirect.gather [hbm4b:s1+s20], $0x80, s24, s20, $0xb8;
	[tilespmem:$0x1E800] =	vst v63  }
0x6f: {  	_ =	swait.ge [sflag:s22], $0x4000  }
0x70: {  	[sflag:s22] =	ssyncset.done $0x0  }
0x71: {  	[sflag:s22] =	ssyncadd.s32 $0xFFFFC000  }
0x72: {  	[spmem:s2] =	stream.indirect.scatter.add.f32 [tilespmem:s16], [sflag:$0x3], $0x80, s25, s20, $0xb8;
	[tilespmem:$0x1E800] =	vst v63  }
0x73: {  	_ =	swait.ge [sflag:s17], $0x4000  }
0x74: {  	[sflag:s17] =	ssyncset.done $0x0  }
0x75: {  	[sflag:s17] =	ssyncadd.s32 $0xFFFFC000  }
0x76: {  	_ =	swait.ge [sflag:s23], $0x4000  }
0x77: {  	[sflag:s23] =	ssyncset.done $0x0  }
0x78: {  	[sflag:s23] =	ssyncadd.s32 $0xFFFFC000  }
0x79: {  	[spmem:s2] =	stream.indirect.scatter.add.f32 [tilespmem:s21], [sflag:$0x3], $0x80, s26, s20, $0xb8;
	[tilespmem:$0x1E800] =	vst v63  }
0x7a: {  	_ =	swait.ge [sflag:s17], $0x4000  }
0x7b: {  	[sflag:s17] =	ssyncset.done $0x0  }
0x7c: {  	s31 =	simm.s32 $0x0;
	[sflag:s17] =	ssyncadd.s32 $0xFFFFC000  }
0x7d: {  	[tilespmem:s18], [sflag:$0x3] =	stream.linear.gather [hbm4b:s8+s31], $0x1400, $0x38;
	[tilespmem:$0x1E800] =	vst v63  }
0x7e: {  	_ =	swait.ge [sflag:s17], $0x1400  }
0x7f: {  	[sflag:s17] =	ssyncset.done $0x0  }
0x80: {  	[sflag:s17] =	ssyncadd.s32 $0xFFFFEC00  }
0x81: {  	[tilespmem:s19], [sflag:$0x3] =	stream.linear.gather [hbm4b:s9+s31], $0x1400, $0x38;
	[tilespmem:$0x1E800] =	vst v63  }
0x82: {  	_ =	swait.ge [sflag:s17], $0x1400  }
0x83: {  	[sflag:s17] =	ssyncset.done $0x0  }
0x84: {  	[sflag:s17] =	ssyncadd.s32 $0xFFFFEC00  }
0x85: {  	[tilespmem:s16], [sflag:$0x1] =	stream.indirect.gather [hbm4b:s1+s20], $0x80, s18, s20, $0xb8;
	[tilespmem:$0x1E800] =	vst v63  }
0x86: {  	s3 =	simm.s32 $0x14080  }
0x87: {  	[tilespmem:s21], [sflag:$0x2] =	stream.indirect.gather [hbm4b:s1+s20], $0x80, s3, s20, $0xb8;
	[tilespmem:$0x1E800] =	vst v63  }
0x88: {  	_ =	swait.ge [sflag:s22], $0x4000  }
0x89: {  	[sflag:s22] =	ssyncset.done $0x0  }
0x8a: {  	s31 =	simm.s32 $0x15400;
	[sflag:s22] =	ssyncadd.s32 $0xFFFFC000  }
0x8b: {  	[spmem:s2] =	stream.indirect.scatter.add.f32 [tilespmem:s16], [sflag:$0x3], $0x80, s31, s20, $0xb8;
	[tilespmem:$0x1E800] =	vst v63  }
0x8c: {  	_ =	swait.ge [sflag:s17], $0x4000  }
0x8d: {  	[sflag:s17] =	ssyncset.done $0x0  }
0x8e: {  	s3 =	simm.s32 $0x14100;
	[sflag:s17] =	ssyncadd.s32 $0xFFFFC000  }
0x8f: {  	[tilespmem:s16], [sflag:$0x1] =	stream.indirect.gather [hbm4b:s1+s20], $0x80, s3, s20, $0xb8;
	[tilespmem:$0x1E800] =	vst v63  }
0x90: {  	_ =	swait.ge [sflag:s23], $0x4000  }
0x91: {  	[sflag:s23] =	ssyncset.done $0x0  }
0x92: {  	s31 =	simm.s32 $0x15480;
	[sflag:s23] =	ssyncadd.s32 $0xFFFFC000  }
0x93: {  	[spmem:s2] =	stream.indirect.scatter.add.f32 [tilespmem:s21], [sflag:$0x3], $0x80, s31, s20, $0xb8;
	[tilespmem:$0x1E800] =	vst v63  }
0x94: {  	_ =	swait.ge [sflag:s17], $0x4000  }
0x95: {  	s30 =	simm.s32 $0x800;
	s29 =	simm.s32 $0x100;
	[sflag:s17] =	ssyncset.done $0x0  }
.LBB2_6:
0x96: {  	s0 =	sadd.s32 $0x14080, s29  }
0x97: {  	[sflag:s17] =	ssyncadd.s32 $0xFFFFC000;
	s3 =	smov.u32 s30;
	s31 =	sadd.s32 $0x400, s30  }
0x98: {  	[tilespmem:s21], [sflag:$0x2] =	stream.indirect.gather [hbm4b:s1+s20], $0x80, s0, s20, $0xb8;
	[tilespmem:$0x1E800] =	vst v63  }
0x99: {  	p0 =	sne.s32 s30, $0x4800;
	_ =	swait.ge [sflag:s22], $0x4000  }
0x9a: {  	[sflag:s22] =	ssyncset.done $0x0  }
0x9b: {  	s0 =	sadd.s32 $0x15400, s29;
	[sflag:s22] =	ssyncadd.s32 $0xFFFFC000  }
0x9c: {  	[spmem:s2] =	stream.indirect.scatter.add.f32 [tilespmem:s16], [sflag:$0x3], $0x80, s0, s20, $0xb8;
	[tilespmem:$0x1E800] =	vst v63  }
0x9d: {  	_ =	swait.ge [sflag:s17], $0x4000  }
0x9e: {  	[sflag:s17] =	ssyncset.done $0x0  }
0x9f: {  	s0 =	sadd.s32 $0x14100, s29;
	[sflag:s17] =	ssyncadd.s32 $0xFFFFC000  }
0xa0: {  	[tilespmem:s16], [sflag:$0x1] =	stream.indirect.gather [hbm4b:s1+s20], $0x80, s0, s20, $0xb8;
	[tilespmem:$0x1E800] =	vst v63  }
0xa1: {  	_ =	swait.ge [sflag:s23], $0x4000  }
.Ltmp2:
0xa2: {  	[sflag:s23] =	ssyncset.done $0x0;
	(pc) =	sbr.rel @p0 .LBB2_6-.Ltmp2, $4  }
0xa3: {  	s0 =	sadd.s32 $0x15480, s29;
	[sflag:s23] =	ssyncadd.s32 $0xFFFFC000  }
0xa4: {  	[spmem:s2] =	stream.indirect.scatter.add.f32 [tilespmem:s21], [sflag:$0x3], $0x80, s0, s20, $0xb8;
	[tilespmem:$0x1E800] =	vst v63  }
0xa5: {  	_ =	swait.ge [sflag:s17], $0x4000  }
0xa6: {  	s30 =	smov.u32 s31;
	s29 =	sshra.s32 s3, $0x2;
	[sflag:s17] =	ssyncset.done $0x0  }
0xa7: {  	s0 =	sadd.s32 $0x14080, s29;
	[sflag:s17] =	ssyncadd.s32 $0xFFFFC000  }
0xa8: {  	[tilespmem:s21], [sflag:$0x2] =	stream.indirect.gather [hbm4b:s1+s20], $0x80, s0, s20, $0xb8;
	[tilespmem:$0x1E800] =	vst v63  }
0xa9: {  	_ =	swait.ge [sflag:s22], $0x4000  }
0xaa: {  	[sflag:s22] =	ssyncset.done $0x0  }
0xab: {  	s31 =	sadd.s32 $0x15400, s29;
	[sflag:s22] =	ssyncadd.s32 $0xFFFFC000  }
0xac: {  	[spmem:s2] =	stream.indirect.scatter.add.f32 [tilespmem:s16], [sflag:$0x3], $0x80, s31, s20, $0xb8;
	[tilespmem:$0x1E800] =	vst v63  }
0xad: {  	_ =	swait.ge [sflag:s17], $0x4000  }
0xae: {  	[sflag:s17] =	ssyncset.done $0x0  }
0xaf: {  	s3 =	sadd.s32 $0x14100, s29;
	[sflag:s17] =	ssyncadd.s32 $0xFFFFC000  }
0xb0: {  	[tilespmem:s16], [sflag:$0x1] =	stream.indirect.gather [hbm4b:s1+s20], $0x80, s3, s20, $0xb8;
	[tilespmem:$0x1E800] =	vst v63  }
0xb1: {  	_ =	swait.ge [sflag:s23], $0x4000  }
0xb2: {  	[sflag:s23] =	ssyncset.done $0x0  }
0xb3: {  	s30 =	sadd.s32 $0x15480, s29;
	[sflag:s23] =	ssyncadd.s32 $0xFFFFC000  }
0xb4: {  	[spmem:s2] =	stream.indirect.scatter.add.f32 [tilespmem:s21], [sflag:$0x3], $0x80, s30, s20, $0xb8;
	[tilespmem:$0x1E800] =	vst v63  }
0xb5: {  	_ =	swait.ge [sflag:s17], $0x4000  }
0xb6: {  	[sflag:s17] =	ssyncset.done $0x0  }
0xb7: {  	[sflag:s17] =	ssyncadd.s32 $0xFFFFC000  }
0xb8: {  	[tilespmem:s21], [sflag:$0x2] =	stream.indirect.gather [hbm4b:s1+s20], $0x80, s24, s20, $0xb8;
	[tilespmem:$0x1E800] =	vst v63  }
0xb9: {  	_ =	swait.ge [sflag:s22], $0x4000  }
0xba: {  	[sflag:s22] =	ssyncset.done $0x0  }
0xbb: {  	[sflag:s22] =	ssyncadd.s32 $0xFFFFC000  }
0xbc: {  	[spmem:s2] =	stream.indirect.scatter.add.f32 [tilespmem:s16], [sflag:$0x3], $0x80, s25, s20, $0xb8;
	[tilespmem:$0x1E800] =	vst v63  }
0xbd: {  	_ =	swait.ge [sflag:s17], $0x4000  }
0xbe: {  	[sflag:s17] =	ssyncset.done $0x0  }
0xbf: {  	[sflag:s17] =	ssyncadd.s32 $0xFFFFC000  }
0xc0: {  	_ =	swait.ge [sflag:s23], $0x4000  }
0xc1: {  	[sflag:s23] =	ssyncset.done $0x0  }
0xc2: {  	[sflag:s23] =	ssyncadd.s32 $0xFFFFC000  }
0xc3: {  	[spmem:s2] =	stream.indirect.scatter.add.f32 [tilespmem:s21], [sflag:$0x3], $0x80, s26, s20, $0xb8;
	[tilespmem:$0x1E800] =	vst v63  }
0xc4: {  	s31 =	stileid.u32;
	_ =	swait.ge [sflag:s17], $0x4000  }
0xc5: {  	s28 =	sadd.s32 $0x1, s28;
	s0 =	sshll.u32 s31, $0x6;
	[sflag:s17] =	ssyncset.done $0x0  }
0xc6: {  	p0 =	sne.s32 s28, s11;
	s0 =	sor.u32 $0x1C03, s0;
	[sflag:s17] =	ssyncadd.s32 $0xFFFFC000  }
.Ltmp3:
0xc7: {  	s3 =	sshrl.u32 s5, $0x3;
	[bflag:$0x0] =	sbarrier.arrive $0xFFFF;
	(pc) =	sbr.rel @p0 .LBB2_1-.Ltmp3, $4  }
0xc8: {  	[hbm:s10], [sflag:s0] =	dma.local [spmem:s3], $0x2800  }
0xc9: {  	_ =	swait.ge [sflag:s17], $0x2800  }
0xca: {  	[sflag:s17] =	ssyncset.done $0x0  }
0xcb: {  	[sflag:s17] =	ssyncadd.s32 $0xFFFFD800  }
0xcc: {  	_ =	sfence.sel $0x180000  }
0xcd: {  	[bflag:$0x0] =	sbarrier.arrive $0xFFFF  }
0xce: {  	_ =	strace $0x9000004A  }
0xcf: {  	s0 =	stileid.u32;
	[bflag:$0x2] =	sbarrier.arrive $0xFFFF  }
0xd0: {  	p0 =	sne.s32 s0, $0x0;
	s0 =	rddreg [dreg:$0x3]  }
0xd1: {  	s0 =	sadd.s32 @!p0 $0x100000, s0  }
0xd2: {  	[sflag:s0] =	ssyncadd.tile.s32 @!p0 $0x1;
	_ =	shalt  }
.Lfunc_end2:
_tile_overlayer_lowered:
.L_overlay_start_2:
0xd3: {  	(tag) =	ssettag $0x2  }
0xd4: {  	s0 =	rddreg [dreg:$0x0];
	s2 =	stileid.u32  }
0xd5: {  	s1 =	rddreg [dreg:$0x1];
	p0 =	sne.s32 s2, $0x0  }
0xd6: {  	s3 =	rddreg [dreg:$0x2];
	[bflag:$0x3] =	sbarrier.arrive $0xFFFF;
	s2 =	simm.s32 @!p0 $0x1C03  }
0xd7: {  	[timem:s3], [sflag:s2] =	dma.local @!p0 [hbm:s0], s1  }
0xd8: {  	s0 =	simm.s32 @!p0 $0x3  }
0xd9: {  	_ =	swait.ge @!p0 [sflag:s0], s1  }
0xda: {  	s1 =	ssub.s32 @!p0 $0x0, s1;
	[sflag:s0] =	ssyncset.done @!p0 $0x0  }
0xdb: {  	[sflag:s0] =	ssyncadd.s32 @!p0 s1  }
0xdc: {  	[bflag:$0x3] =	sbarrier.arrive $0xFFFF  }
0xdd: {  	_ =	shalt  }

// kernel: kernel.14.cloned.1.call-start
scs
__scs_entry_jumppad:
0x0: {  	(pc) =	sbr.rel $0x88, $3  }
0x1: {  	(tag) =	ssettag $0x0;
	lr =	simm.s32 $0x1  }
0x2: {  	[smem:$0x3F9B] =	sst lr;
	_ =	strace $0xD0000000  }
0x3: {  	_ = 	snop  }
0x4: {  	_ = 	snop  }
0x5: {  	_ = 	snop  }
0x6: {  	_ = 	snop  }
0x7: {  	_ = 	snop  }
__scs_overlays_trampoline_lowered:
0x8: {  	[smem:$0x3FAA] =	sst s0  }
0x9: {  	[smem:$0x3FAB] =	sst s1  }
0xa: {  	[smem:$0x3FAC] =	sst s2  }
0xb: {  	[smem:$0x3FAD] =	sst s3  }
0xc: {  	[smem:$0x3FAE] =	sst s4  }
0xd: {  	[smem:$0x3FAF] =	sst s5  }
0xe: {  	[smem:$0x3FB0] =	sst s6  }
0xf: {  	[smem:$0x3FB1] =	sst s7  }
0x10: {  	[smem:$0x3FB2] =	sst s8  }
0x11: {  	[smem:$0x3FB3] =	sst s9;
	s0 =	simm.s32 @!p0 $0x0  }
0x12: {  	s1 =	sld [smem:$0x3F99];
	s0 =	simm.s32 @p0 $0x1  }
0x13: {  	[smem:$0x3FB4] =	sst s0;
	s0 =	simm.s32 @!p1 $0x0  }
0x14: {  	s2 =	sld [smem:$0x3F98];
	s0 =	simm.s32 @p1 $0x1  }
0x15: {  	[smem:$0x3FB5] =	sst s0;
	s0 =	simm.s32 @!p2 $0x0  }
0x16: {  	s3 =	sld [smem:$0x3FDB];
	s0 =	simm.s32 @p2 $0x1  }
0x17: {  	s4 =	simm.s32 $0x1BF5;
	[smem:$0x3FB7] =	sst s0  }
0x18: {  	s0 =	sld [smem:$0x3F9A];
	_ =	swait.ge [sflag:s4], $0x0  }
0x19: {  	s7 =	sld [smem:$0x3F9B]  }
0x1a: {  	s8 =	sadd.s32 $0xFFFFE003, lr  }
0x1b: {  	s9 =	sadd.s32 $0xFFFFFEF7, lr;
	s5 =	simm.s32 $0xFFFFFFFF;
	p2 =	slt.u32 s8, $0xFFFFF086  }
0x1c: {  	p1 =	slt.u32 s9, $0xF7A;
	s5 =	simm.s32 @!p2 $0x0  }
0x1d: {  	s5 =	simm.s32 @p1 $0x1;
	p0 =	seq.s32 s7, s2  }
0x1e: {  	s7 =	smul.u32 @!p0 $0xF7A, s2;
	p2 =	seq.s32 @!p0 s5, $0x0  }
0x1f: {  	s9 =	smul.u32 $0xF7A, s1;
	s8 =	simm.s32 @!p0 $0x1BF5;
	p2 =	por !p2, p0  }
0x20: {  	[sflag:s8] =	ssyncset.s32 @!p0 $0xFFFFF086;
	s6 =	sadd.s32 @!p0 s3, s7;
	s7 =	simm.s32 @!p0 $0x108  }
0x21: {  	s3 =	sadd.s32 s3, s9;
	s6 =	sadd.s32 @!p0 $0x88, s6;
	s7 =	simm.s32 @p2 $0x1082  }
0x22: {  	[simem:s7], [sflag:s8] =	dma.local @!p0 [hbm:s6], $0xF7A  }
0x23: {  	s9 =	sor.u32 $0xD0000000, s2;
	s6 =	simm.s32 $0x108;
	_ =	swait.ge @!p0 [sflag:s8], $0x0  }
0x24: {  	s3 =	sadd.s32 $0x88, s3;
	s6 =	simm.s32 @!p1 $0x1082;
	[sflag:s4] =	ssyncset.s32 $0xFFFFF086  }
0x25: {  	[simem:s6], [sflag:s4] =	dma.local [hbm:s3], $0xF7A  }
0x26: {  	[smem:$0x3F9B] =	sst s1;
	(tag) =	ssettag s2;
	_ =	strace s9  }
0x27: {  	s1 =	sld [smem:$0x3FAB]  }
0x28: {  	s2 =	sld [smem:$0x3FAC]  }
0x29: {  	s4 =	sld [smem:$0x3FAE]  }
0x2a: {  	p0 =	seq.s32 s5, $0x0;
	s5 =	sld [smem:$0x3FAF]  }
0x2b: {  	s6 =	sld [smem:$0x3FB0]  }
0x2c: {  	s7 =	sld [smem:$0x3FB1]  }
0x2d: {  	s3 =	simm.s32 $0x108;
	s8 =	sld [smem:$0x3FB2]  }
0x2e: {  	s3 =	simm.s32 @!p0 $0x1082;
	s9 =	sld [smem:$0x3FB3]  }
0x2f: {  	lr =	sadd.s32 s0, s3;
	s0 =	sld [smem:$0x3FAA]  }
0x30: {  	s3 =	sld [smem:$0x3FAD]  }
0x31: {  	[smem:$0x3FB6] =	sst s10  }
0x32: {  	s10 =	sld [smem:$0x3FB4];
	_ =	sdelay $0x3  }
0x33: {  	p0 =	seq.s32 s10, $0x1;
	s10 =	sld [smem:$0x3FB6];
	_ =	sdelay $0x3  }
0x34: {  	[smem:$0x3FB6] =	sst s10  }
0x35: {  	s10 =	sld [smem:$0x3FB5];
	_ =	sdelay $0x3  }
0x36: {  	p1 =	seq.s32 s10, $0x1;
	s10 =	sld [smem:$0x3FB6];
	_ =	sdelay $0x3  }
0x37: {  	[smem:$0x3FB6] =	sst s10  }
0x38: {  	s10 =	sld [smem:$0x3FB7]  }
0x39: {  	_ = 	snop;
	(pc) =	sbr.ind lr, $3  }
0x3a: {  	_ = 	snop  }
0x3b: {  	_ = 	snop  }
0x3c: {  	p2 =	seq.s32 s10, $0x1;
	s10 =	sld [smem:$0x3FB6]  }
0x3d: {  	_ =	shalt  }
0x3e: {  	_ =	shalt  }
0x3f: {  	_ =	shalt  }
0x40: {  	_ =	shalt  }
0x41: {  	_ =	shalt  }
0x42: {  	_ =	shalt  }
0x43: {  	_ =	shalt  }
0x44: {  	_ =	shalt  }
0x45: {  	_ =	shalt  }
0x46: {  	_ =	shalt  }
0x47: {  	_ =	shalt  }
0x48: {  	_ =	shalt  }
0x49: {  	_ =	shalt  }
0x4a: {  	_ =	shalt  }
0x4b: {  	_ =	shalt  }
0x4c: {  	_ =	shalt  }
0x4d: {  	_ =	shalt  }
0x4e: {  	_ =	shalt  }
0x4f: {  	_ =	shalt  }
0x50: {  	_ =	shalt  }
0x51: {  	_ =	shalt  }
0x52: {  	_ =	shalt  }
0x53: {  	_ =	shalt  }
0x54: {  	_ =	shalt  }
0x55: {  	_ =	shalt  }
0x56: {  	_ =	shalt  }
0x57: {  	_ =	shalt  }
0x58: {  	_ =	shalt  }
0x59: {  	_ =	shalt  }
0x5a: {  	_ =	shalt  }
0x5b: {  	_ =	shalt  }
0x5c: {  	_ =	shalt  }
0x5d: {  	_ =	shalt  }
0x5e: {  	_ =	shalt  }
0x5f: {  	_ =	shalt  }
0x60: {  	_ =	shalt  }
0x61: {  	_ =	shalt  }
0x62: {  	_ =	shalt  }
0x63: {  	_ =	shalt  }
0x64: {  	_ =	shalt  }
0x65: {  	_ =	shalt  }
0x66: {  	_ =	shalt  }
0x67: {  	_ =	shalt  }
0x68: {  	_ =	shalt  }
0x69: {  	_ =	shalt  }
0x6a: {  	_ =	shalt  }
0x6b: {  	_ =	shalt  }
0x6c: {  	_ =	shalt  }
0x6d: {  	_ =	shalt  }
0x6e: {  	_ =	shalt  }
0x6f: {  	_ =	shalt  }
0x70: {  	_ =	shalt  }
0x71: {  	_ =	shalt  }
0x72: {  	_ =	shalt  }
0x73: {  	_ =	shalt  }
0x74: {  	_ =	shalt  }
0x75: {  	_ =	shalt  }
0x76: {  	_ =	shalt  }
0x77: {  	_ =	shalt  }
0x78: {  	_ =	shalt  }
0x79: {  	_ =	shalt  }
0x7a: {  	_ =	shalt  }
0x7b: {  	_ =	shalt  }
0x7c: {  	_ =	shalt  }
0x7d: {  	_ =	shalt  }
0x7e: {  	_ =	shalt  }
0x7f: {  	_ =	shalt  }
0x80: {  	_ =	shalt  }
0x81: {  	_ =	shalt  }
0x82: {  	_ =	shalt  }
0x83: {  	_ =	shalt  }
0x84: {  	_ =	shalt  }
0x85: {  	_ =	shalt  }
0x86: {  	_ =	shalt  }
0x87: {  	_ =	shalt  }
.Lfunc_end0:
.L_simem_size_0:
called_computation.2_lowered:
.L_overlay_start_0:
0x88: {  	s2 =	sld [smem:$0x3FD9]  }
0x89: {  	s3 =	sld [smem:$0x3FFE];
	_ =	sdelay $0x1  }
0x8a: {  	s1 =	srdreg.scid  }
0x8b: {  	s0 =	sand.u32 $0x1, s1  }
0x8c: {  	s17 =	sshll.u32 s0, $0xA;
	s2 =	sadd.s32 s3, s2  }
0x8d: {  	s2 =	sadd.s32 s2, s17  }
0x8e: {  	[smem:$0x3FC2] =	sst s2  }
0x8f: {  	_ = 	snop  }
0x90: {  	s2 =	sld [smem:$0x3FD0];
	(tm) =	ssettm $0x1  }
0x91: {  	s18 =	sld [smem:$0x3FFB];
	_ =	sdelay $0x3  }
0x92: {  	_ =	strace s18  }
0x93: {  	s3 =	sld [smem:$0x3FFC];
	_ =	sdelay $0x3  }
0x94: {  	_ =	strace s3  }
0x95: {  	s3 =	sld [smem:$0x3FFD];
	_ =	sdelay $0x3  }
0x96: {  	_ =	strace s3  }
0x97: {  	_ =	strace $0x8FFFFFFF  }
0x98: {  	s19 =	sld [smem:$0x3FDB];
	_ =	sdelay $0x1  }
0x99: {  	s4 =	simm.s32 $_scs_section_size  }
0x9a: {  	s5 =	simm.s32 $_size__tile_overlayer_lowered;
	s6 =	simm.s32 $_tile_overlayer_lowered  }
0x9b: {  	s22 =	simm.s32 $0x1BFF;
	s21 =	sshll.u32 s6, $0x1;
	s3 =	sadd.s32 s4, s19  }
0x9c: {  	s7 =	simm.s32 $0x0;
	s20 =	sshll.u32 s5, $0x1;
	s5 =	sadd.s32 s21, s3  }
0x9d: {  	[timem:s7], [sflag:s22] =	dma.local [hbm:s5], s20  }
0x9e: {  	_ =	swait.ge [sflag:s22], s20  }
0x9f: {  	s4 =	ssub.s32 $0x0, s20;
	[sflag:s22] =	ssyncset.done $0x0  }
0xa0: {  	[sflag:s22] =	ssyncadd.s32 s4;
	_ =	sdelay $0x1  }
0xa1: {  	s23 =	simm.s32 $0x1B8B  }
0xa2: {  	_ =	swait.ge [sflag:s23], $0x1  }
0xa3: {  	[sflag:s23] =	ssyncset.done $0x0  }
0xa4: {  	s25 =	simm.s32 $0x1B8E;
	s24 =	sld [smem:$0x3FFE];
	[sflag:s23] =	ssyncadd.s32 $0xFFFFFFFF  }
0xa5: {  	s26 =	simm.s32 $execute0_lowered;
	[smem:$0x3FD2] =	sst s25  }
0xa6: {  	s5 =	sshll.u32 s26, $0x1;
	_ =	strace $0x8000004C;
	[dreg:$0x1] =	wrdreg $0xFFFFFFFF  }
0xa7: {  	s28 =	simm.s32 $_size_execute0_lowered;
	s3 =	sadd.s32 s3, s5;
	[dreg:$0x0] =	wrdreg $0x0  }
0xa8: {  	s5 =	sshll.u32 s28, $0x1;
	[dreg:$0x2] =	wrdreg s3  }
0xa9: {  	[dreg:$0x3] =	wrdreg s5  }
0xaa: {  	[dreg:$0x4] =	wrdreg $0xC0  }
0xab: {  	_ =	task [dreg:s7], $0x5FFFF  }
0xac: {  	[dreg:$0x1] =	wrdreg $0xFFFFFFFF  }
0xad: {  	[dreg:$0x0] =	wrdreg $0x60  }
0xae: {  	[dreg:$0x2] =	wrdreg s24  }
0xaf: {  	[dreg:$0x3] =	wrdreg s2  }
0xb0: {  	[dreg:$0x4] =	wrdreg $0x0  }
0xb1: {  	[dreg:$0x5] =	wrdreg $0x9  }
0xb2: {  	_ =	task.clear_ibuf [dreg:s7], $0x6FFFF;
	_ =	strace $0x9000004C  }
0xb3: {  	s29 =	simm.s32 $0x9;
	_ =	strace $0x8000004E  }
0xb4: {  	_ =	swait.ge [sflag:s29], $0x1  }
0xb5: {  	[sflag:s29] =	ssyncadd.s32 $0xFFFFFFFF  }
0xb6: {  	_ =	strace $0x9000004E  }
0xb7: {  	_ =	sfence  }
0xb8: {  	s30 =	sld [smem:$0x0];
	_ =	sdelay $0x2  }
0xb9: {  	s31 =	sshll.u32 s1, $0xD;
	s1 =	sshrl.u32 s1, $0x2  }
0xba: {  	s3 =	sand.u32 $0x4000, s31;
	s1 =	sadd.s32 s1, s30  }
0xbb: {  	s0 =	sor.u32 s3, s0;
	s1 =	sshll.u32 s1, $0x11  }
0xbc: {  	s0 =	sor.u32 s1, s0  }
0xbd: {  	s0 =	sadd.s32 $0x8F2B, s0  }
0xbe: {  	[sflag:s0] =	ssyncadd.remote.s32 $0x1  }
0xbf: {  	_ =	sfence.sel $0xFFFF  }
0xc0: {  	[dreg:$0x0] =	wrdreg $0xFFFFFFFF;
	(pc) =	sbr.abs _section_cstart, $3  }
0xc1: {  	[dreg:$0x1] =	wrdreg $0xFFFFFFFF  }
0xc2: {  	_ =	task.clear_ibuf [dreg:s7], $0x2FFFF;
	_ =	strace $0x9FFFFFFF  }
0xc3: {  	(tm) =	ssettm $0x7FFFFFFF  }
tec
execute0_lowered:
.L_overlay_start_1:
0x0: {  	(tag) =	ssettag $0x1  }
0x1: {  	s5 =	rddreg [dreg:$0x0]  }
0x2: {  	s1 =	rddreg [dreg:$0x1]  }
0x3: {  	s2 =	rddreg [dreg:$0x2]  }
0x4: {  	s4 =	simm.s32 $0x0;
	s3 =	srdreg.scid;
	s0 =	stileid.u32  }
0x5: {  	s16 =	simm.s32 $0x16800;
	s17 =	simm.s32 $0x3;
	s18 =	simm.s32 $0x14000  }
0x6: {  	s19 =	simm.s32 $0x15400;
	s20 =	simm.s32 $0x80;
	s21 =	simm.s32 $0x1A800  }
0x7: {  	s22 =	simm.s32 $0x1;
	s23 =	simm.s32 $0x2;
	s28 =	simm.s32 $0x0  }
0x8: {  	[smem:$0x7FF] =	sst s4;
	s6 =	sand.u32 $0x1, s3;
	s8 =	smul.u32 $0x2800, s0  }
0x9: {  	s10 =	sadd.s32 $0xC600, s5;
	s11 =	smul.u32 $0x50000, s0;
	s25 =	sadd.s32 $0x2600, s5  }
0xa: {  	s7 =	smul.u32 $0x28000, s6;
	s9 =	sshll.u32 s6, $0x4;
	s6 =	ssub.s32 $0x2, s6  }
0xb: {  	_ =	strace $0x8000004D;
	s9 =	sor.u32 s0, s9;
	s26 =	sshrl.u32 s6, $0x1  }
0xc: {  	s29 =	sshrl.u32 s11, $0x2;
	s7 =	sadd.s32 s8, s7;
	s24 =	smul.u32 $0x2800, s9  }
0xd: {  	s13 =	ssub.s32 s6, s26;
	s26 =	simm.s32 $0x16780;
	s12 =	sadd.s32 s7, s5  }
0xe: {  	s5 =	sadd.s32 s29, s2;
	s11 =	smax.u32 s13, $0x1;
	s30 =	sshrl.u32 s24, $0x3  }
0xf: {  	s13 =	sadd.s32 $0x8000, s5;
	s14 =	sadd.s32 $0xC000, s5;
	s15 =	sadd.s32 $0x10000, s5  }
0x10: {  	s24 =	simm.s32 $0x15380;
	s6 =	sadd.s32 s10, s30;
	s31 =	sadd.s32 $0x280, s30  }
0x11: {  	s7 =	sadd.s32 s25, s30;
	s8 =	sadd.s32 s10, s31;
	s9 =	sadd.s32 s25, s31  }
0x12: {  	v0 =	vimm.f32 $0.0e+00;
	s10 =	sadd.s32 $0x16600, s12;
	s12 =	sadd.s32 $0x4000, s5;
	s25 =	simm.s32 $0x16700  }
.LBB2_1:
0x13: {  	s29 =	sand.u32 $0xFE00, s4  }
0x14: {  	s30 =	sand.u32 $0x70, s4;
	s31 =	sshrl.u32 s29, $0x2  }
0x15: {  	s29 =	simm.s32 $0x40;
	s31 =	sor.u32 s30, s31;
	s30 =	simm.s32 $0x0  }
.LBB2_2:
0x16: {  	p0 =	sne.s32 s29, $0xFFC0  }
0x17: {  	[tilespmem:s31+$0x16800] =	vst v0;
	s30 =	sadd.s32 $0x10, s30;
	s31 =	smov.u32 s29;
	s29 =	sadd.s32 $0x40, s29  }
.Ltmp0:
0x18: {  	(pc) =	sbr.rel @p0 .LBB2_2-.Ltmp0, $4  }
0x19: {  	_ = 	snop  }
0x1a: {  	s31 =	sand.u32 $0xFE00, s31  }
0x1b: {  	s0 =	sand.u32 $0x70, s30;
	s31 =	sshrl.u32 s31, $0x2  }
0x1c: {  	s31 =	sor.u32 s0, s31  }
0x1d: {  	[tilespmem:s31+$0x16800] =	vst v0  }
0x1e: {  	[spmem:s5] =	stream.linear.scatter [tilespmem:s16], [sflag:$0x3], $0x4000, $0x38;
	[tilespmem:$0x1E800] =	vst v63  }
0x1f: {  	_ =	swait.ge [sflag:s17], $0x4000  }
0x20: {  	[sflag:s17] =	ssyncset.done $0x0  }
0x21: {  	[sflag:s17] =	ssyncadd.s32 $0xFFFFC000  }
0x22: {  	[spmem:s12] =	stream.linear.scatter [tilespmem:s16], [sflag:$0x3], $0x4000, $0x38;
	[tilespmem:$0x1E800] =	vst v63  }
0x23: {  	_ =	swait.ge [sflag:s17], $0x4000  }
0x24: {  	[sflag:s17] =	ssyncset.done $0x0  }
0x25: {  	[sflag:s17] =	ssyncadd.s32 $0xFFFFC000  }
0x26: {  	[spmem:s13] =	stream.linear.scatter [tilespmem:s16], [sflag:$0x3], $0x4000, $0x38;
	[tilespmem:$0x1E800] =	vst v63  }
0x27: {  	_ =	swait.ge [sflag:s17], $0x4000  }
0x28: {  	[sflag:s17] =	ssyncset.done $0x0  }
0x29: {  	[sflag:s17] =	ssyncadd.s32 $0xFFFFC000  }
0x2a: {  	[spmem:s14] =	stream.linear.scatter [tilespmem:s16], [sflag:$0x3], $0x4000, $0x38;
	[tilespmem:$0x1E800] =	vst v63  }
0x2b: {  	_ =	swait.ge [sflag:s17], $0x4000  }
0x2c: {  	[sflag:s17] =	ssyncset.done $0x0  }
0x2d: {  	[sflag:s17] =	ssyncadd.s32 $0xFFFFC000  }
0x2e: {  	[spmem:s15] =	stream.linear.scatter [tilespmem:s16], [sflag:$0x3], $0x4000, $0x38;
	[tilespmem:$0x1E800] =	vst v63  }
0x2f: {  	_ =	swait.ge [sflag:s17], $0x4000  }
0x30: {  	[sflag:s17] =	ssyncset.done $0x0  }
0x31: {  	[sflag:s17] =	ssyncadd.s32 $0xFFFFC000  }
0x32: {  	s0 =	simm.s32 $0x0;
	[bflag:$0x0] =	sbarrier.arrive $0xFFFF  }
0x33: {  	[tilespmem:s18], [sflag:$0x3] =	stream.linear.gather [hbm4b:s6+s0], $0x1400, $0x38;
	[tilespmem:$0x1E800] =	vst v63  }
0x34: {  	_ =	swait.ge [sflag:s17], $0x1400  }
0x35: {  	[sflag:s17] =	ssyncset.done $0x0  }
0x36: {  	[sflag:s17] =	ssyncadd.s32 $0xFFFFEC00  }
0x37: {  	[tilespmem:s19], [sflag:$0x3] =	stream.linear.gather [hbm4b:s7+s0], $0x1400, $0x38;
	[tilespmem:$0x1E800] =	vst v63  }
0x38: {  	_ =	swait.ge [sflag:s17], $0x1400  }
0x39: {  	[sflag:s17] =	ssyncset.done $0x0  }
0x3a: {  	[sflag:s17] =	ssyncadd.s32 $0xFFFFEC00  }
0x3b: {  	[tilespmem:s16], [sflag:$0x1] =	stream.indirect.gather [hbm4b:s1+s20], $0x80, s18, s20, $0xb8;
	[tilespmem:$0x1E800] =	vst v63  }
0x3c: {  	s3 =	simm.s32 $0x14080  }
0x3d: {  	[tilespmem:s21], [sflag:$0x2] =	stream.indirect.gather [hbm4b:s1+s20], $0x80, s3, s20, $0xb8;
	[tilespmem:$0x1E800] =	vst v63  }
0x3e: {  	_ =	swait.ge [sflag:s22], $0x4000  }
0x3f: {  	[sflag:s22] =	ssyncset.done $0x0  }
0x40: {  	s31 =	simm.s32 $0x15400;
	[sflag:s22] =	ssyncadd.s32 $0xFFFFC000  }
0x41: {  	[spmem:s2] =	stream.indirect.scatter.add.f32 [tilespmem:s16], [sflag:$0x3], $0x80, s31, s20, $0xb8;
	[tilespmem:$0x1E800] =	vst v63  }
0x42: {  	_ =	swait.ge [sflag:s17], $0x4000  }
0x43: {  	[sflag:s17] =	ssyncset.done $0x0  }
0x44: {  	s3 =	simm.s32 $0x14100;
	[sflag:s17] =	ssyncadd.s32 $0xFFFFC000  }
0x45: {  	[tilespmem:s16], [sflag:$0x1] =	stream.indirect.gather [hbm4b:s1+s20], $0x80, s3, s20, $0xb8;
	[tilespmem:$0x1E800] =	vst v63  }
0x46: {  	_ =	swait.ge [sflag:s23], $0x4000  }
0x47: {  	[sflag:s23] =	ssyncset.done $0x0  }
0x48: {  	s31 =	simm.s32 $0x15480;
	[sflag:s23] =	ssyncadd.s32 $0xFFFFC000  }
0x49: {  	[spmem:s2] =	stream.indirect.scatter.add.f32 [tilespmem:s21], [sflag:$0x3], $0x80, s31, s20, $0xb8;
	[tilespmem:$0x1E800] =	vst v63  }
0x4a: {  	_ =	swait.ge [sflag:s17], $0x4000  }
0x4b: {  	s30 =	simm.s32 $0x800;
	s29 =	simm.s32 $0x100;
	[sflag:s17] =	ssyncset.done $0x0  }
.LBB2_4:
0x4c: {  	s0 =	sadd.s32 $0x14080, s29  }
0x4d: {  	[sflag:s17] =	ssyncadd.s32 $0xFFFFC000;
	s31 =	smov.u32 s30;
	s3 =	sadd.s32 $0x400, s30  }
0x4e: {  	[tilespmem:s21], [sflag:$0x2] =	stream.indirect.gather [hbm4b:s1+s20], $0x80, s0, s20, $0xb8;
	[tilespmem:$0x1E800] =	vst v63  }
0x4f: {  	p0 =	sne.s32 s30, $0x4800;
	_ =	swait.ge [sflag:s22], $0x4000  }
0x50: {  	[sflag:s22] =	ssyncset.done $0x0  }
0x51: {  	s0 =	sadd.s32 $0x15400, s29;
	[sflag:s22] =	ssyncadd.s32 $0xFFFFC000  }
0x52: {  	[spmem:s2] =	stream.indirect.scatter.add.f32 [tilespmem:s16], [sflag:$0x3], $0x80, s0, s20, $0xb8;
	[tilespmem:$0x1E800] =	vst v63  }
0x53: {  	_ =	swait.ge [sflag:s17], $0x4000  }
0x54: {  	[sflag:s17] =	ssyncset.done $0x0  }
0x55: {  	s0 =	sadd.s32 $0x14100, s29;
	[sflag:s17] =	ssyncadd.s32 $0xFFFFC000  }
0x56: {  	[tilespmem:s16], [sflag:$0x1] =	stream.indirect.gather [hbm4b:s1+s20], $0x80, s0, s20, $0xb8;
	[tilespmem:$0x1E800] =	vst v63  }
0x57: {  	_ =	swait.ge [sflag:s23], $0x4000  }
.Ltmp1:
0x58: {  	[sflag:s23] =	ssyncset.done $0x0;
	(pc) =	sbr.rel @p0 .LBB2_4-.Ltmp1, $4  }
0x59: {  	s0 =	sadd.s32 $0x15480, s29;
	[sflag:s23] =	ssyncadd.s32 $0xFFFFC000  }
0x5a: {  	[spmem:s2] =	stream.indirect.scatter.add.f32 [tilespmem:s21], [sflag:$0x3], $0x80, s0, s20, $0xb8;
	[tilespmem:$0x1E800] =	vst v63  }
0x5b: {  	_ =	swait.ge [sflag:s17], $0x4000  }
0x5c: {  	s30 =	smov.u32 s3;
	s29 =	sshra.s32 s31, $0x2;
	[sflag:s17] =	ssyncset.done $0x0  }
0x5d: {  	s0 =	sadd.s32 $0x14080, s29;
	[sflag:s17] =	ssyncadd.s32 $0xFFFFC000  }
0x5e: {  	[tilespmem:s21], [sflag:$0x2] =	stream.indirect.gather [hbm4b:s1+s20], $0x80, s0, s20, $0xb8;
	[tilespmem:$0x1E800] =	vst v63  }
0x5f: {  	_ =	swait.ge [sflag:s22], $0x4000  }
0x60: {  	[sflag:s22] =	ssyncset.done $0x0  }
0x61: {  	s3 =	sadd.s32 $0x15400, s29;
	[sflag:s22] =	ssyncadd.s32 $0xFFFFC000  }
0x62: {  	[spmem:s2] =	stream.indirect.scatter.add.f32 [tilespmem:s16], [sflag:$0x3], $0x80, s3, s20, $0xb8;
	[tilespmem:$0x1E800] =	vst v63  }
0x63: {  	_ =	swait.ge [sflag:s17], $0x4000  }
0x64: {  	[sflag:s17] =	ssyncset.done $0x0  }
0x65: {  	s31 =	sadd.s32 $0x14100, s29;
	[sflag:s17] =	ssyncadd.s32 $0xFFFFC000  }
0x66: {  	[tilespmem:s16], [sflag:$0x1] =	stream.indirect.gather [hbm4b:s1+s20], $0x80, s31, s20, $0xb8;
	[tilespmem:$0x1E800] =	vst v63  }
0x67: {  	_ =	swait.ge [sflag:s23], $0x4000  }
0x68: {  	[sflag:s23] =	ssyncset.done $0x0  }
0x69: {  	s3 =	sadd.s32 $0x15480, s29;
	[sflag:s23] =	ssyncadd.s32 $0xFFFFC000  }
0x6a: {  	[spmem:s2] =	stream.indirect.scatter.add.f32 [tilespmem:s21], [sflag:$0x3], $0x80, s3, s20, $0xb8;
	[tilespmem:$0x1E800] =	vst v63  }
0x6b: {  	_ =	swait.ge [sflag:s17], $0x4000  }
0x6c: {  	[sflag:s17] =	ssyncset.done $0x0  }
0x6d: {  	[sflag:s17] =	ssyncadd.s32 $0xFFFFC000  }
0x6e: {  	[tilespmem:s21], [sflag:$0x2] =	stream.indirect.gather [hbm4b:s1+s20], $0x80, s24, s20, $0xb8;
	[tilespmem:$0x1E800] =	vst v63  }
0x6f: {  	_ =	swait.ge [sflag:s22], $0x4000  }
0x70: {  	[sflag:s22] =	ssyncset.done $0x0  }
0x71: {  	[sflag:s22] =	ssyncadd.s32 $0xFFFFC000  }
0x72: {  	[spmem:s2] =	stream.indirect.scatter.add.f32 [tilespmem:s16], [sflag:$0x3], $0x80, s25, s20, $0xb8;
	[tilespmem:$0x1E800] =	vst v63  }
0x73: {  	_ =	swait.ge [sflag:s17], $0x4000  }
0x74: {  	[sflag:s17] =	ssyncset.done $0x0  }
0x75: {  	[sflag:s17] =	ssyncadd.s32 $0xFFFFC000  }
0x76: {  	_ =	swait.ge [sflag:s23], $0x4000  }
0x77: {  	[sflag:s23] =	ssyncset.done $0x0  }
0x78: {  	[sflag:s23] =	ssyncadd.s32 $0xFFFFC000  }
0x79: {  	[spmem:s2] =	stream.indirect.scatter.add.f32 [tilespmem:s21], [sflag:$0x3], $0x80, s26, s20, $0xb8;
	[tilespmem:$0x1E800] =	vst v63  }
0x7a: {  	_ =	swait.ge [sflag:s17], $0x4000  }
0x7b: {  	[sflag:s17] =	ssyncset.done $0x0  }
0x7c: {  	s31 =	simm.s32 $0x0;
	[sflag:s17] =	ssyncadd.s32 $0xFFFFC000  }
0x7d: {  	[tilespmem:s18], [sflag:$0x3] =	stream.linear.gather [hbm4b:s8+s31], $0x1400, $0x38;
	[tilespmem:$0x1E800] =	vst v63  }
0x7e: {  	_ =	swait.ge [sflag:s17], $0x1400  }
0x7f: {  	[sflag:s17] =	ssyncset.done $0x0  }
0x80: {  	[sflag:s17] =	ssyncadd.s32 $0xFFFFEC00  }
0x81: {  	[tilespmem:s19], [sflag:$0x3] =	stream.linear.gather [hbm4b:s9+s31], $0x1400, $0x38;
	[tilespmem:$0x1E800] =	vst v63  }
0x82: {  	_ =	swait.ge [sflag:s17], $0x1400  }
0x83: {  	[sflag:s17] =	ssyncset.done $0x0  }
0x84: {  	[sflag:s17] =	ssyncadd.s32 $0xFFFFEC00  }
0x85: {  	[tilespmem:s16], [sflag:$0x1] =	stream.indirect.gather [hbm4b:s1+s20], $0x80, s18, s20, $0xb8;
	[tilespmem:$0x1E800] =	vst v63  }
0x86: {  	s3 =	simm.s32 $0x14080  }
0x87: {  	[tilespmem:s21], [sflag:$0x2] =	stream.indirect.gather [hbm4b:s1+s20], $0x80, s3, s20, $0xb8;
	[tilespmem:$0x1E800] =	vst v63  }
0x88: {  	_ =	swait.ge [sflag:s22], $0x4000  }
0x89: {  	[sflag:s22] =	ssyncset.done $0x0  }
0x8a: {  	s31 =	simm.s32 $0x15400;
	[sflag:s22] =	ssyncadd.s32 $0xFFFFC000  }
0x8b: {  	[spmem:s2] =	stream.indirect.scatter.add.f32 [tilespmem:s16], [sflag:$0x3], $0x80, s31, s20, $0xb8;
	[tilespmem:$0x1E800] =	vst v63  }
0x8c: {  	_ =	swait.ge [sflag:s17], $0x4000  }
0x8d: {  	[sflag:s17] =	ssyncset.done $0x0  }
0x8e: {  	s3 =	simm.s32 $0x14100;
	[sflag:s17] =	ssyncadd.s32 $0xFFFFC000  }
0x8f: {  	[tilespmem:s16], [sflag:$0x1] =	stream.indirect.gather [hbm4b:s1+s20], $0x80, s3, s20, $0xb8;
	[tilespmem:$0x1E800] =	vst v63  }
0x90: {  	_ =	swait.ge [sflag:s23], $0x4000  }
0x91: {  	[sflag:s23] =	ssyncset.done $0x0  }
0x92: {  	s31 =	simm.s32 $0x15480;
	[sflag:s23] =	ssyncadd.s32 $0xFFFFC000  }
0x93: {  	[spmem:s2] =	stream.indirect.scatter.add.f32 [tilespmem:s21], [sflag:$0x3], $0x80, s31, s20, $0xb8;
	[tilespmem:$0x1E800] =	vst v63  }
0x94: {  	_ =	swait.ge [sflag:s17], $0x4000  }
0x95: {  	s30 =	simm.s32 $0x800;
	s29 =	simm.s32 $0x100;
	[sflag:s17] =	ssyncset.done $0x0  }
.LBB2_6:
0x96: {  	s0 =	sadd.s32 $0x14080, s29  }
0x97: {  	[sflag:s17] =	ssyncadd.s32 $0xFFFFC000;
	s3 =	smov.u32 s30;
	s31 =	sadd.s32 $0x400, s30  }
0x98: {  	[tilespmem:s21], [sflag:$0x2] =	stream.indirect.gather [hbm4b:s1+s20], $0x80, s0, s20, $0xb8;
	[tilespmem:$0x1E800] =	vst v63  }
0x99: {  	p0 =	sne.s32 s30, $0x4800;
	_ =	swait.ge [sflag:s22], $0x4000  }
0x9a: {  	[sflag:s22] =	ssyncset.done $0x0  }
0x9b: {  	s0 =	sadd.s32 $0x15400, s29;
	[sflag:s22] =	ssyncadd.s32 $0xFFFFC000  }
0x9c: {  	[spmem:s2] =	stream.indirect.scatter.add.f32 [tilespmem:s16], [sflag:$0x3], $0x80, s0, s20, $0xb8;
	[tilespmem:$0x1E800] =	vst v63  }
0x9d: {  	_ =	swait.ge [sflag:s17], $0x4000  }
0x9e: {  	[sflag:s17] =	ssyncset.done $0x0  }
0x9f: {  	s0 =	sadd.s32 $0x14100, s29;
	[sflag:s17] =	ssyncadd.s32 $0xFFFFC000  }
0xa0: {  	[tilespmem:s16], [sflag:$0x1] =	stream.indirect.gather [hbm4b:s1+s20], $0x80, s0, s20, $0xb8;
	[tilespmem:$0x1E800] =	vst v63  }
0xa1: {  	_ =	swait.ge [sflag:s23], $0x4000  }
.Ltmp2:
0xa2: {  	[sflag:s23] =	ssyncset.done $0x0;
	(pc) =	sbr.rel @p0 .LBB2_6-.Ltmp2, $4  }
0xa3: {  	s0 =	sadd.s32 $0x15480, s29;
	[sflag:s23] =	ssyncadd.s32 $0xFFFFC000  }
0xa4: {  	[spmem:s2] =	stream.indirect.scatter.add.f32 [tilespmem:s21], [sflag:$0x3], $0x80, s0, s20, $0xb8;
	[tilespmem:$0x1E800] =	vst v63  }
0xa5: {  	_ =	swait.ge [sflag:s17], $0x4000  }
0xa6: {  	s30 =	smov.u32 s31;
	s29 =	sshra.s32 s3, $0x2;
	[sflag:s17] =	ssyncset.done $0x0  }
0xa7: {  	s0 =	sadd.s32 $0x14080, s29;
	[sflag:s17] =	ssyncadd.s32 $0xFFFFC000  }
0xa8: {  	[tilespmem:s21], [sflag:$0x2] =	stream.indirect.gather [hbm4b:s1+s20], $0x80, s0, s20, $0xb8;
	[tilespmem:$0x1E800] =	vst v63  }
0xa9: {  	_ =	swait.ge [sflag:s22], $0x4000  }
0xaa: {  	[sflag:s22] =	ssyncset.done $0x0  }
0xab: {  	s31 =	sadd.s32 $0x15400, s29;
	[sflag:s22] =	ssyncadd.s32 $0xFFFFC000  }
0xac: {  	[spmem:s2] =	stream.indirect.scatter.add.f32 [tilespmem:s16], [sflag:$0x3], $0x80, s31, s20, $0xb8;
	[tilespmem:$0x1E800] =	vst v63  }
0xad: {  	_ =	swait.ge [sflag:s17], $0x4000  }
0xae: {  	[sflag:s17] =	ssyncset.done $0x0  }
0xaf: {  	s3 =	sadd.s32 $0x14100, s29;
	[sflag:s17] =	ssyncadd.s32 $0xFFFFC000  }
0xb0: {  	[tilespmem:s16], [sflag:$0x1] =	stream.indirect.gather [hbm4b:s1+s20], $0x80, s3, s20, $0xb8;
	[tilespmem:$0x1E800] =	vst v63  }
0xb1: {  	_ =	swait.ge [sflag:s23], $0x4000  }
0xb2: {  	[sflag:s23] =	ssyncset.done $0x0  }
0xb3: {  	s30 =	sadd.s32 $0x15480, s29;
	[sflag:s23] =	ssyncadd.s32 $0xFFFFC000  }
0xb4: {  	[spmem:s2] =	stream.indirect.scatter.add.f32 [tilespmem:s21], [sflag:$0x3], $0x80, s30, s20, $0xb8;
	[tilespmem:$0x1E800] =	vst v63  }
0xb5: {  	_ =	swait.ge [sflag:s17], $0x4000  }
0xb6: {  	[sflag:s17] =	ssyncset.done $0x0  }
0xb7: {  	[sflag:s17] =	ssyncadd.s32 $0xFFFFC000  }
0xb8: {  	[tilespmem:s21], [sflag:$0x2] =	stream.indirect.gather [hbm4b:s1+s20], $0x80, s24, s20, $0xb8;
	[tilespmem:$0x1E800] =	vst v63  }
0xb9: {  	_ =	swait.ge [sflag:s22], $0x4000  }
0xba: {  	[sflag:s22] =	ssyncset.done $0x0  }
0xbb: {  	[sflag:s22] =	ssyncadd.s32 $0xFFFFC000  }
0xbc: {  	[spmem:s2] =	stream.indirect.scatter.add.f32 [tilespmem:s16], [sflag:$0x3], $0x80, s25, s20, $0xb8;
	[tilespmem:$0x1E800] =	vst v63  }
0xbd: {  	_ =	swait.ge [sflag:s17], $0x4000  }
0xbe: {  	[sflag:s17] =	ssyncset.done $0x0  }
0xbf: {  	[sflag:s17] =	ssyncadd.s32 $0xFFFFC000  }
0xc0: {  	_ =	swait.ge [sflag:s23], $0x4000  }
0xc1: {  	[sflag:s23] =	ssyncset.done $0x0  }
0xc2: {  	[sflag:s23] =	ssyncadd.s32 $0xFFFFC000  }
0xc3: {  	[spmem:s2] =	stream.indirect.scatter.add.f32 [tilespmem:s21], [sflag:$0x3], $0x80, s26, s20, $0xb8;
	[tilespmem:$0x1E800] =	vst v63  }
0xc4: {  	s31 =	stileid.u32;
	_ =	swait.ge [sflag:s17], $0x4000  }
0xc5: {  	s28 =	sadd.s32 $0x1, s28;
	s0 =	sshll.u32 s31, $0x6;
	[sflag:s17] =	ssyncset.done $0x0  }
0xc6: {  	p0 =	sne.s32 s28, s11;
	s0 =	sor.u32 $0x1C03, s0;
	[sflag:s17] =	ssyncadd.s32 $0xFFFFC000  }
.Ltmp3:
0xc7: {  	s3 =	sshrl.u32 s5, $0x3;
	[bflag:$0x0] =	sbarrier.arrive $0xFFFF;
	(pc) =	sbr.rel @p0 .LBB2_1-.Ltmp3, $4  }
0xc8: {  	[hbm:s10], [sflag:s0] =	dma.local [spmem:s3], $0x2800  }
0xc9: {  	_ =	swait.ge [sflag:s17], $0x2800  }
0xca: {  	[sflag:s17] =	ssyncset.done $0x0  }
0xcb: {  	[sflag:s17] =	ssyncadd.s32 $0xFFFFD800  }
0xcc: {  	_ =	sfence.sel $0x180000  }
0xcd: {  	[bflag:$0x0] =	sbarrier.arrive $0xFFFF  }
0xce: {  	_ =	strace $0x9000004D  }
0xcf: {  	s0 =	stileid.u32;
	[bflag:$0x2] =	sbarrier.arrive $0xFFFF  }
0xd0: {  	p0 =	sne.s32 s0, $0x0;
	s0 =	rddreg [dreg:$0x3]  }
0xd1: {  	s0 =	sadd.s32 @!p0 $0x100000, s0  }
0xd2: {  	[sflag:s0] =	ssyncadd.tile.s32 @!p0 $0x1;
	_ =	shalt  }
.Lfunc_end2:
_tile_overlayer_lowered:
.L_overlay_start_2:
0xd3: {  	(tag) =	ssettag $0x2  }
0xd4: {  	s0 =	rddreg [dreg:$0x0];
	s2 =	stileid.u32  }
0xd5: {  	s1 =	rddreg [dreg:$0x1];
	p0 =	sne.s32 s2, $0x0  }
0xd6: {  	s3 =	rddreg [dreg:$0x2];
	[bflag:$0x3] =	sbarrier.arrive $0xFFFF;
	s2 =	simm.s32 @!p0 $0x1C03  }
0xd7: {  	[timem:s3], [sflag:s2] =	dma.local @!p0 [hbm:s0], s1  }
0xd8: {  	s0 =	simm.s32 @!p0 $0x3  }
0xd9: {  	_ =	swait.ge @!p0 [sflag:s0], s1  }
0xda: {  	s1 =	ssub.s32 @!p0 $0x0, s1;
	[sflag:s0] =	ssyncset.done @!p0 $0x0  }
0xdb: {  	[sflag:s0] =	ssyncadd.s32 @!p0 s1  }
0xdc: {  	[bflag:$0x3] =	sbarrier.arrive $0xFFFF  }
0xdd: {  	_ =	shalt  }

// kernel: kernel.8.cloned.1.call-start
scs
__scs_entry_jumppad:
0x0: {  	(pc) =	sbr.rel $0x88, $3  }
0x1: {  	(tag) =	ssettag $0x0;
	lr =	simm.s32 $0x1  }
0x2: {  	[smem:$0x3F9B] =	sst lr;
	_ =	strace $0xD0000000  }
0x3: {  	_ = 	snop  }
0x4: {  	_ = 	snop  }
0x5: {  	_ = 	snop  }
0x6: {  	_ = 	snop  }
0x7: {  	_ = 	snop  }
__scs_overlays_trampoline_lowered:
0x8: {  	[smem:$0x3FAA] =	sst s0  }
0x9: {  	[smem:$0x3FAB] =	sst s1  }
0xa: {  	[smem:$0x3FAC] =	sst s2  }
0xb: {  	[smem:$0x3FAD] =	sst s3  }
0xc: {  	[smem:$0x3FAE] =	sst s4  }
0xd: {  	[smem:$0x3FAF] =	sst s5  }
0xe: {  	[smem:$0x3FB0] =	sst s6  }
0xf: {  	[smem:$0x3FB1] =	sst s7  }
0x10: {  	[smem:$0x3FB2] =	sst s8  }
0x11: {  	[smem:$0x3FB3] =	sst s9;
	s0 =	simm.s32 @!p0 $0x0  }
0x12: {  	s1 =	sld [smem:$0x3F99];
	s0 =	simm.s32 @p0 $0x1  }
0x13: {  	[smem:$0x3FB4] =	sst s0;
	s0 =	simm.s32 @!p1 $0x0  }
0x14: {  	s2 =	sld [smem:$0x3F98];
	s0 =	simm.s32 @p1 $0x1  }
0x15: {  	[smem:$0x3FB5] =	sst s0;
	s0 =	simm.s32 @!p2 $0x0  }
0x16: {  	s3 =	sld [smem:$0x3FDB];
	s0 =	simm.s32 @p2 $0x1  }
0x17: {  	s4 =	simm.s32 $0x1BF5;
	[smem:$0x3FB7] =	sst s0  }
0x18: {  	s0 =	sld [smem:$0x3F9A];
	_ =	swait.ge [sflag:s4], $0x0  }
0x19: {  	s7 =	sld [smem:$0x3F9B]  }
0x1a: {  	s8 =	sadd.s32 $0xFFFFE003, lr  }
0x1b: {  	s9 =	sadd.s32 $0xFFFFFEF7, lr;
	s5 =	simm.s32 $0xFFFFFFFF;
	p2 =	slt.u32 s8, $0xFFFFF086  }
0x1c: {  	p1 =	slt.u32 s9, $0xF7A;
	s5 =	simm.s32 @!p2 $0x0  }
0x1d: {  	s5 =	simm.s32 @p1 $0x1;
	p0 =	seq.s32 s7, s2  }
0x1e: {  	s7 =	smul.u32 @!p0 $0xF7A, s2;
	p2 =	seq.s32 @!p0 s5, $0x0  }
0x1f: {  	s9 =	smul.u32 $0xF7A, s1;
	s8 =	simm.s32 @!p0 $0x1BF5;
	p2 =	por !p2, p0  }
0x20: {  	[sflag:s8] =	ssyncset.s32 @!p0 $0xFFFFF086;
	s6 =	sadd.s32 @!p0 s3, s7;
	s7 =	simm.s32 @!p0 $0x108  }
0x21: {  	s3 =	sadd.s32 s3, s9;
	s6 =	sadd.s32 @!p0 $0x88, s6;
	s7 =	simm.s32 @p2 $0x1082  }
0x22: {  	[simem:s7], [sflag:s8] =	dma.local @!p0 [hbm:s6], $0xF7A  }
0x23: {  	s9 =	sor.u32 $0xD0000000, s2;
	s6 =	simm.s32 $0x108;
	_ =	swait.ge @!p0 [sflag:s8], $0x0  }
0x24: {  	s3 =	sadd.s32 $0x88, s3;
	s6 =	simm.s32 @!p1 $0x1082;
	[sflag:s4] =	ssyncset.s32 $0xFFFFF086  }
0x25: {  	[simem:s6], [sflag:s4] =	dma.local [hbm:s3], $0xF7A  }
0x26: {  	[smem:$0x3F9B] =	sst s1;
	(tag) =	ssettag s2;
	_ =	strace s9  }
0x27: {  	s1 =	sld [smem:$0x3FAB]  }
0x28: {  	s2 =	sld [smem:$0x3FAC]  }
0x29: {  	s4 =	sld [smem:$0x3FAE]  }
0x2a: {  	p0 =	seq.s32 s5, $0x0;
	s5 =	sld [smem:$0x3FAF]  }
0x2b: {  	s6 =	sld [smem:$0x3FB0]  }
0x2c: {  	s7 =	sld [smem:$0x3FB1]  }
0x2d: {  	s3 =	simm.s32 $0x108;
	s8 =	sld [smem:$0x3FB2]  }
0x2e: {  	s3 =	simm.s32 @!p0 $0x1082;
	s9 =	sld [smem:$0x3FB3]  }
0x2f: {  	lr =	sadd.s32 s0, s3;
	s0 =	sld [smem:$0x3FAA]  }
0x30: {  	s3 =	sld [smem:$0x3FAD]  }
0x31: {  	[smem:$0x3FB6] =	sst s10  }
0x32: {  	s10 =	sld [smem:$0x3FB4];
	_ =	sdelay $0x3  }
0x33: {  	p0 =	seq.s32 s10, $0x1;
	s10 =	sld [smem:$0x3FB6];
	_ =	sdelay $0x3  }
0x34: {  	[smem:$0x3FB6] =	sst s10  }
0x35: {  	s10 =	sld [smem:$0x3FB5];
	_ =	sdelay $0x3  }
0x36: {  	p1 =	seq.s32 s10, $0x1;
	s10 =	sld [smem:$0x3FB6];
	_ =	sdelay $0x3  }
0x37: {  	[smem:$0x3FB6] =	sst s10  }
0x38: {  	s10 =	sld [smem:$0x3FB7]  }
0x39: {  	_ = 	snop;
	(pc) =	sbr.ind lr, $3  }
0x3a: {  	_ = 	snop  }
0x3b: {  	_ = 	snop  }
0x3c: {  	p2 =	seq.s32 s10, $0x1;
	s10 =	sld [smem:$0x3FB6]  }
0x3d: {  	_ =	shalt  }
0x3e: {  	_ =	shalt  }
0x3f: {  	_ =	shalt  }
0x40: {  	_ =	shalt  }
0x41: {  	_ =	shalt  }
0x42: {  	_ =	shalt  }
0x43: {  	_ =	shalt  }
0x44: {  	_ =	shalt  }
0x45: {  	_ =	shalt  }
0x46: {  	_ =	shalt  }
0x47: {  	_ =	shalt  }
0x48: {  	_ =	shalt  }
0x49: {  	_ =	shalt  }
0x4a: {  	_ =	shalt  }
0x4b: {  	_ =	shalt  }
0x4c: {  	_ =	shalt  }
0x4d: {  	_ =	shalt  }
0x4e: {  	_ =	shalt  }
0x4f: {  	_ =	shalt  }
0x50: {  	_ =	shalt  }
0x51: {  	_ =	shalt  }
0x52: {  	_ =	shalt  }
0x53: {  	_ =	shalt  }
0x54: {  	_ =	shalt  }
0x55: {  	_ =	shalt  }
0x56: {  	_ =	shalt  }
0x57: {  	_ =	shalt  }
0x58: {  	_ =	shalt  }
0x59: {  	_ =	shalt  }
0x5a: {  	_ =	shalt  }
0x5b: {  	_ =	shalt  }
0x5c: {  	_ =	shalt  }
0x5d: {  	_ =	shalt  }
0x5e: {  	_ =	shalt  }
0x5f: {  	_ =	shalt  }
0x60: {  	_ =	shalt  }
0x61: {  	_ =	shalt  }
0x62: {  	_ =	shalt  }
0x63: {  	_ =	shalt  }
0x64: {  	_ =	shalt  }
0x65: {  	_ =	shalt  }
0x66: {  	_ =	shalt  }
0x67: {  	_ =	shalt  }
0x68: {  	_ =	shalt  }
0x69: {  	_ =	shalt  }
0x6a: {  	_ =	shalt  }
0x6b: {  	_ =	shalt  }
0x6c: {  	_ =	shalt  }
0x6d: {  	_ =	shalt  }
0x6e: {  	_ =	shalt  }
0x6f: {  	_ =	shalt  }
0x70: {  	_ =	shalt  }
0x71: {  	_ =	shalt  }
0x72: {  	_ =	shalt  }
0x73: {  	_ =	shalt  }
0x74: {  	_ =	shalt  }
0x75: {  	_ =	shalt  }
0x76: {  	_ =	shalt  }
0x77: {  	_ =	shalt  }
0x78: {  	_ =	shalt  }
0x79: {  	_ =	shalt  }
0x7a: {  	_ =	shalt  }
0x7b: {  	_ =	shalt  }
0x7c: {  	_ =	shalt  }
0x7d: {  	_ =	shalt  }
0x7e: {  	_ =	shalt  }
0x7f: {  	_ =	shalt  }
0x80: {  	_ =	shalt  }
0x81: {  	_ =	shalt  }
0x82: {  	_ =	shalt  }
0x83: {  	_ =	shalt  }
0x84: {  	_ =	shalt  }
0x85: {  	_ =	shalt  }
0x86: {  	_ =	shalt  }
0x87: {  	_ =	shalt  }
.Lfunc_end0:
.L_simem_size_0:
called_computation_lowered:
.L_overlay_start_0:
0x88: {  	s2 =	sld [smem:$0x3FD9]  }
0x89: {  	s3 =	sld [smem:$0x3FFE];
	_ =	sdelay $0x1  }
0x8a: {  	s1 =	srdreg.scid  }
0x8b: {  	s0 =	sand.u32 $0x1, s1  }
0x8c: {  	s17 =	sshll.u32 s0, $0xA;
	s2 =	sadd.s32 s3, s2  }
0x8d: {  	s2 =	sadd.s32 s2, s17  }
0x8e: {  	[smem:$0x3FC2] =	sst s2  }
0x8f: {  	_ = 	snop  }
0x90: {  	s2 =	sld [smem:$0x3FD0];
	(tm) =	ssettm $0x1  }
0x91: {  	s18 =	sld [smem:$0x3FFB];
	_ =	sdelay $0x3  }
0x92: {  	_ =	strace s18  }
0x93: {  	s3 =	sld [smem:$0x3FFC];
	_ =	sdelay $0x3  }
0x94: {  	_ =	strace s3  }
0x95: {  	s3 =	sld [smem:$0x3FFD];
	_ =	sdelay $0x3  }
0x96: {  	_ =	strace s3  }
0x97: {  	_ =	strace $0x8FFFFFFF  }
0x98: {  	s19 =	sld [smem:$0x3FDB];
	_ =	sdelay $0x1  }
0x99: {  	s4 =	simm.s32 $_scs_section_size  }
0x9a: {  	s5 =	simm.s32 $_size__tile_overlayer_lowered;
	s6 =	simm.s32 $_tile_overlayer_lowered  }
0x9b: {  	s22 =	simm.s32 $0x1BFF;
	s21 =	sshll.u32 s6, $0x1;
	s3 =	sadd.s32 s4, s19  }
0x9c: {  	s7 =	simm.s32 $0x0;
	s20 =	sshll.u32 s5, $0x1;
	s5 =	sadd.s32 s21, s3  }
0x9d: {  	[timem:s7], [sflag:s22] =	dma.local [hbm:s5], s20  }
0x9e: {  	_ =	swait.ge [sflag:s22], s20  }
0x9f: {  	s4 =	ssub.s32 $0x0, s20;
	[sflag:s22] =	ssyncset.done $0x0  }
0xa0: {  	[sflag:s22] =	ssyncadd.s32 s4;
	_ =	sdelay $0x1  }
0xa1: {  	s23 =	simm.s32 $0x1B8B  }
0xa2: {  	_ =	swait.ge [sflag:s23], $0x1  }
0xa3: {  	[sflag:s23] =	ssyncset.done $0x0  }
0xa4: {  	s25 =	simm.s32 $0x1B8E;
	s24 =	sld [smem:$0x3FFE];
	[sflag:s23] =	ssyncadd.s32 $0xFFFFFFFF  }
0xa5: {  	s26 =	simm.s32 $execute0_lowered;
	[smem:$0x3FD2] =	sst s25  }
0xa6: {  	s5 =	sshll.u32 s26, $0x1;
	_ =	strace $0x80000046;
	[dreg:$0x1] =	wrdreg $0xFFFFFFFF  }
0xa7: {  	s28 =	simm.s32 $_size_execute0_lowered;
	s3 =	sadd.s32 s3, s5;
	[dreg:$0x0] =	wrdreg $0x0  }
0xa8: {  	s5 =	sshll.u32 s28, $0x1;
	[dreg:$0x2] =	wrdreg s3  }
0xa9: {  	[dreg:$0x3] =	wrdreg s5  }
0xaa: {  	[dreg:$0x4] =	wrdreg $0xC0  }
0xab: {  	_ =	task [dreg:s7], $0x5FFFF  }
0xac: {  	[dreg:$0x1] =	wrdreg $0xFFFFFFFF  }
0xad: {  	[dreg:$0x0] =	wrdreg $0x60  }
0xae: {  	[dreg:$0x2] =	wrdreg s24  }
0xaf: {  	[dreg:$0x3] =	wrdreg s2  }
0xb0: {  	[dreg:$0x4] =	wrdreg $0x0  }
0xb1: {  	[dreg:$0x5] =	wrdreg $0x9  }
0xb2: {  	_ =	task.clear_ibuf [dreg:s7], $0x6FFFF;
	_ =	strace $0x90000046  }
0xb3: {  	s29 =	simm.s32 $0x9;
	_ =	strace $0x80000048  }
0xb4: {  	_ =	swait.ge [sflag:s29], $0x1  }
0xb5: {  	[sflag:s29] =	ssyncadd.s32 $0xFFFFFFFF  }
0xb6: {  	_ =	strace $0x90000048  }
0xb7: {  	_ =	sfence  }
0xb8: {  	s30 =	sld [smem:$0x0];
	_ =	sdelay $0x2  }
0xb9: {  	s31 =	sshll.u32 s1, $0xD;
	s1 =	sshrl.u32 s1, $0x2  }
0xba: {  	s3 =	sand.u32 $0x4000, s31;
	s1 =	sadd.s32 s1, s30  }
0xbb: {  	s0 =	sor.u32 s3, s0;
	s1 =	sshll.u32 s1, $0x11  }
0xbc: {  	s0 =	sor.u32 s1, s0  }
0xbd: {  	s0 =	sadd.s32 $0x8F2B, s0  }
0xbe: {  	[sflag:s0] =	ssyncadd.remote.s32 $0x1  }
0xbf: {  	_ =	sfence.sel $0xFFFF  }
0xc0: {  	[dreg:$0x0] =	wrdreg $0xFFFFFFFF;
	(pc) =	sbr.abs _section_cstart, $3  }
0xc1: {  	[dreg:$0x1] =	wrdreg $0xFFFFFFFF  }
0xc2: {  	_ =	task.clear_ibuf [dreg:s7], $0x2FFFF;
	_ =	strace $0x9FFFFFFF  }
0xc3: {  	(tm) =	ssettm $0x7FFFFFFF  }
tec
execute0_lowered:
.L_overlay_start_1:
0x0: {  	(tag) =	ssettag $0x1  }
0x1: {  	s5 =	rddreg [dreg:$0x0]  }
0x2: {  	s6 =	rddreg [dreg:$0x1]  }
0x3: {  	s0 =	srdreg.scid;
	s2 =	rddreg [dreg:$0x2]  }
0x4: {  	s3 =	simm.s32 $0x0;
	s10 =	simm.s32 $0x300;
	s11 =	simm.s32 $0x80  }
0x5: {  	s12 =	simm.s32 $0x280;
	s4 =	sand.u32 $0x1, s0;
	s0 =	stileid.u32  }
0x6: {  	s15 =	simm.s32 $0x0;
	[smem:$0x7FF] =	sst s3;
	s8 =	smul.u32 $0x280, s0  }
0x7: {  	s1 =	sshll.u32 s4, $0x4;
	s9 =	smul.u32 $0x2800, s4;
	s4 =	ssub.s32 $0x2, s4  }
0x8: {  	s13 =	sshll.u32 s0, $0x6;
	s1 =	sor.u32 s0, s1;
	s30 =	sshrl.u32 s4, $0x1  }
0x9: {  	s13 =	sor.u32 $0x1C01, s13;
	s7 =	smul.u32 $0x500, s1;
	s9 =	sadd.s32 s8, s9  }
0xa: {  	s1 =	rddreg [dreg:$0x3];
	_ =	strace $0x80000047;
	s31 =	sshrl.u32 s9, $0x3  }
0xb: {  	s9 =	simm.s32 $0x1;
	s5 =	sadd.s32 s7, s5;
	s7 =	ssub.s32 s4, s30  }
0xc: {  	s4 =	sadd.s32 s8, s2;
	s6 =	sadd.s32 s6, s31;
	s8 =	simm.s32 $0x2B00  }
0xd: {  	v0 =	vimm.f32 $1.000000000e+00;
	v1 =	vimm.f32 $0.0e+00;
	s5 =	sadd.s32 $0x2600, s5;
	s7 =	smax.u32 s7, $0x1;
	s14 =	sshrl.u32 s4, $0x3  }
.LBB2_1:
0xe: {  	[tilespmem:$0x280] =	vst v0  }
0xf: {  	[tilespmem:$0x290] =	vst v0  }
0x10: {  	[tilespmem:$0x2A0] =	vst v0  }
0x11: {  	[tilespmem:$0x2B0] =	vst v0  }
0x12: {  	[tilespmem:$0x2C0] =	vst v0  }
0x13: {  	[tilespmem:$0x2D0] =	vst v0  }
0x14: {  	[tilespmem:$0x2E0] =	vst v0  }
0x15: {  	[tilespmem:$0x2F0] =	vst v0  }
0x16: {  	[tilespmem:$0x2B00] =	vst v1  }
0x17: {  	[tilespmem:$0x2B10] =	vst v1  }
0x18: {  	[tilespmem:$0x2B20] =	vst v1  }
0x19: {  	[tilespmem:$0x2B30] =	vst v1  }
0x1a: {  	[tilespmem:$0x2B40] =	vst v1  }
0x1b: {  	[tilespmem:$0x2B50] =	vst v1  }
0x1c: {  	[tilespmem:$0x2B60] =	vst v1  }
0x1d: {  	[tilespmem:$0x2B70] =	vst v1  }
0x1e: {  	[tilespmem:$0x2B80] =	vst v1  }
0x1f: {  	[tilespmem:$0x2B90] =	vst v1  }
0x20: {  	[tilespmem:$0x2BA0] =	vst v1  }
0x21: {  	[tilespmem:$0x2BB0] =	vst v1  }
0x22: {  	[tilespmem:$0x2BC0] =	vst v1  }
0x23: {  	[tilespmem:$0x2BD0] =	vst v1  }
0x24: {  	[tilespmem:$0x2BE0] =	vst v1  }
0x25: {  	[tilespmem:$0x2BF0] =	vst v1  }
0x26: {  	[tilespmem:$0x2C00] =	vst v1  }
0x27: {  	[tilespmem:$0x2C10] =	vst v1  }
0x28: {  	[tilespmem:$0x2C20] =	vst v1  }
0x29: {  	[tilespmem:$0x2C30] =	vst v1  }
0x2a: {  	[tilespmem:$0x2C40] =	vst v1  }
0x2b: {  	[tilespmem:$0x2C50] =	vst v1  }
0x2c: {  	[tilespmem:$0x2C60] =	vst v1  }
0x2d: {  	[tilespmem:$0x2C70] =	vst v1  }
0x2e: {  	[tilespmem:$0x2C80] =	vst v1  }
0x2f: {  	[tilespmem:$0x2C90] =	vst v1  }
0x30: {  	[tilespmem:$0x2CA0] =	vst v1  }
0x31: {  	[tilespmem:$0x2CB0] =	vst v1  }
0x32: {  	[tilespmem:$0x2CC0] =	vst v1  }
0x33: {  	[tilespmem:$0x2CD0] =	vst v1  }
0x34: {  	[tilespmem:$0x2CE0] =	vst v1  }
0x35: {  	[tilespmem:$0x2CF0] =	vst v1  }
0x36: {  	[tilespmem:$0x2D00] =	vst v1  }
0x37: {  	[tilespmem:$0x2D10] =	vst v1  }
0x38: {  	[tilespmem:$0x2D20] =	vst v1  }
0x39: {  	[tilespmem:$0x2D30] =	vst v1  }
0x3a: {  	[tilespmem:$0x2D40] =	vst v1  }
0x3b: {  	[tilespmem:$0x2D50] =	vst v1  }
0x3c: {  	[tilespmem:$0x2D60] =	vst v1  }
0x3d: {  	[tilespmem:$0x2D70] =	vst v1  }
0x3e: {  	[spmem:s4] =	stream.linear.scatter [tilespmem:s8], [sflag:$0x1], $0x280, $0x38;
	[tilespmem:$0x2D80] =	vst v63  }
0x3f: {  	_ =	swait.ge [sflag:s9], $0x280  }
0x40: {  	[sflag:s9] =	ssyncset.done $0x0  }
0x41: {  	[sflag:s9] =	ssyncadd.s32 $0xFFFFFD80  }
0x42: {  	[tilespmem:s10], [sflag:$0x1] =	stream.linear.gather [hbm4b:s5+s3], $0x2800, $0x38;
	[tilespmem:$0x2D80] =	vst v63  }
0x43: {  	_ =	swait.ge [sflag:s9], $0x2800  }
0x44: {  	[sflag:s9] =	ssyncset.done $0x0  }
0x45: {  	[sflag:s9] =	ssyncadd.s32 $0xFFFFD800  }
0x46: {  	s16 =	simm.s32 $0x300;
	[bflag:$0x0] =	sbarrier.arrive $0xFFFF  }
0x47: {  	[spmem:s2] =	stream.indirect.scatter.add.f32 [tilespmem:s12], [sflag:$0x1], $0x1, s16, s11, $0xb8;
	[tilespmem:$0x2D80] =	vst v63  }
0x48: {  	s16 =	simm.s32 $0x200;
	_ =	swait.ge [sflag:s9], $0x80  }
.LBB2_2:
0x49: {  	s17 =	sshra.s32 s16, $0x2;
	[sflag:s9] =	ssyncset.done $0x0;
	p0 =	sne.s32 s16, $0x9E00  }
.Ltmp0:
0x4a: {  	s17 =	sadd.s32 $0x300, s17;
	[sflag:s9] =	ssyncadd.s32 $0xFFFFFF80;
	(pc) =	sbr.rel @p0 .LBB2_2-.Ltmp0, $3  }
0x4b: {  	[spmem:s2] =	stream.indirect.scatter.add.f32 [tilespmem:s12], [sflag:$0x1], $0x1, s17, s11, $0xb8;
	[tilespmem:$0x2D80] =	vst v63  }
0x4c: {  	s16 =	sadd.s32 $0x200, s16;
	_ =	sdelay $0x1  }
0x4d: {  	_ =	swait.ge [sflag:s9], $0x80  }
0x4e: {  	[sflag:s9] =	ssyncset.done $0x0;
	s15 =	sadd.s32 $0x1, s15  }
0x4f: {  	[sflag:s9] =	ssyncadd.s32 $0xFFFFFF80;
	p0 =	sne.s32 s15, s7  }
.Ltmp1:
0x50: {  	[bflag:$0x0] =	sbarrier.arrive $0xFFFF;
	(pc) =	sbr.rel @p0 .LBB2_1-.Ltmp1, $4  }
0x51: {  	[hbm:s6], [sflag:s13] =	dma.local [spmem:s14], $0x50  }
0x52: {  	_ =	swait.ge [sflag:s9], $0x50  }
0x53: {  	[sflag:s9] =	ssyncset.done $0x0  }
0x54: {  	[sflag:s9] =	ssyncadd.s32 $0xFFFFFFB0  }
0x55: {  	_ =	sfence.sel $0x180000  }
0x56: {  	[bflag:$0x0] =	sbarrier.arrive $0xFFFF  }
0x57: {  	p0 =	sne.s32 s0, $0x0;
	_ =	strace $0x90000047  }
0x58: {  	s0 =	sadd.s32 @!p0 $0x100000, s1;
	[bflag:$0x2] =	sbarrier.arrive $0xFFFF  }
0x59: {  	[sflag:s0] =	ssyncadd.tile.s32 @!p0 $0x1;
	_ =	shalt  }
.Lfunc_end2:
_tile_overlayer_lowered:
.L_overlay_start_2:
0x5a: {  	(tag) =	ssettag $0x2  }
0x5b: {  	s0 =	rddreg [dreg:$0x0];
	s2 =	stileid.u32  }
0x5c: {  	s1 =	rddreg [dreg:$0x1];
	p0 =	sne.s32 s2, $0x0  }
0x5d: {  	s3 =	rddreg [dreg:$0x2];
	[bflag:$0x3] =	sbarrier.arrive $0xFFFF;
	s2 =	simm.s32 @!p0 $0x1C01  }
0x5e: {  	[timem:s3], [sflag:s2] =	dma.local @!p0 [hbm:s0], s1  }
0x5f: {  	s0 =	simm.s32 @!p0 $0x1  }
0x60: {  	_ =	swait.ge @!p0 [sflag:s0], s1  }
0x61: {  	s1 =	ssub.s32 @!p0 $0x0, s1;
	[sflag:s0] =	ssyncset.done @!p0 $0x0  }
0x62: {  	[sflag:s0] =	ssyncadd.s32 @!p0 s1  }
0x63: {  	[bflag:$0x3] =	sbarrier.arrive $0xFFFF  }
0x64: {  	_ =	shalt  }

</sc_bundles>
